<compile_context>
chip_gen: v7x
topology: tpu7x:2x2x1
jax: 0.10.2.dev20260603
libtpu: 0.0.44.dev20260713+nightly
codegen_flags: <defaults>
</compile_context>

<pallas_src>
import functools
import math

import jax
import jax.numpy as jnp
from jax import lax
from jax.experimental import pallas as pl
from jax.experimental.pallas import tpu as pltpu
from jax.experimental.pallas import tpu_sc as plsc

HID = 128
NGAUSS = 50
CUT = 10.0
NNODES = 10000
NEDGES = 320000
NPAD = 10240
NWORK = 32
EPW = NEDGES // NWORK
CHUNK = 80
EBLK = 512
NBLK = 2000

_COEF = -0.5 / (CUT / (NGAUSS - 1)) ** 2


def _ssp(t):
    return jnp.maximum(t, 0.0) + jnp.log1p(jnp.exp(-jnp.abs(t))) - math.log(2.0)



def _tc_pre_body(h_ref, w1a_ref, w1b_ref, b1_ref, lin1_ref, a_ref, b_ref, x_ref):
    hb = h_ref[...]
    a_ref[...] = jnp.dot(hb, w1a_ref[...], preferred_element_type=jnp.float32)
    b_ref[...] = (jnp.dot(hb, w1b_ref[...], preferred_element_type=jnp.float32)
                  + b1_ref[...])
    x_ref[...] = jnp.dot(hb, lin1_ref[...], preferred_element_type=jnp.float32)


def _tc_score_body(h0_ref, d2_ref, vm_ref, w1g_ref, offs_ref, w2_ref, b2_ref,
                   ms_ref):
    d = jnp.sqrt(d2_ref[...] + 1e-12)
    g = jnp.exp(_COEF * (d - offs_ref[...]) ** 2)
    hid = jnp.maximum(
        h0_ref[...] + jnp.dot(g, w1g_ref[...], preferred_element_type=jnp.float32),
        0.0)
    s = jnp.sum(hid * w2_ref[...], axis=-1, keepdims=True) + b2_ref[...]
    ms_ref[...] = jnp.where(vm_ref[...] > 0.0, s, -1e30)


def _tc_maxsafe_body(pm_ref, m_ref):
    m = jnp.max(pm_ref[...], axis=0)
    m_ref[...] = jnp.where(m < -1e29, 0.0, m)


def _tc_sumsafe_body(pd_ref, d_ref):
    d = jnp.sum(pd_ref[...], axis=0)
    d_ref[...] = jnp.where(d > 0.0, d, 1.0)


def _tc_filter_body(d2_ref, dec_ref, mw1_ref, mb1_ref, mw2_ref, mb2_ref,
                    offs_ref, wfc_ref):
    d = jnp.sqrt(d2_ref[...] + 1e-12)
    g = jnp.exp(_COEF * (d - offs_ref[...]) ** 2)
    u = jnp.dot(g, mw1_ref[...], preferred_element_type=jnp.float32)
    f = _ssp(dec_ref[...] * u + mb1_ref[...])
    wf = jnp.dot(f, mw2_ref[...], preferred_element_type=jnp.float32) + mb2_ref[...]
    c = 0.5 * (jnp.cos(d * (math.pi / CUT)) + 1.0)
    wfc_ref[...] = wf * c


def _tc_out_body(p0_ref, p1_ref, l2w_ref, l2b_ref, lw_ref, lb_ref, out_ref):
    agg = p0_ref[...] + p1_ref[...]
    x2 = _ssp(jnp.dot(agg, l2w_ref[...], preferred_element_type=jnp.float32)
              + l2b_ref[...])
    out_ref[...] = (jnp.dot(x2, lw_ref[...], preferred_element_type=jnp.float32)
                    + lb_ref[...])



def _wid():
    return lax.axis_index("s") * 2 + lax.axis_index("c")


def _sc_gather_body(a_hbm, b_hbm, px_hbm, py_hbm, pz_hbm, rows_hbm, cols_hbm,
                    h0_hbm, d2_hbm,
                    px_v, py_v, pz_v, idxr_v, idxc_v, bufa_v, d2_v, sem):
    base = _wid() * EPW
    pltpu.sync_copy(px_hbm, px_v)
    pltpu.sync_copy(py_hbm, py_v)
    pltpu.sync_copy(pz_hbm, pz_v)

    def chunk(i, _):
        off = base + i * CHUNK
        pltpu.sync_copy(rows_hbm.at[pl.ds(off, CHUNK)], idxr_v)
        pltpu.sync_copy(cols_hbm.at[pl.ds(off, CHUNK)], idxc_v)
        pltpu.async_copy(a_hbm.at[idxr_v], bufa_v, sem).wait()
        pltpu.async_copy(b_hbm.at[idxc_v], bufa_v, sem, add=True).wait()
        pltpu.sync_copy(bufa_v, h0_hbm.at[pl.ds(off, CHUNK)])

        def vec(j, _):
            r = idxr_v[pl.ds(j * 16, 16)]
            c = idxc_v[pl.ds(j * 16, 16)]
            dx = plsc.load_gather(px_v, [r]) - plsc.load_gather(px_v, [c])
            dy = plsc.load_gather(py_v, [r]) - plsc.load_gather(py_v, [c])
            dz = plsc.load_gather(pz_v, [r]) - plsc.load_gather(pz_v, [c])
            d2_v[pl.ds(j * 16, 16)] = dx * dx + dy * dy + dz * dz
            return 0

        lax.fori_loop(0, CHUNK // 16, vec, 0)
        pltpu.sync_copy(d2_v, d2_hbm.at[pl.ds(off, CHUNK)])
        return 0

    lax.fori_loop(0, EPW // CHUNK, chunk, 0)


def _seg_combine(kbuf_v, vbuf_v, k, v, op):
    iota = lax.iota(jnp.int32, 16)
    kbuf_v[...] = k
    vbuf_v[...] = v
    for s in (1, 2, 4, 8):
        idx = jnp.maximum(iota - s, 0)
        kv = plsc.load_gather(kbuf_v, [idx])
        vv = plsc.load_gather(vbuf_v, [idx])
        take = (kv == k) & (iota >= s)
        v = jnp.where(take, op(v, vv), v)
        vbuf_v[...] = v
    kn = plsc.load_gather(kbuf_v, [jnp.minimum(iota + 1, 15)])
    leader = (kn != k) | (iota == 15)
    return v, leader


def _sc_segmax_body(ms_hbm, rows_hbm, pm_hbm,
                    ms_v, rows_v, acc_v, kbuf_v, vbuf_v):
    w = _wid()
    base = w * EPW
    pltpu.sync_copy(ms_hbm.at[pl.ds(base, EPW)], ms_v)
    pltpu.sync_copy(rows_hbm.at[pl.ds(base, EPW)], rows_v)

    def init(i, _):
        acc_v[pl.ds(i * 16, 16)] = jnp.full((16,), -1e30, jnp.float32)
        return 0

    lax.fori_loop(0, NPAD // 16, init, 0)

    def vec(j, _):
        k = rows_v[pl.ds(j * 16, 16)]
        v = ms_v[pl.ds(j * 16, 16)]
        ks, vs = plsc.sort_key_val(k, v)
        vc, leader = _seg_combine(kbuf_v, vbuf_v, ks, vs, jnp.maximum)
        cur = plsc.load_gather(acc_v, [ks], mask=leader)
        plsc.store_scatter(acc_v, [ks], jnp.maximum(cur, vc), mask=leader)
        return 0

    lax.fori_loop(0, EPW // 16, vec, 0)
    pltpu.sync_copy(acc_v, pm_hbm.at[w])


def _sc_segsum_body(ms_hbm, rows_hbm, msafe_hbm,
                    exps_hbm, pd_hbm,
                    ms_v, rows_v, glob_v, exps_v, acc_v, kbuf_v, vbuf_v):
    w = _wid()
    base = w * EPW
    pltpu.sync_copy(ms_hbm.at[pl.ds(base, EPW)], ms_v)
    pltpu.sync_copy(rows_hbm.at[pl.ds(base, EPW)], rows_v)
    pltpu.sync_copy(msafe_hbm, glob_v)

    def init(i, _):
        acc_v[pl.ds(i * 16, 16)] = jnp.zeros((16,), jnp.float32)
        return 0

    lax.fori_loop(0, NPAD // 16, init, 0)

    def vec(j, _):
        k = rows_v[pl.ds(j * 16, 16)]
        s = ms_v[pl.ds(j * 16, 16)]
        m = plsc.load_gather(glob_v, [k])
        e = jnp.exp(s - m)
        exps_v[pl.ds(j * 16, 16)] = e
        ks, es = plsc.sort_key_val(k, e)
        vc, leader = _seg_combine(kbuf_v, vbuf_v, ks, es, jnp.add)
        cur = plsc.load_gather(acc_v, [ks], mask=leader)
        plsc.store_scatter(acc_v, [ks], cur + vc, mask=leader)
        return 0

    lax.fori_loop(0, EPW // 16, vec, 0)
    pltpu.sync_copy(exps_v, exps_hbm.at[pl.ds(base, EPW)])
    pltpu.sync_copy(acc_v, pd_hbm.at[w])


def _sc_decay_body(exps_hbm, vm_hbm, rows_hbm, dsafe_hbm, dec_hbm,
                   exps_v, vm_v, rows_v, glob_v, out_v):
    w = _wid()
    base = w * EPW
    pltpu.sync_copy(exps_hbm.at[pl.ds(base, EPW)], exps_v)
    pltpu.sync_copy(vm_hbm.at[pl.ds(base, EPW)], vm_v)
    pltpu.sync_copy(rows_hbm.at[pl.ds(base, EPW)], rows_v)
    pltpu.sync_copy(dsafe_hbm, glob_v)

    def vec(j, _):
        k = rows_v[pl.ds(j * 16, 16)]
        e = exps_v[pl.ds(j * 16, 16)]
        vm = vm_v[pl.ds(j * 16, 16)]
        den = plsc.load_gather(glob_v, [k])
        out_v[pl.ds(j * 16, 16)] = jnp.where(vm > 0.0, e / den, 1.0)
        return 0

    lax.fori_loop(0, EPW // 16, vec, 0)
    pltpu.sync_copy(out_v, dec_hbm.at[pl.ds(base, EPW)])


def _sc_agg_body(wfc_hbm, x_hbm, rows_hbm, cols_hbm, out_hbm,
                 idxr_v, idxc_v, bufx_v, bufw_v, agg_sh, sem):
    cid = lax.axis_index("c")
    sid = lax.axis_index("s")
    base = cid * (NEDGES // 2) + sid * EPW

    def zrow(i, _):
        def zlane(j, _):
            bufx_v[i, pl.ds(j * 16, 16)] = jnp.zeros((16,), jnp.float32)
            return 0
        lax.fori_loop(0, 8, zlane, 0)
        return 0

    lax.fori_loop(0, CHUNK, zrow, 0)
    rbase = sid * (NNODES // 16)
    for i in range((NNODES // 16) // CHUNK):
        pltpu.sync_copy(bufx_v, agg_sh.at[pl.ds(rbase + i * CHUNK, CHUNK)])
    _zr = (NNODES // 16) % CHUNK
    if _zr:
        pltpu.sync_copy(bufx_v.at[pl.ds(0, _zr)],
                        agg_sh.at[pl.ds(rbase + (NNODES // 16) - _zr, _zr)])
    plsc.subcore_barrier()

    def chunk(i, _):
        off = base + i * CHUNK
        pltpu.sync_copy(rows_hbm.at[pl.ds(off, CHUNK)], idxr_v)
        pltpu.sync_copy(cols_hbm.at[pl.ds(off, CHUNK)], idxc_v)
        pltpu.async_copy(x_hbm.at[idxr_v], bufx_v, sem).wait()
        pltpu.sync_copy(wfc_hbm.at[pl.ds(off, CHUNK)], bufw_v)

        def row(e, _):
            def lane(j, _):
                sl = pl.ds(j * 16, 16)
                bufx_v[e, sl] = bufx_v[e, sl] * bufw_v[e, sl]
                return 0
            lax.fori_loop(0, 8, lane, 0)
            return 0

        lax.fori_loop(0, CHUNK, row, 0)
        pltpu.sync_copy(bufx_v, agg_sh.at[idxc_v], add=True)
        return 0

    lax.fori_loop(0, EPW // CHUNK, chunk, 0)
    plsc.subcore_barrier()
    pltpu.sync_copy(agg_sh.at[pl.ds(rbase, NNODES // 16)],
                    out_hbm.at[cid, pl.ds(rbase, NNODES // 16)])



_SC_MESH = dict(mesh=plsc.VectorSubcoreMesh(core_axis_name="c",
                                            subcore_axis_name="s",
                                            num_cores=2, num_subcores=16),
                compiler_params=pltpu.CompilerParams(
                    use_tc_tiling_on_sc=False,
                    needs_layout_passes=False))
_F32 = jnp.float32


def _sds(shape, dtype=_F32):
    return jax.ShapeDtypeStruct(shape, dtype)


@jax.jit
def kernel(h, pos, edge_index, virtual_edge_mask, attn_w1, attn_b1, attn_w2,
           attn_b2, mlp_w1, mlp_b1, mlp_w2, mlp_b2, lin1_w, lin2_w, lin2_b,
           lin_w, lin_b):
    E = NEDGES
    rows = edge_index[0].astype(jnp.int32)
    cols = edge_index[1].astype(jnp.int32)
    vm = virtual_edge_mask.astype(_F32)

    w1a = attn_w1[:HID]
    w1b = attn_w1[HID:2 * HID]
    w1g = jnp.zeros((128, HID), _F32).at[:NGAUSS].set(attn_w1[2 * HID:])
    offs = jnp.full((1, 128), 1e6, _F32).at[0, :NGAUSS].set(
        jnp.linspace(0.0, CUT, NGAUSS))
    mw1 = jnp.zeros((128, HID), _F32).at[:NGAUSS].set(mlp_w1)
    px, py, pz = pos[:, 0], pos[:, 1], pos[:, 2]

    a_t, b_t, x_t = pl.pallas_call(
        _tc_pre_body,
        grid=(NNODES // NBLK,),
        in_specs=[
            pl.BlockSpec((NBLK, HID), lambda i: (i, 0)),
            pl.BlockSpec((HID, HID), lambda i: (0, 0)),
            pl.BlockSpec((HID, HID), lambda i: (0, 0)),
            pl.BlockSpec((1, HID), lambda i: (0, 0)),
            pl.BlockSpec((HID, HID), lambda i: (0, 0)),
        ],
        out_specs=[pl.BlockSpec((NBLK, HID), lambda i: (i, 0))] * 3,
        out_shape=[_sds((NNODES, HID))] * 3,
    )(h, w1a, w1b, attn_b1.reshape(1, HID), lin1_w)

    h0, d2 = pl.kernel(
        _sc_gather_body,
        out_type=(_sds((E, HID)), _sds((E,))),
        scratch_types=(
            pltpu.VMEM((NNODES,), _F32), pltpu.VMEM((NNODES,), _F32),
            pltpu.VMEM((NNODES,), _F32),
            pltpu.VMEM((CHUNK,), jnp.int32), pltpu.VMEM((CHUNK,), jnp.int32),
            pltpu.VMEM((CHUNK, HID), _F32), pltpu.VMEM((CHUNK,), _F32),
            pltpu.SemaphoreType.DMA,
        ),
        **_SC_MESH,
    )(a_t, b_t, px, py, pz, rows, cols)

    d2c = d2.reshape(E, 1)
    vmc = vm.reshape(E, 1)

    ms = pl.pallas_call(
        _tc_score_body,
        grid=(E // EBLK,),
        in_specs=[
            pl.BlockSpec((EBLK, HID), lambda i: (i, 0)),
            pl.BlockSpec((EBLK, 1), lambda i: (i, 0)),
            pl.BlockSpec((EBLK, 1), lambda i: (i, 0)),
            pl.BlockSpec((128, HID), lambda i: (0, 0)),
            pl.BlockSpec((1, 128), lambda i: (0, 0)),
            pl.BlockSpec((1, HID), lambda i: (0, 0)),
            pl.BlockSpec((1, 1), lambda i: (0, 0)),
        ],
        out_specs=pl.BlockSpec((EBLK, 1), lambda i: (i, 0)),
        out_shape=_sds((E, 1)),
    )(h0, d2c, vmc, w1g, offs, attn_w2.reshape(1, HID),
      attn_b2.reshape(1, 1))

    msf = ms.reshape(E)

    pm = pl.kernel(
        _sc_segmax_body,
        out_type=_sds((NWORK, NPAD)),
        scratch_types=(
            pltpu.VMEM((EPW,), _F32), pltpu.VMEM((EPW,), jnp.int32),
            pltpu.VMEM((NPAD,), _F32),
            pltpu.VMEM((16,), jnp.int32), pltpu.VMEM((16,), _F32),
        ),
        **_SC_MESH,
    )(msf, rows)

    msafe = pl.pallas_call(
        _tc_maxsafe_body,
        in_specs=[pl.BlockSpec((NWORK, NPAD // 128, 128), lambda: (0, 0, 0))],
        out_specs=pl.BlockSpec((NPAD // 128, 128), lambda: (0, 0)),
        out_shape=_sds((NPAD // 128, 128)),
    )(pm.reshape(NWORK, NPAD // 128, 128)).reshape(NPAD)

    exps, pd = pl.kernel(
        _sc_segsum_body,
        out_type=(_sds((E,)), _sds((NWORK, NPAD))),
        scratch_types=(
            pltpu.VMEM((EPW,), _F32), pltpu.VMEM((EPW,), jnp.int32),
            pltpu.VMEM((NPAD,), _F32), pltpu.VMEM((EPW,), _F32),
            pltpu.VMEM((NPAD,), _F32),
            pltpu.VMEM((16,), jnp.int32), pltpu.VMEM((16,), _F32),
        ),
        **_SC_MESH,
    )(msf, rows, msafe)

    dsafe = pl.pallas_call(
        _tc_sumsafe_body,
        in_specs=[pl.BlockSpec((NWORK, NPAD // 128, 128), lambda: (0, 0, 0))],
        out_specs=pl.BlockSpec((NPAD // 128, 128), lambda: (0, 0)),
        out_shape=_sds((NPAD // 128, 128)),
    )(pd.reshape(NWORK, NPAD // 128, 128)).reshape(NPAD)

    dec = pl.kernel(
        _sc_decay_body,
        out_type=_sds((E,)),
        scratch_types=(
            pltpu.VMEM((EPW,), _F32), pltpu.VMEM((EPW,), _F32),
            pltpu.VMEM((EPW,), jnp.int32), pltpu.VMEM((NPAD,), _F32),
            pltpu.VMEM((EPW,), _F32),
        ),
        **_SC_MESH,
    )(exps, vm, rows, dsafe)

    wfc = pl.pallas_call(
        _tc_filter_body,
        grid=(E // EBLK,),
        in_specs=[
            pl.BlockSpec((EBLK, 1), lambda i: (i, 0)),
            pl.BlockSpec((EBLK, 1), lambda i: (i, 0)),
            pl.BlockSpec((128, HID), lambda i: (0, 0)),
            pl.BlockSpec((1, HID), lambda i: (0, 0)),
            pl.BlockSpec((HID, HID), lambda i: (0, 0)),
            pl.BlockSpec((1, HID), lambda i: (0, 0)),
            pl.BlockSpec((1, 128), lambda i: (0, 0)),
        ],
        out_specs=pl.BlockSpec((EBLK, HID), lambda i: (i, 0)),
        out_shape=_sds((E, HID)),
    )(d2c, dec.reshape(E, 1), mw1, mlp_b1.reshape(1, HID), mlp_w2,
      mlp_b2.reshape(1, HID), offs)

    parts = pl.kernel(
        _sc_agg_body,
        out_type=_sds((2, NNODES, HID)),
        scratch_types=(
            pltpu.VMEM((CHUNK,), jnp.int32), pltpu.VMEM((CHUNK,), jnp.int32),
            pltpu.VMEM((CHUNK, HID), _F32), pltpu.VMEM((CHUNK, HID), _F32),
            pltpu.VMEM_SHARED((NNODES, HID), _F32),
            pltpu.SemaphoreType.DMA,
        ),
        **_SC_MESH,
    )(wfc, x_t, rows, cols)

    h_update = pl.pallas_call(
        _tc_out_body,
        grid=(NNODES // NBLK,),
        in_specs=[
            pl.BlockSpec((NBLK, HID), lambda i: (i, 0)),
            pl.BlockSpec((NBLK, HID), lambda i: (i, 0)),
            pl.BlockSpec((HID, HID), lambda i: (0, 0)),
            pl.BlockSpec((1, HID), lambda i: (0, 0)),
            pl.BlockSpec((HID, HID), lambda i: (0, 0)),
            pl.BlockSpec((1, HID), lambda i: (0, 0)),
        ],
        out_specs=pl.BlockSpec((NBLK, HID), lambda i: (i, 0)),
        out_shape=_sds((NNODES, HID)),
    )(parts[0], parts[1], lin2_w, lin2_b.reshape(1, HID), lin_w,
      lin_b.reshape(1, HID))

    return (h_update, pos)

# --- scband reference (transcript-rebuilt; emitter-appended) ---
"""Pipeline reference for scband-sch-net-interaction-46497315946644 (READ-ONLY COPY).

The authoritative reference and input builder live on the scoring server;
editing this copy changes nothing except your own understanding.
"""

import jax, jax.numpy as jnp
import numpy as np

HIDDEN = 128
NG = 50
NF = 128
CUTOFF = 10.0
N_NODES = 10000
N_EDGES = 320000


def _lin(k, fi, fo):
    b = 1.0 / np.sqrt(fi)
    return jax.random.uniform(k, (fi, fo), jnp.float32, -b, b)


def setup_inputs(seed: int = 0):
    key = jax.random.key(seed)
    ks = jax.random.split(key, 16)
    h = jax.random.normal(ks[0], (N_NODES, HIDDEN), jnp.float32)
    pos = jax.random.normal(ks[1], (N_NODES, 3), jnp.float32) * 3.0
    src = jax.random.randint(ks[2], (N_EDGES,), 0, N_NODES)
    off = jax.random.randint(ks[3], (N_EDGES,), 1, N_NODES)
    dst = (src + off) % N_NODES  # avoid self-loops (zero-distance edges)
    edge_index = jnp.stack([src, dst]).astype(jnp.int64)
    vmask = jax.random.randint(ks[4], (N_EDGES,), 0, 2) == 1
    return {
        'h': h, 'pos': pos, 'edge_index': edge_index, 'virtual_edge_mask': vmask,
        'attn_w1': _lin(ks[5], 2 * HIDDEN + NG, HIDDEN), 'attn_b1': jnp.zeros((HIDDEN,), jnp.float32),
        'attn_w2': _lin(ks[6], HIDDEN, 1), 'attn_b2': jnp.zeros((1,), jnp.float32),
        'mlp_w1': _lin(ks[7], NG, NF), 'mlp_b1': jnp.zeros((NF,), jnp.float32),
        'mlp_w2': _lin(ks[8], NF, NF), 'mlp_b2': jnp.zeros((NF,), jnp.float32),
        'lin1_w': _lin(ks[9], HIDDEN, NF),
        'lin2_w': _lin(ks[10], NF, HIDDEN), 'lin2_b': jnp.zeros((HIDDEN,), jnp.float32),
        'lin_w': _lin(ks[11], HIDDEN, HIDDEN), 'lin_b': jnp.zeros((HIDDEN,), jnp.float32),
    }


def _ssp(t):
    return jax.nn.softplus(t) - jnp.log(2.0)


def reference(h, pos, edge_index, virtual_edge_mask, attn_w1, attn_b1, attn_w2, attn_b2,
              mlp_w1, mlp_b1, mlp_w2, mlp_b2, lin1_w, lin2_w, lin2_b, lin_w, lin_b):
    row = edge_index[0]
    col = edge_index[1]
    diff = pos[row] - pos[col]
    edge_weight = jnp.sqrt(jnp.sum(diff * diff, axis=-1) + 1e-12)
    # GaussianSmearing distance expansion
    offset = jnp.linspace(0.0, CUTOFF, NG)
    coeff = -0.5 / (offset[1] - offset[0]) ** 2
    edge_attr = jnp.exp(coeff * (edge_weight[:, None] - offset[None, :]) ** 2)
    # attention score over edges
    z = jnp.concatenate([h[row], h[col], edge_attr], axis=-1)
    hid = jnp.maximum(z @ attn_w1 + attn_b1, 0.0)
    score = (hid @ attn_w2 + attn_b2)[:, 0]
    N = h.shape[0]
    # scatter_softmax over virtual edges grouped by row
    masked = jnp.where(virtual_edge_mask, score, -1e30)
    m = jax.ops.segment_max(masked, row, num_segments=N)
    m_safe = jnp.where(m < -1e29, 0.0, m)
    exp_s = jnp.where(virtual_edge_mask, jnp.exp(score - m_safe[row]), 0.0)
    denom = jax.ops.segment_sum(exp_s, row, num_segments=N)
    denom_safe = jnp.where(denom > 0, denom, 1.0)
    full_decay = jnp.where(virtual_edge_mask, exp_s / denom_safe[row], 1.0)
    edge_attr = edge_attr * full_decay[:, None]
    # SchNet InteractionBlock (CFConv)
    Wf = _ssp(edge_attr @ mlp_w1 + mlp_b1) @ mlp_w2 + mlp_b2
    C = 0.5 * (jnp.cos(edge_weight * jnp.pi / CUTOFF) + 1.0)
    Wf = Wf * C[:, None]
    x = h @ lin1_w
    agg = jax.ops.segment_sum(x[row] * Wf, col, num_segments=N)
    x2 = _ssp(agg @ lin2_w + lin2_b)
    h_update = x2 @ lin_w + lin_b
    return (h_update, pos)

if __name__ == "__main__":
    import jax
    _d = setup_inputs()
    print(jax.jit(kernel)(*tuple(_d.values())))

</pallas_src>

<mosaic_0001>
#map = affine_map<(d0, d1) -> (0)>
#map1 = affine_map<(d0, d1) -> (0, 0)>
module attributes {stable_mosaic.version = 14 : i64} {
  func.func @_sc_segsum_body(%arg0: i32, %arg1: i32, %arg2: memref<320000xf32, #tpu.memory_space<hbm>>, %arg3: memref<320000xi32, #tpu.memory_space<hbm>>, %arg4: memref<10240xf32, #tpu.memory_space<hbm>>, %arg5: memref<320000xf32, #tpu.memory_space<hbm>>, %arg6: memref<32x10240xf32, #tpu.memory_space<hbm>>, %arg7: memref<10000xf32, #tpu.memory_space<vmem>>, %arg8: memref<10000xi32, #tpu.memory_space<vmem>>, %arg9: memref<10240xf32, #tpu.memory_space<vmem>>, %arg10: memref<10000xf32, #tpu.memory_space<vmem>>, %arg11: memref<10240xf32, #tpu.memory_space<vmem>>, %arg12: memref<16xi32, #tpu.memory_space<vmem>>, %arg13: memref<16xf32, #tpu.memory_space<vmem>>) attributes {dimension_semantics = [#tpu.dimension_semantics<core_parallel>, #tpu.dimension_semantics<subcore_parallel>], iteration_bounds = array<i64: 2, 16>, scalar_prefetch = 0 : i64, scratch_operands = 7 : i64, tpu.core_type = #tpu.core_type<sc_vector_subcore>, window_params = [{transform_indices = #map}, {transform_indices = #map}, {transform_indices = #map}, {transform_indices = #map}, {transform_indices = #map1}]} {
    %mul3A = arith.constant 2 : i32
    %mul3A_0 = arith.muli %arg1, %mul3A : i32
    %add3A = arith.addi %mul3A_0, %arg0 : i32
    %mul3A_1 = arith.constant 10000 : i32
    %mul3A_2 = arith.muli %add3A, %mul3A_1 : i32
    "tpu.region"() ({
      %run_scoped3A = tpu.sem_alloc : memref<!tpu.dma_semaphore, #tpu.memory_space<semaphore_mem>>
      %dma_start3A = tpu.memref_slice %arg2[%mul3A_2] : memref<320000xf32, #tpu.memory_space<hbm>> -> memref<10000xf32, #tpu.memory_space<hbm>>
      %dma_start3A_16 = tpu.memref_slice %arg2[%mul3A_2] : memref<320000xf32, #tpu.memory_space<hbm>> -> memref<10000xf32, #tpu.memory_space<hbm>>
      tpu.enqueue_dma source(%dma_start3A_16 : memref<10000xf32, #tpu.memory_space<hbm>>) target(%arg7 : memref<10000xf32, #tpu.memory_space<vmem>>) target_semaphore(%run_scoped3A : memref<!tpu.dma_semaphore, #tpu.memory_space<semaphore_mem>>)
      %dma_wait3A = tpu.memref_slice %arg2[%mul3A_2] : memref<320000xf32, #tpu.memory_space<hbm>> -> memref<10000xf32, #tpu.memory_space<hbm>>
      %dma_wait3A_17 = tpu.memref_slice %arg2[%mul3A_2] : memref<320000xf32, #tpu.memory_space<hbm>> -> memref<10000xf32, #tpu.memory_space<hbm>>
      tpu.wait_dma2 semaphore(%run_scoped3A : memref<!tpu.dma_semaphore, #tpu.memory_space<semaphore_mem>>) src(%dma_wait3A_17 : memref<10000xf32, #tpu.memory_space<hbm>>) dst(%arg7 : memref<10000xf32, #tpu.memory_space<vmem>>)
      tpu.yield
    }) : () -> ()
    "tpu.region"() ({
      %run_scoped3A = tpu.sem_alloc : memref<!tpu.dma_semaphore, #tpu.memory_space<semaphore_mem>>
      %dma_start3A = tpu.memref_slice %arg3[%mul3A_2] : memref<320000xi32, #tpu.memory_space<hbm>> -> memref<10000xi32, #tpu.memory_space<hbm>>
      %dma_start3A_16 = tpu.memref_slice %arg3[%mul3A_2] : memref<320000xi32, #tpu.memory_space<hbm>> -> memref<10000xi32, #tpu.memory_space<hbm>>
      tpu.enqueue_dma source(%dma_start3A_16 : memref<10000xi32, #tpu.memory_space<hbm>>) target(%arg8 : memref<10000xi32, #tpu.memory_space<vmem>>) target_semaphore(%run_scoped3A : memref<!tpu.dma_semaphore, #tpu.memory_space<semaphore_mem>>)
      %dma_wait3A = tpu.memref_slice %arg3[%mul3A_2] : memref<320000xi32, #tpu.memory_space<hbm>> -> memref<10000xi32, #tpu.memory_space<hbm>>
      %dma_wait3A_17 = tpu.memref_slice %arg3[%mul3A_2] : memref<320000xi32, #tpu.memory_space<hbm>> -> memref<10000xi32, #tpu.memory_space<hbm>>
      tpu.wait_dma2 semaphore(%run_scoped3A : memref<!tpu.dma_semaphore, #tpu.memory_space<semaphore_mem>>) src(%dma_wait3A_17 : memref<10000xi32, #tpu.memory_space<hbm>>) dst(%arg8 : memref<10000xi32, #tpu.memory_space<vmem>>)
      tpu.yield
    }) : () -> ()
    "tpu.region"() ({
      %run_scoped3A = tpu.sem_alloc : memref<!tpu.dma_semaphore, #tpu.memory_space<semaphore_mem>>
      tpu.enqueue_dma source(%arg4 : memref<10240xf32, #tpu.memory_space<hbm>>) target(%arg9 : memref<10240xf32, #tpu.memory_space<vmem>>) target_semaphore(%run_scoped3A : memref<!tpu.dma_semaphore, #tpu.memory_space<semaphore_mem>>)
      tpu.wait_dma2 semaphore(%run_scoped3A : memref<!tpu.dma_semaphore, #tpu.memory_space<semaphore_mem>>) src(%arg4 : memref<10240xf32, #tpu.memory_space<hbm>>) dst(%arg9 : memref<10240xf32, #tpu.memory_space<vmem>>)
      tpu.yield
    }) : () -> ()
    %scan3A = arith.constant 0 : i32
    %scan3A_3 = arith.constant 0 : i32
    %scan3A_4 = arith.constant 640 : i32
    %scan3A_5 = arith.addi %scan3A_3, %scan3A_4 : i32
    %scan3A_6 = arith.constant 1 : i32
    %scan3A_7 = scf.for %scan3A_16 = %scan3A_3 to %scan3A_5 step %scan3A_6 iter_args(%scan3A_17 = %scan3A) -> (i32)  : i32 {
      %broadcast_in_dim3A = arith.constant 0.000000e+00 : f32
      %broadcast_in_dim3A_18 = vector.broadcast %broadcast_in_dim3A : f32 to vector<16xf32>
      %mul3A_19 = arith.constant 16 : i32
      %mul3A_20 = arith.muli %scan3A_16, %mul3A_19 : i32
      %swap3A = arith.index_cast %mul3A_20 : i32 to index
      %swap3A_21 = tpu.vector_load %arg11[%swap3A] {strides = array<i32>} : memref<10240xf32, #tpu.memory_space<vmem>>, vector<16xf32>,
      tpu.vector_store %arg11[%swap3A], %broadcast_in_dim3A_18 {strides = array<i32>} : memref<10240xf32, #tpu.memory_space<vmem>>, vector<16xf32>,
      %scan3A_22 = arith.constant 0 : i32
      scf.yield %scan3A_22 : i32
    }
    %scan3A_8 = arith.constant 640 : i32
    %scan3A_9 = arith.constant 0 : i32
    %scan3A_10 = arith.constant 0 : i32
    %scan3A_11 = arith.constant 625 : i32
    %scan3A_12 = arith.addi %scan3A_10, %scan3A_11 : i32
    %scan3A_13 = arith.constant 1 : i32
    %scan3A_14 = scf.for %scan3A_16 = %scan3A_10 to %scan3A_12 step %scan3A_13 iter_args(%scan3A_17 = %scan3A_9) -> (i32)  : i32 {
      %mul3A_18 = arith.constant 16 : i32
      %mul3A_19 = arith.muli %scan3A_16, %mul3A_18 : i32
      %get3A = arith.index_cast %mul3A_19 : i32 to index
      %get3A_20 = tpu.vector_load %arg8[%get3A] {strides = array<i32>} : memref<10000xi32, #tpu.memory_space<vmem>>, vector<16xi32>,
      %mul3A_21 = arith.constant 16 : i32
      %mul3A_22 = arith.muli %scan3A_16, %mul3A_21 : i32
      %get3A_23 = arith.index_cast %mul3A_22 : i32 to index
      %get3A_24 = tpu.vector_load %arg7[%get3A_23] {strides = array<i32>} : memref<10000xf32, #tpu.memory_space<vmem>>, vector<16xf32>,
      %gather3A = tpu.vector_load_idx %arg9[%get3A_20] : memref<10240xf32, #tpu.memory_space<vmem>>[vector<16xi32>], vector<16xf32>,
      %sub3A = arith.subf %get3A_24, %gather3A : vector<16xf32>
      %exp3A = math.exp %sub3A : vector<16xf32>
      %mul3A_25 = arith.constant 16 : i32
      %mul3A_26 = arith.muli %scan3A_16, %mul3A_25 : i32
      %swap3A = arith.index_cast %mul3A_26 : i32 to index
      %swap3A_27 = tpu.vector_load %arg10[%swap3A] {strides = array<i32>} : memref<10000xf32, #tpu.memory_space<vmem>>, vector<16xf32>,
      tpu.vector_store %arg10[%swap3A], %exp3A {strides = array<i32>} : memref<10000xf32, #tpu.memory_space<vmem>>, vector<16xf32>,
      %masked_sort3A = arith.constant dense<true> : vector<16xi1>
      %masked_sort3A_28 = arith.constant -2147483648 : i32
      %masked_sort3A_29 = vector.broadcast %masked_sort3A_28 : i32 to vector<16xi32>
      %masked_sort3A_30 = arith.xori %get3A_20, %masked_sort3A_29 : vector<16xi32>
      %masked_sort3A_31, %masked_sort3A_32, %masked_sort3A_33 = tpu.sort %masked_sort3A_30, %exp3A masked %masked_sort3A : (vector<16xi32>, vector<16xf32>, vector<16xi1>) -> (vector<16xi1>, vector<16xi32>, vector<16xf32>)
      %masked_sort3A_34 = arith.xori %masked_sort3A_32, %masked_sort3A_29 : vector<16xi32>
      %iota3A = tpu.iota {dimensions = array<i32: 0>} : vector<16xi32>
      %swap3A_35 = arith.constant 0 : index
      %swap3A_36 = tpu.vector_load %arg12[%swap3A_35] {strides = array<i32>} : memref<16xi32, #tpu.memory_space<vmem>>, vector<16xi32>,
      tpu.vector_store %arg12[%swap3A_35], %masked_sort3A_34 {strides = array<i32>} : memref<16xi32, #tpu.memory_space<vmem>>, vector<16xi32>,
      %swap3A_37 = arith.constant 0 : index
      %swap3A_38 = tpu.vector_load %arg13[%swap3A_37] {strides = array<i32>} : memref<16xf32, #tpu.memory_space<vmem>>, vector<16xf32>,
      tpu.vector_store %arg13[%swap3A_37], %masked_sort3A_33 {strides = array<i32>} : memref<16xf32, #tpu.memory_space<vmem>>, vector<16xf32>,
      %sub3A_39 = arith.constant 1 : i32
      %sub3A_40 = vector.broadcast %sub3A_39 : i32 to vector<16xi32>
      %sub3A_41 = arith.subi %iota3A, %sub3A_40 : vector<16xi32>
      %max3A = arith.constant 0 : i32
      %max3A_42 = vector.broadcast %max3A : i32 to vector<16xi32>
      %max3A_43 = arith.maxsi %sub3A_41, %max3A_42 : vector<16xi32>
      %gather3A_44 = tpu.vector_load_idx %arg12[%max3A_43] : memref<16xi32, #tpu.memory_space<vmem>>[vector<16xi32>], vector<16xi32>,
      %gather3A_45 = tpu.vector_load_idx %arg13[%max3A_43] : memref<16xf32, #tpu.memory_space<vmem>>[vector<16xi32>], vector<16xf32>,
      %eq3A = arith.cmpi eq, %gather3A_44, %masked_sort3A_34 : vector<16xi32>
      %ge3A = arith.constant 1 : i32
      %ge3A_46 = vector.broadcast %ge3A : i32 to vector<16xi32>
      %ge3A_47 = arith.cmpi sge, %iota3A, %ge3A_46 : vector<16xi32>
      %and3A = arith.andi %eq3A, %ge3A_47 : vector<16xi1>
      %add3A_48 = arith.addf %masked_sort3A_33, %gather3A_45 : vector<16xf32>
      %select_n3A = arith.select %and3A, %add3A_48, %masked_sort3A_33 : vector<16xi1>, vector<16xf32>
      %swap3A_49 = arith.constant 0 : index
      %swap3A_50 = tpu.vector_load %arg13[%swap3A_49] {strides = array<i32>} : memref<16xf32, #tpu.memory_space<vmem>>, vector<16xf32>,
      tpu.vector_store %arg13[%swap3A_49], %select_n3A {strides = array<i32>} : memref<16xf32, #tpu.memory_space<vmem>>, vector<16xf32>,
      %sub3A_51 = arith.constant 2 : i32
      %sub3A_52 = vector.broadcast %sub3A_51 : i32 to vector<16xi32>
      %sub3A_53 = arith.subi %iota3A, %sub3A_52 : vector<16xi32>
      %max3A_54 = arith.constant 0 : i32
      %max3A_55 = vector.broadcast %max3A_54 : i32 to vector<16xi32>
      %max3A_56 = arith.maxsi %sub3A_53, %max3A_55 : vector<16xi32>
      %gather3A_57 = tpu.vector_load_idx %arg12[%max3A_56] : memref<16xi32, #tpu.memory_space<vmem>>[vector<16xi32>], vector<16xi32>,
      %gather3A_58 = tpu.vector_load_idx %arg13[%max3A_56] : memref<16xf32, #tpu.memory_space<vmem>>[vector<16xi32>], vector<16xf32>,
      %eq3A_59 = arith.cmpi eq, %gather3A_57, %masked_sort3A_34 : vector<16xi32>
      %ge3A_60 = arith.constant 2 : i32
      %ge3A_61 = vector.broadcast %ge3A_60 : i32 to vector<16xi32>
      %ge3A_62 = arith.cmpi sge, %iota3A, %ge3A_61 : vector<16xi32>
      %and3A_63 = arith.andi %eq3A_59, %ge3A_62 : vector<16xi1>
      %add3A_64 = arith.addf %select_n3A, %gather3A_58 : vector<16xf32>
      %select_n3A_65 = arith.select %and3A_63, %add3A_64, %select_n3A : vector<16xi1>, vector<16xf32>
      %swap3A_66 = arith.constant 0 : index
      %swap3A_67 = tpu.vector_load %arg13[%swap3A_66] {strides = array<i32>} : memref<16xf32, #tpu.memory_space<vmem>>, vector<16xf32>,
      tpu.vector_store %arg13[%swap3A_66], %select_n3A_65 {strides = array<i32>} : memref<16xf32, #tpu.memory_space<vmem>>, vector<16xf32>,
      %sub3A_68 = arith.constant 4 : i32
      %sub3A_69 = vector.broadcast %sub3A_68 : i32 to vector<16xi32>
      %sub3A_70 = arith.subi %iota3A, %sub3A_69 : vector<16xi32>
      %max3A_71 = arith.constant 0 : i32
      %max3A_72 = vector.broadcast %max3A_71 : i32 to vector<16xi32>
      %max3A_73 = arith.maxsi %sub3A_70, %max3A_72 : vector<16xi32>
      %gather3A_74 = tpu.vector_load_idx %arg12[%max3A_73] : memref<16xi32, #tpu.memory_space<vmem>>[vector<16xi32>], vector<16xi32>,
      %gather3A_75 = tpu.vector_load_idx %arg13[%max3A_73] : memref<16xf32, #tpu.memory_space<vmem>>[vector<16xi32>], vector<16xf32>,
      %eq3A_76 = arith.cmpi eq, %gather3A_74, %masked_sort3A_34 : vector<16xi32>
      %ge3A_77 = arith.constant 4 : i32
      %ge3A_78 = vector.broadcast %ge3A_77 : i32 to vector<16xi32>
      %ge3A_79 = arith.cmpi sge, %iota3A, %ge3A_78 : vector<16xi32>
      %and3A_80 = arith.andi %eq3A_76, %ge3A_79 : vector<16xi1>
      %add3A_81 = arith.addf %select_n3A_65, %gather3A_75 : vector<16xf32>
      %select_n3A_82 = arith.select %and3A_80, %add3A_81, %select_n3A_65 : vector<16xi1>, vector<16xf32>
      %swap3A_83 = arith.constant 0 : index
      %swap3A_84 = tpu.vector_load %arg13[%swap3A_83] {strides = array<i32>} : memref<16xf32, #tpu.memory_space<vmem>>, vector<16xf32>,
      tpu.vector_store %arg13[%swap3A_83], %select_n3A_82 {strides = array<i32>} : memref<16xf32, #tpu.memory_space<vmem>>, vector<16xf32>,
      %sub3A_85 = arith.constant 8 : i32
      %sub3A_86 = vector.broadcast %sub3A_85 : i32 to vector<16xi32>
      %sub3A_87 = arith.subi %iota3A, %sub3A_86 : vector<16xi32>
      %max3A_88 = arith.constant 0 : i32
      %max3A_89 = vector.broadcast %max3A_88 : i32 to vector<16xi32>
      %max3A_90 = arith.maxsi %sub3A_87, %max3A_89 : vector<16xi32>
      %gather3A_91 = tpu.vector_load_idx %arg12[%max3A_90] : memref<16xi32, #tpu.memory_space<vmem>>[vector<16xi32>], vector<16xi32>,
      %gather3A_92 = tpu.vector_load_idx %arg13[%max3A_90] : memref<16xf32, #tpu.memory_space<vmem>>[vector<16xi32>], vector<16xf32>,
      %eq3A_93 = arith.cmpi eq, %gather3A_91, %masked_sort3A_34 : vector<16xi32>
      %ge3A_94 = arith.constant 8 : i32
      %ge3A_95 = vector.broadcast %ge3A_94 : i32 to vector<16xi32>
      %ge3A_96 = arith.cmpi sge, %iota3A, %ge3A_95 : vector<16xi32>
      %and3A_97 = arith.andi %eq3A_93, %ge3A_96 : vector<16xi1>
      %add3A_98 = arith.addf %select_n3A_82, %gather3A_92 : vector<16xf32>
      %select_n3A_99 = arith.select %and3A_97, %add3A_98, %select_n3A_82 : vector<16xi1>, vector<16xf32>
      %swap3A_100 = arith.constant 0 : index
      %swap3A_101 = tpu.vector_load %arg13[%swap3A_100] {strides = array<i32>} : memref<16xf32, #tpu.memory_space<vmem>>, vector<16xf32>,
      tpu.vector_store %arg13[%swap3A_100], %select_n3A_99 {strides = array<i32>} : memref<16xf32, #tpu.memory_space<vmem>>, vector<16xf32>,
      %add3A_102 = arith.constant 1 : i32
      %add3A_103 = vector.broadcast %add3A_102 : i32 to vector<16xi32>
      %add3A_104 = arith.addi %iota3A, %add3A_103 : vector<16xi32>
      %min3A = arith.constant 15 : i32
      %min3A_105 = vector.broadcast %min3A : i32 to vector<16xi32>
      %min3A_106 = arith.minsi %add3A_104, %min3A_105 : vector<16xi32>
      %gather3A_107 = tpu.vector_load_idx %arg12[%min3A_106] : memref<16xi32, #tpu.memory_space<vmem>>[vector<16xi32>], vector<16xi32>,
      %ne3A = arith.cmpi ne, %gather3A_107, %masked_sort3A_34 : vector<16xi32>
      %eq3A_108 = arith.constant 15 : i32
      %eq3A_109 = vector.broadcast %eq3A_108 : i32 to vector<16xi32>
      %eq3A_110 = arith.cmpi eq, %iota3A, %eq3A_109 : vector<16xi32>
      %or3A = arith.ori %ne3A, %eq3A_110 : vector<16xi1>
      %gather3A_111 = tpu.vector_load_idx %arg11[%masked_sort3A_34] masked %or3A : memref<10240xf32, #tpu.memory_space<vmem>>[vector<16xi32>], vector<16xf32>, vector<16xi1>
      %add3A_112 = arith.addf %gather3A_111, %select_n3A_99 : vector<16xf32>
      tpu.vector_store_idx %arg11[%masked_sort3A_34], %add3A_112 masked %or3A : memref<10240xf32, #tpu.memory_space<vmem>>[vector<16xi32>], vector<16xf32>, vector<16xi1>
      %scan3A_113 = arith.constant 0 : i32
      scf.yield %scan3A_113 : i32
    }
    %scan3A_15 = arith.constant 625 : i32
    "tpu.region"() ({
      %run_scoped3A = tpu.sem_alloc : memref<!tpu.dma_semaphore, #tpu.memory_space<semaphore_mem>>
      %dma_start3A = tpu.memref_slice %arg5[%mul3A_2] : memref<320000xf32, #tpu.memory_space<hbm>> -> memref<10000xf32, #tpu.memory_space<hbm>>
      %dma_start3A_16 = tpu.memref_slice %arg5[%mul3A_2] : memref<320000xf32, #tpu.memory_space<hbm>> -> memref<10000xf32, #tpu.memory_space<hbm>>
      tpu.enqueue_dma source(%arg10 : memref<10000xf32, #tpu.memory_space<vmem>>) target(%dma_start3A_16 : memref<10000xf32, #tpu.memory_space<hbm>>) target_semaphore(%run_scoped3A : memref<!tpu.dma_semaphore, #tpu.memory_space<semaphore_mem>>)
      %dma_wait3A = tpu.memref_slice %arg5[%mul3A_2] : memref<320000xf32, #tpu.memory_space<hbm>> -> memref<10000xf32, #tpu.memory_space<hbm>>
      %dma_wait3A_17 = tpu.memref_slice %arg5[%mul3A_2] : memref<320000xf32, #tpu.memory_space<hbm>> -> memref<10000xf32, #tpu.memory_space<hbm>>
      tpu.wait_dma2 semaphore(%run_scoped3A : memref<!tpu.dma_semaphore, #tpu.memory_space<semaphore_mem>>) src(%arg10 : memref<10000xf32, #tpu.memory_space<vmem>>) dst(%dma_wait3A_17 : memref<10000xf32, #tpu.memory_space<hbm>>)
      tpu.yield
    }) : () -> ()
    "tpu.region"() ({
      %run_scoped3A = tpu.sem_alloc : memref<!tpu.dma_semaphore, #tpu.memory_space<semaphore_mem>>
      %dma_start3A = arith.constant 0 : i32
      %dma_start3A_16 = tpu.memref_slice %arg6[%add3A, %dma_start3A] : memref<32x10240xf32, #tpu.memory_space<hbm>> -> memref<1x10240xf32, #tpu.memory_space<hbm>>
      %dma_start3A_17 = tpu.memref_squeeze %dma_start3A_16 : memref<1x10240xf32, #tpu.memory_space<hbm>> -> memref<10240xf32, #tpu.memory_space<hbm>>
      %dma_start3A_18 = arith.constant 0 : i32
      %dma_start3A_19 = tpu.memref_slice %arg6[%add3A, %dma_start3A_18] : memref<32x10240xf32, #tpu.memory_space<hbm>> -> memref<1x10240xf32, #tpu.memory_space<hbm>>
      %dma_start3A_20 = tpu.memref_squeeze %dma_start3A_19 : memref<1x10240xf32, #tpu.memory_space<hbm>> -> memref<10240xf32, #tpu.memory_space<hbm>>
      tpu.enqueue_dma source(%arg11 : memref<10240xf32, #tpu.memory_space<vmem>>) target(%dma_start3A_20 : memref<10240xf32, #tpu.memory_space<hbm>>) target_semaphore(%run_scoped3A : memref<!tpu.dma_semaphore, #tpu.memory_space<semaphore_mem>>)
      %dma_wait3A = arith.constant 0 : i32
      %dma_wait3A_21 = tpu.memref_slice %arg6[%add3A, %dma_wait3A] : memref<32x10240xf32, #tpu.memory_space<hbm>> -> memref<1x10240xf32, #tpu.memory_space<hbm>>
      %dma_wait3A_22 = tpu.memref_squeeze %dma_wait3A_21 : memref<1x10240xf32, #tpu.memory_space<hbm>> -> memref<10240xf32, #tpu.memory_space<hbm>>
      %dma_wait3A_23 = arith.constant 0 : i32
      %dma_wait3A_24 = tpu.memref_slice %arg6[%add3A, %dma_wait3A_23] : memref<32x10240xf32, #tpu.memory_space<hbm>> -> memref<1x10240xf32, #tpu.memory_space<hbm>>
      %dma_wait3A_25 = tpu.memref_squeeze %dma_wait3A_24 : memref<1x10240xf32, #tpu.memory_space<hbm>> -> memref<10240xf32, #tpu.memory_space<hbm>>
      tpu.wait_dma2 semaphore(%run_scoped3A : memref<!tpu.dma_semaphore, #tpu.memory_space<semaphore_mem>>) src(%arg11 : memref<10240xf32, #tpu.memory_space<vmem>>) dst(%dma_wait3A_25 : memref<10240xf32, #tpu.memory_space<hbm>>)
      tpu.yield
    }) : () -> ()
    return
  }
}

#map = affine_map<(d0, d1) -> (0, 0)>
#map1 = affine_map<(d0, d1) -> (0)>
module attributes {stable_mosaic.version = 14 : i64} {
  func.func @_sc_gather_body(%arg0: i32, %arg1: i32, %arg2: memref<10000x128xf32, #tpu.memory_space<hbm>>, %arg3: memref<10000x128xf32, #tpu.memory_space<hbm>>, %arg4: memref<10000xf32, #tpu.memory_space<hbm>>, %arg5: memref<10000xf32, #tpu.memory_space<hbm>>, %arg6: memref<10000xf32, #tpu.memory_space<hbm>>, %arg7: memref<320000xi32, #tpu.memory_space<hbm>>, %arg8: memref<320000xi32, #tpu.memory_space<hbm>>, %arg9: memref<320000x128xf32, #tpu.memory_space<hbm>>, %arg10: memref<320000xf32, #tpu.memory_space<hbm>>, %arg11: memref<10000xf32, #tpu.memory_space<vmem>>, %arg12: memref<10000xf32, #tpu.memory_space<vmem>>, %arg13: memref<10000xf32, #tpu.memory_space<vmem>>, %arg14: memref<80xi32, #tpu.memory_space<vmem>>, %arg15: memref<80xi32, #tpu.memory_space<vmem>>, %arg16: memref<80x128xf32, #tpu.memory_space<vmem>>, %arg17: memref<80xf32, #tpu.memory_space<vmem>>, %arg18: memref<!tpu.dma_semaphore, #tpu.memory_space<semaphore_mem>>) attributes {dimension_semantics = [#tpu.dimension_semantics<core_parallel>, #tpu.dimension_semantics<subcore_parallel>], iteration_bounds = array<i64: 2, 16>, scalar_prefetch = 0 : i64, scratch_operands = 8 : i64, tpu.core_type = #tpu.core_type<sc_vector_subcore>, window_params = [{transform_indices = #map}, {transform_indices = #map}, {transform_indices = #map1}, {transform_indices = #map1}, {transform_indices = #map1}, {transform_indices = #map1}, {transform_indices = #map1}, {transform_indices = #map}, {transform_indices = #map1}]} {
    %mul3A = arith.constant 2 : i32
    %mul3A_0 = arith.muli %arg1, %mul3A : i32
    %add3A = arith.addi %mul3A_0, %arg0 : i32
    %mul3A_1 = arith.constant 10000 : i32
    %mul3A_2 = arith.muli %add3A, %mul3A_1 : i32
    "tpu.region"() ({
      %run_scoped3A = tpu.sem_alloc : memref<!tpu.dma_semaphore, #tpu.memory_space<semaphore_mem>>
      tpu.enqueue_dma source(%arg4 : memref<10000xf32, #tpu.memory_space<hbm>>) target(%arg11 : memref<10000xf32, #tpu.memory_space<vmem>>) target_semaphore(%run_scoped3A : memref<!tpu.dma_semaphore, #tpu.memory_space<semaphore_mem>>)
      tpu.wait_dma2 semaphore(%run_scoped3A : memref<!tpu.dma_semaphore, #tpu.memory_space<semaphore_mem>>) src(%arg4 : memref<10000xf32, #tpu.memory_space<hbm>>) dst(%arg11 : memref<10000xf32, #tpu.memory_space<vmem>>)
      tpu.yield
    }) : () -> ()
    "tpu.region"() ({
      %run_scoped3A = tpu.sem_alloc : memref<!tpu.dma_semaphore, #tpu.memory_space<semaphore_mem>>
      tpu.enqueue_dma source(%arg5 : memref<10000xf32, #tpu.memory_space<hbm>>) target(%arg12 : memref<10000xf32, #tpu.memory_space<vmem>>) target_semaphore(%run_scoped3A : memref<!tpu.dma_semaphore, #tpu.memory_space<semaphore_mem>>)
      tpu.wait_dma2 semaphore(%run_scoped3A : memref<!tpu.dma_semaphore, #tpu.memory_space<semaphore_mem>>) src(%arg5 : memref<10000xf32, #tpu.memory_space<hbm>>) dst(%arg12 : memref<10000xf32, #tpu.memory_space<vmem>>)
      tpu.yield
    }) : () -> ()
    "tpu.region"() ({
      %run_scoped3A = tpu.sem_alloc : memref<!tpu.dma_semaphore, #tpu.memory_space<semaphore_mem>>
      tpu.enqueue_dma source(%arg6 : memref<10000xf32, #tpu.memory_space<hbm>>) target(%arg13 : memref<10000xf32, #tpu.memory_space<vmem>>) target_semaphore(%run_scoped3A : memref<!tpu.dma_semaphore, #tpu.memory_space<semaphore_mem>>)
      tpu.wait_dma2 semaphore(%run_scoped3A : memref<!tpu.dma_semaphore, #tpu.memory_space<semaphore_mem>>) src(%arg6 : memref<10000xf32, #tpu.memory_space<hbm>>) dst(%arg13 : memref<10000xf32, #tpu.memory_space<vmem>>)
      tpu.yield
    }) : () -> ()
    %scan3A = arith.constant 0 : i32
    %scan3A_3 = arith.constant 0 : i32
    %scan3A_4 = arith.constant 125 : i32
    %scan3A_5 = arith.addi %scan3A_3, %scan3A_4 : i32
    %scan3A_6 = arith.constant 1 : i32
    %scan3A_7 = scf.for %scan3A_9 = %scan3A_3 to %scan3A_5 step %scan3A_6 iter_args(%scan3A_10 = %scan3A) -> (i32)  : i32 {
      %mul3A_11 = arith.constant 80 : i32
      %mul3A_12 = arith.muli %scan3A_9, %mul3A_11 : i32
      %add3A_13 = arith.addi %mul3A_2, %mul3A_12 : i32
      "tpu.region"() ({
        %run_scoped3A = tpu.sem_alloc : memref<!tpu.dma_semaphore, #tpu.memory_space<semaphore_mem>>
        %dma_start3A_32 = tpu.memref_slice %arg7[%add3A_13] : memref<320000xi32, #tpu.memory_space<hbm>> -> memref<80xi32, #tpu.memory_space<hbm>>
        %dma_start3A_33 = tpu.memref_slice %arg7[%add3A_13] : memref<320000xi32, #tpu.memory_space<hbm>> -> memref<80xi32, #tpu.memory_space<hbm>>
        tpu.enqueue_dma source(%dma_start3A_33 : memref<80xi32, #tpu.memory_space<hbm>>) target(%arg14 : memref<80xi32, #tpu.memory_space<vmem>>) target_semaphore(%run_scoped3A : memref<!tpu.dma_semaphore, #tpu.memory_space<semaphore_mem>>)
        %dma_wait3A_34 = tpu.memref_slice %arg7[%add3A_13] : memref<320000xi32, #tpu.memory_space<hbm>> -> memref<80xi32, #tpu.memory_space<hbm>>
        %dma_wait3A_35 = tpu.memref_slice %arg7[%add3A_13] : memref<320000xi32, #tpu.memory_space<hbm>> -> memref<80xi32, #tpu.memory_space<hbm>>
        tpu.wait_dma2 semaphore(%run_scoped3A : memref<!tpu.dma_semaphore, #tpu.memory_space<semaphore_mem>>) src(%dma_wait3A_35 : memref<80xi32, #tpu.memory_space<hbm>>) dst(%arg14 : memref<80xi32, #tpu.memory_space<vmem>>)
        tpu.yield
      }) : () -> ()
      "tpu.region"() ({
        %run_scoped3A = tpu.sem_alloc : memref<!tpu.dma_semaphore, #tpu.memory_space<semaphore_mem>>
        %dma_start3A_32 = tpu.memref_slice %arg8[%add3A_13] : memref<320000xi32, #tpu.memory_space<hbm>> -> memref<80xi32, #tpu.memory_space<hbm>>
        %dma_start3A_33 = tpu.memref_slice %arg8[%add3A_13] : memref<320000xi32, #tpu.memory_space<hbm>> -> memref<80xi32, #tpu.memory_space<hbm>>
        tpu.enqueue_dma source(%dma_start3A_33 : memref<80xi32, #tpu.memory_space<hbm>>) target(%arg15 : memref<80xi32, #tpu.memory_space<vmem>>) target_semaphore(%run_scoped3A : memref<!tpu.dma_semaphore, #tpu.memory_space<semaphore_mem>>)
        %dma_wait3A_34 = tpu.memref_slice %arg8[%add3A_13] : memref<320000xi32, #tpu.memory_space<hbm>> -> memref<80xi32, #tpu.memory_space<hbm>>
        %dma_wait3A_35 = tpu.memref_slice %arg8[%add3A_13] : memref<320000xi32, #tpu.memory_space<hbm>> -> memref<80xi32, #tpu.memory_space<hbm>>
        tpu.wait_dma2 semaphore(%run_scoped3A : memref<!tpu.dma_semaphore, #tpu.memory_space<semaphore_mem>>) src(%dma_wait3A_35 : memref<80xi32, #tpu.memory_space<hbm>>) dst(%arg15 : memref<80xi32, #tpu.memory_space<vmem>>)
        tpu.yield
      }) : () -> ()
      %dma_start3A = arith.constant 0 : i32
      %dma_start3A_14 = arith.constant 0 : i32
      %dma_start3A_15 = tpu.memref_slice %arg2[%dma_start3A, %dma_start3A_14] : memref<10000x128xf32, #tpu.memory_space<hbm>> -> memref<10000x128xf32, #tpu.memory_space<hbm>>
      tpu.enqueue_indirect_dma source(%dma_start3A_15 : memref<10000x128xf32, #tpu.memory_space<hbm>>) target(%arg16 : memref<80x128xf32, #tpu.memory_space<vmem>>) offsets(%arg14 : memref<80xi32, #tpu.memory_space<vmem>>) semaphore(%arg18 : memref<!tpu.dma_semaphore, #tpu.memory_space<semaphore_mem>>)
      %dma_wait3A = arith.constant 0 : i32
      %dma_wait3A_16 = arith.constant 0 : i32
      %dma_wait3A_17 = tpu.memref_slice %arg2[%dma_wait3A, %dma_wait3A_16] : memref<10000x128xf32, #tpu.memory_space<hbm>> -> memref<10000x128xf32, #tpu.memory_space<hbm>>
      tpu.wait_indirect_dma semaphore(%arg18 : memref<!tpu.dma_semaphore, #tpu.memory_space<semaphore_mem>>) src(%dma_wait3A_17 : memref<10000x128xf32, #tpu.memory_space<hbm>>) dst(%arg16 : memref<80x128xf32, #tpu.memory_space<vmem>>)
      %dma_start3A_18 = arith.constant 0 : i32
      %dma_start3A_19 = arith.constant 0 : i32
      %dma_start3A_20 = tpu.memref_slice %arg3[%dma_start3A_18, %dma_start3A_19] : memref<10000x128xf32, #tpu.memory_space<hbm>> -> memref<10000x128xf32, #tpu.memory_space<hbm>>
      tpu.enqueue_indirect_dma source(%dma_start3A_20 : memref<10000x128xf32, #tpu.memory_space<hbm>>) target(%arg16 : memref<80x128xf32, #tpu.memory_space<vmem>>) offsets(%arg15 : memref<80xi32, #tpu.memory_space<vmem>>) semaphore(%arg18 : memref<!tpu.dma_semaphore, #tpu.memory_space<semaphore_mem>>) {add = true}
      %dma_wait3A_21 = arith.constant 0 : i32
      %dma_wait3A_22 = arith.constant 0 : i32
      %dma_wait3A_23 = tpu.memref_slice %arg3[%dma_wait3A_21, %dma_wait3A_22] : memref<10000x128xf32, #tpu.memory_space<hbm>> -> memref<10000x128xf32, #tpu.memory_space<hbm>>
      tpu.wait_indirect_dma semaphore(%arg18 : memref<!tpu.dma_semaphore, #tpu.memory_space<semaphore_mem>>) src(%dma_wait3A_23 : memref<10000x128xf32, #tpu.memory_space<hbm>>) dst(%arg16 : memref<80x128xf32, #tpu.memory_space<vmem>>)
      "tpu.region"() ({
        %run_scoped3A = tpu.sem_alloc : memref<!tpu.dma_semaphore, #tpu.memory_space<semaphore_mem>>
        %dma_start3A_32 = arith.constant 0 : i32
        %dma_start3A_33 = tpu.memref_slice %arg9[%add3A_13, %dma_start3A_32] : memref<320000x128xf32, #tpu.memory_space<hbm>> -> memref<80x128xf32, #tpu.memory_space<hbm>>
        %dma_start3A_34 = arith.constant 0 : i32
        %dma_start3A_35 = tpu.memref_slice %arg9[%add3A_13, %dma_start3A_34] : memref<320000x128xf32, #tpu.memory_space<hbm>> -> memref<80x128xf32, #tpu.memory_space<hbm>>
        tpu.enqueue_dma source(%arg16 : memref<80x128xf32, #tpu.memory_space<vmem>>) target(%dma_start3A_35 : memref<80x128xf32, #tpu.memory_space<hbm>>) target_semaphore(%run_scoped3A : memref<!tpu.dma_semaphore, #tpu.memory_space<semaphore_mem>>)
        %dma_wait3A_36 = arith.constant 0 : i32
        %dma_wait3A_37 = tpu.memref_slice %arg9[%add3A_13, %dma_wait3A_36] : memref<320000x128xf32, #tpu.memory_space<hbm>> -> memref<80x128xf32, #tpu.memory_space<hbm>>
        %dma_wait3A_38 = arith.constant 0 : i32
        %dma_wait3A_39 = tpu.memref_slice %arg9[%add3A_13, %dma_wait3A_38] : memref<320000x128xf32, #tpu.memory_space<hbm>> -> memref<80x128xf32, #tpu.memory_space<hbm>>
        tpu.wait_dma2 semaphore(%run_scoped3A : memref<!tpu.dma_semaphore, #tpu.memory_space<semaphore_mem>>) src(%arg16 : memref<80x128xf32, #tpu.memory_space<vmem>>) dst(%dma_wait3A_39 : memref<80x128xf32, #tpu.memory_space<hbm>>)
        tpu.yield
      }) : () -> ()
      %scan3A_24 = arith.constant 0 : i32
      %scan3A_25 = arith.constant 0 : i32
      %scan3A_26 = arith.constant 5 : i32
      %scan3A_27 = arith.addi %scan3A_25, %scan3A_26 : i32
      %scan3A_28 = arith.constant 1 : i32
      %scan3A_29 = scf.for %scan3A_32 = %scan3A_25 to %scan3A_27 step %scan3A_28 iter_args(%scan3A_33 = %scan3A_24) -> (i32)  : i32 {
        %mul3A_34 = arith.constant 16 : i32
        %mul3A_35 = arith.muli %scan3A_32, %mul3A_34 : i32
        %get3A = arith.index_cast %mul3A_35 : i32 to index
        %get3A_36 = tpu.vector_load %arg14[%get3A] {strides = array<i32>} : memref<80xi32, #tpu.memory_space<vmem>>, vector<16xi32>,
        %mul3A_37 = arith.constant 16 : i32
        %mul3A_38 = arith.muli %scan3A_32, %mul3A_37 : i32
        %get3A_39 = arith.index_cast %mul3A_38 : i32 to index
        %get3A_40 = tpu.vector_load %arg15[%get3A_39] {strides = array<i32>} : memref<80xi32, #tpu.memory_space<vmem>>, vector<16xi32>,
        %gather3A = tpu.vector_load_idx %arg11[%get3A_36] : memref<10000xf32, #tpu.memory_space<vmem>>[vector<16xi32>], vector<16xf32>,
        %gather3A_41 = tpu.vector_load_idx %arg11[%get3A_40] : memref<10000xf32, #tpu.memory_space<vmem>>[vector<16xi32>], vector<16xf32>,
        %sub3A = arith.subf %gather3A, %gather3A_41 : vector<16xf32>
        %gather3A_42 = tpu.vector_load_idx %arg12[%get3A_36] : memref<10000xf32, #tpu.memory_space<vmem>>[vector<16xi32>], vector<16xf32>,
        %gather3A_43 = tpu.vector_load_idx %arg12[%get3A_40] : memref<10000xf32, #tpu.memory_space<vmem>>[vector<16xi32>], vector<16xf32>,
        %sub3A_44 = arith.subf %gather3A_42, %gather3A_43 : vector<16xf32>
        %gather3A_45 = tpu.vector_load_idx %arg13[%get3A_36] : memref<10000xf32, #tpu.memory_space<vmem>>[vector<16xi32>], vector<16xf32>,
        %gather3A_46 = tpu.vector_load_idx %arg13[%get3A_40] : memref<10000xf32, #tpu.memory_space<vmem>>[vector<16xi32>], vector<16xf32>,
        %sub3A_47 = arith.subf %gather3A_45, %gather3A_46 : vector<16xf32>
        %mul3A_48 = arith.mulf %sub3A, %sub3A : vector<16xf32>
        %mul3A_49 = arith.mulf %sub3A_44, %sub3A_44 : vector<16xf32>
        %add3A_50 = arith.addf %mul3A_48, %mul3A_49 : vector<16xf32>
        %mul3A_51 = arith.mulf %sub3A_47, %sub3A_47 : vector<16xf32>
        %add3A_52 = arith.addf %add3A_50, %mul3A_51 : vector<16xf32>
        %mul3A_53 = arith.constant 16 : i32
        %mul3A_54 = arith.muli %scan3A_32, %mul3A_53 : i32
        %swap3A = arith.index_cast %mul3A_54 : i32 to index
        %swap3A_55 = tpu.vector_load %arg17[%swap3A] {strides = array<i32>} : memref<80xf32, #tpu.memory_space<vmem>>, vector<16xf32>,
        tpu.vector_store %arg17[%swap3A], %add3A_52 {strides = array<i32>} : memref<80xf32, #tpu.memory_space<vmem>>, vector<16xf32>,
        %scan3A_56 = arith.constant 0 : i32
        scf.yield %scan3A_56 : i32
      }
      %scan3A_30 = arith.constant 5 : i32
      "tpu.region"() ({
        %run_scoped3A = tpu.sem_alloc : memref<!tpu.dma_semaphore, #tpu.memory_space<semaphore_mem>>
        %dma_start3A_32 = tpu.memref_slice %arg10[%add3A_13] : memref<320000xf32, #tpu.memory_space<hbm>> -> memref<80xf32, #tpu.memory_space<hbm>>
        %dma_start3A_33 = tpu.memref_slice %arg10[%add3A_13] : memref<320000xf32, #tpu.memory_space<hbm>> -> memref<80xf32, #tpu.memory_space<hbm>>
        tpu.enqueue_dma source(%arg17 : memref<80xf32, #tpu.memory_space<vmem>>) target(%dma_start3A_33 : memref<80xf32, #tpu.memory_space<hbm>>) target_semaphore(%run_scoped3A : memref<!tpu.dma_semaphore, #tpu.memory_space<semaphore_mem>>)
        %dma_wait3A_34 = tpu.memref_slice %arg10[%add3A_13] : memref<320000xf32, #tpu.memory_space<hbm>> -> memref<80xf32, #tpu.memory_space<hbm>>
        %dma_wait3A_35 = tpu.memref_slice %arg10[%add3A_13] : memref<320000xf32, #tpu.memory_space<hbm>> -> memref<80xf32, #tpu.memory_space<hbm>>
        tpu.wait_dma2 semaphore(%run_scoped3A : memref<!tpu.dma_semaphore, #tpu.memory_space<semaphore_mem>>) src(%arg17 : memref<80xf32, #tpu.memory_space<vmem>>) dst(%dma_wait3A_35 : memref<80xf32, #tpu.memory_space<hbm>>)
        tpu.yield
      }) : () -> ()
      %scan3A_31 = arith.constant 0 : i32
      scf.yield %scan3A_31 : i32
    }
    %scan3A_8 = arith.constant 125 : i32
    return
  }
}

#map = affine_map<(d0, d1) -> (0)>
module attributes {stable_mosaic.version = 14 : i64} {
  func.func @_sc_decay_body(%arg0: i32, %arg1: i32, %arg2: memref<320000xf32, #tpu.memory_space<hbm>>, %arg3: memref<320000xf32, #tpu.memory_space<hbm>>, %arg4: memref<320000xi32, #tpu.memory_space<hbm>>, %arg5: memref<10240xf32, #tpu.memory_space<hbm>>, %arg6: memref<320000xf32, #tpu.memory_space<hbm>>, %arg7: memref<10000xf32, #tpu.memory_space<vmem>>, %arg8: memref<10000xf32, #tpu.memory_space<vmem>>, %arg9: memref<10000xi32, #tpu.memory_space<vmem>>, %arg10: memref<10240xf32, #tpu.memory_space<vmem>>, %arg11: memref<10000xf32, #tpu.memory_space<vmem>>) attributes {dimension_semantics = [#tpu.dimension_semantics<core_parallel>, #tpu.dimension_semantics<subcore_parallel>], iteration_bounds = array<i64: 2, 16>, scalar_prefetch = 0 : i64, scratch_operands = 5 : i64, tpu.core_type = #tpu.core_type<sc_vector_subcore>, window_params = [{transform_indices = #map}, {transform_indices = #map}, {transform_indices = #map}, {transform_indices = #map}, {transform_indices = #map}]} {
    %mul3A = arith.constant 2 : i32
    %mul3A_0 = arith.muli %arg1, %mul3A : i32
    %add3A = arith.addi %mul3A_0, %arg0 : i32
    %mul3A_1 = arith.constant 10000 : i32
    %mul3A_2 = arith.muli %add3A, %mul3A_1 : i32
    "tpu.region"() ({
      %run_scoped3A = tpu.sem_alloc : memref<!tpu.dma_semaphore, #tpu.memory_space<semaphore_mem>>
      %dma_start3A = tpu.memref_slice %arg2[%mul3A_2] : memref<320000xf32, #tpu.memory_space<hbm>> -> memref<10000xf32, #tpu.memory_space<hbm>>
      %dma_start3A_9 = tpu.memref_slice %arg2[%mul3A_2] : memref<320000xf32, #tpu.memory_space<hbm>> -> memref<10000xf32, #tpu.memory_space<hbm>>
      tpu.enqueue_dma source(%dma_start3A_9 : memref<10000xf32, #tpu.memory_space<hbm>>) target(%arg7 : memref<10000xf32, #tpu.memory_space<vmem>>) target_semaphore(%run_scoped3A : memref<!tpu.dma_semaphore, #tpu.memory_space<semaphore_mem>>)
      %dma_wait3A = tpu.memref_slice %arg2[%mul3A_2] : memref<320000xf32, #tpu.memory_space<hbm>> -> memref<10000xf32, #tpu.memory_space<hbm>>
      %dma_wait3A_10 = tpu.memref_slice %arg2[%mul3A_2] : memref<320000xf32, #tpu.memory_space<hbm>> -> memref<10000xf32, #tpu.memory_space<hbm>>
      tpu.wait_dma2 semaphore(%run_scoped3A : memref<!tpu.dma_semaphore, #tpu.memory_space<semaphore_mem>>) src(%dma_wait3A_10 : memref<10000xf32, #tpu.memory_space<hbm>>) dst(%arg7 : memref<10000xf32, #tpu.memory_space<vmem>>)
      tpu.yield
    }) : () -> ()
    "tpu.region"() ({
      %run_scoped3A = tpu.sem_alloc : memref<!tpu.dma_semaphore, #tpu.memory_space<semaphore_mem>>
      %dma_start3A = tpu.memref_slice %arg3[%mul3A_2] : memref<320000xf32, #tpu.memory_space<hbm>> -> memref<10000xf32, #tpu.memory_space<hbm>>
      %dma_start3A_9 = tpu.memref_slice %arg3[%mul3A_2] : memref<320000xf32, #tpu.memory_space<hbm>> -> memref<10000xf32, #tpu.memory_space<hbm>>
      tpu.enqueue_dma source(%dma_start3A_9 : memref<10000xf32, #tpu.memory_space<hbm>>) target(%arg8 : memref<10000xf32, #tpu.memory_space<vmem>>) target_semaphore(%run_scoped3A : memref<!tpu.dma_semaphore, #tpu.memory_space<semaphore_mem>>)
      %dma_wait3A = tpu.memref_slice %arg3[%mul3A_2] : memref<320000xf32, #tpu.memory_space<hbm>> -> memref<10000xf32, #tpu.memory_space<hbm>>
      %dma_wait3A_10 = tpu.memref_slice %arg3[%mul3A_2] : memref<320000xf32, #tpu.memory_space<hbm>> -> memref<10000xf32, #tpu.memory_space<hbm>>
      tpu.wait_dma2 semaphore(%run_scoped3A : memref<!tpu.dma_semaphore, #tpu.memory_space<semaphore_mem>>) src(%dma_wait3A_10 : memref<10000xf32, #tpu.memory_space<hbm>>) dst(%arg8 : memref<10000xf32, #tpu.memory_space<vmem>>)
      tpu.yield
    }) : () -> ()
    "tpu.region"() ({
      %run_scoped3A = tpu.sem_alloc : memref<!tpu.dma_semaphore, #tpu.memory_space<semaphore_mem>>
      %dma_start3A = tpu.memref_slice %arg4[%mul3A_2] : memref<320000xi32, #tpu.memory_space<hbm>> -> memref<10000xi32, #tpu.memory_space<hbm>>
      %dma_start3A_9 = tpu.memref_slice %arg4[%mul3A_2] : memref<320000xi32, #tpu.memory_space<hbm>> -> memref<10000xi32, #tpu.memory_space<hbm>>
      tpu.enqueue_dma source(%dma_start3A_9 : memref<10000xi32, #tpu.memory_space<hbm>>) target(%arg9 : memref<10000xi32, #tpu.memory_space<vmem>>) target_semaphore(%run_scoped3A : memref<!tpu.dma_semaphore, #tpu.memory_space<semaphore_mem>>)
      %dma_wait3A = tpu.memref_slice %arg4[%mul3A_2] : memref<320000xi32, #tpu.memory_space<hbm>> -> memref<10000xi32, #tpu.memory_space<hbm>>
      %dma_wait3A_10 = tpu.memref_slice %arg4[%mul3A_2] : memref<320000xi32, #tpu.memory_space<hbm>> -> memref<10000xi32, #tpu.memory_space<hbm>>
      tpu.wait_dma2 semaphore(%run_scoped3A : memref<!tpu.dma_semaphore, #tpu.memory_space<semaphore_mem>>) src(%dma_wait3A_10 : memref<10000xi32, #tpu.memory_space<hbm>>) dst(%arg9 : memref<10000xi32, #tpu.memory_space<vmem>>)
      tpu.yield
    }) : () -> ()
    "tpu.region"() ({
      %run_scoped3A = tpu.sem_alloc : memref<!tpu.dma_semaphore, #tpu.memory_space<semaphore_mem>>
      tpu.enqueue_dma source(%arg5 : memref<10240xf32, #tpu.memory_space<hbm>>) target(%arg10 : memref<10240xf32, #tpu.memory_space<vmem>>) target_semaphore(%run_scoped3A : memref<!tpu.dma_semaphore, #tpu.memory_space<semaphore_mem>>)
      tpu.wait_dma2 semaphore(%run_scoped3A : memref<!tpu.dma_semaphore, #tpu.memory_space<semaphore_mem>>) src(%arg5 : memref<10240xf32, #tpu.memory_space<hbm>>) dst(%arg10 : memref<10240xf32, #tpu.memory_space<vmem>>)
      tpu.yield
    }) : () -> ()
    %scan3A = arith.constant 0 : i32
    %scan3A_3 = arith.constant 0 : i32
    %scan3A_4 = arith.constant 625 : i32
    %scan3A_5 = arith.addi %scan3A_3, %scan3A_4 : i32
    %scan3A_6 = arith.constant 1 : i32
    %scan3A_7 = scf.for %scan3A_9 = %scan3A_3 to %scan3A_5 step %scan3A_6 iter_args(%scan3A_10 = %scan3A) -> (i32)  : i32 {
      %mul3A_11 = arith.constant 16 : i32
      %mul3A_12 = arith.muli %scan3A_9, %mul3A_11 : i32
      %get3A = arith.index_cast %mul3A_12 : i32 to index
      %get3A_13 = tpu.vector_load %arg9[%get3A] {strides = array<i32>} : memref<10000xi32, #tpu.memory_space<vmem>>, vector<16xi32>,
      %mul3A_14 = arith.constant 16 : i32
      %mul3A_15 = arith.muli %scan3A_9, %mul3A_14 : i32
      %get3A_16 = arith.index_cast %mul3A_15 : i32 to index
      %get3A_17 = tpu.vector_load %arg7[%get3A_16] {strides = array<i32>} : memref<10000xf32, #tpu.memory_space<vmem>>, vector<16xf32>,
      %mul3A_18 = arith.constant 16 : i32
      %mul3A_19 = arith.muli %scan3A_9, %mul3A_18 : i32
      %get3A_20 = arith.index_cast %mul3A_19 : i32 to index
      %get3A_21 = tpu.vector_load %arg8[%get3A_20] {strides = array<i32>} : memref<10000xf32, #tpu.memory_space<vmem>>, vector<16xf32>,
      %gather3A = tpu.vector_load_idx %arg10[%get3A_13] : memref<10240xf32, #tpu.memory_space<vmem>>[vector<16xi32>], vector<16xf32>,
      %gt3A = arith.constant 0.000000e+00 : f32
      %gt3A_22 = vector.broadcast %gt3A : f32 to vector<16xf32>
      %gt3A_23 = arith.cmpf ogt, %get3A_21, %gt3A_22 : vector<16xf32>
      %div3A = arith.divf %get3A_17, %gather3A : vector<16xf32>
      %jit3A = arith.constant 1.000000e+00 : f32
      %broadcast_in_dim3A = vector.broadcast %jit3A : f32 to vector<16xf32>
      %select_n3A = arith.select %gt3A_23, %div3A, %broadcast_in_dim3A : vector<16xi1>, vector<16xf32>
      %mul3A_24 = arith.constant 16 : i32
      %mul3A_25 = arith.muli %scan3A_9, %mul3A_24 : i32
      %swap3A = arith.index_cast %mul3A_25 : i32 to index
      %swap3A_26 = tpu.vector_load %arg11[%swap3A] {strides = array<i32>} : memref<10000xf32, #tpu.memory_space<vmem>>, vector<16xf32>,
      tpu.vector_store %arg11[%swap3A], %select_n3A {strides = array<i32>} : memref<10000xf32, #tpu.memory_space<vmem>>, vector<16xf32>,
      %scan3A_27 = arith.constant 0 : i32
      scf.yield %scan3A_27 : i32
    }
    %scan3A_8 = arith.constant 625 : i32
    "tpu.region"() ({
      %run_scoped3A = tpu.sem_alloc : memref<!tpu.dma_semaphore, #tpu.memory_space<semaphore_mem>>
      %dma_start3A = tpu.memref_slice %arg6[%mul3A_2] : memref<320000xf32, #tpu.memory_space<hbm>> -> memref<10000xf32, #tpu.memory_space<hbm>>
      %dma_start3A_9 = tpu.memref_slice %arg6[%mul3A_2] : memref<320000xf32, #tpu.memory_space<hbm>> -> memref<10000xf32, #tpu.memory_space<hbm>>
      tpu.enqueue_dma source(%arg11 : memref<10000xf32, #tpu.memory_space<vmem>>) target(%dma_start3A_9 : memref<10000xf32, #tpu.memory_space<hbm>>) target_semaphore(%run_scoped3A : memref<!tpu.dma_semaphore, #tpu.memory_space<semaphore_mem>>)
      %dma_wait3A = tpu.memref_slice %arg6[%mul3A_2] : memref<320000xf32, #tpu.memory_space<hbm>> -> memref<10000xf32, #tpu.memory_space<hbm>>
      %dma_wait3A_10 = tpu.memref_slice %arg6[%mul3A_2] : memref<320000xf32, #tpu.memory_space<hbm>> -> memref<10000xf32, #tpu.memory_space<hbm>>
      tpu.wait_dma2 semaphore(%run_scoped3A : memref<!tpu.dma_semaphore, #tpu.memory_space<semaphore_mem>>) src(%arg11 : memref<10000xf32, #tpu.memory_space<vmem>>) dst(%dma_wait3A_10 : memref<10000xf32, #tpu.memory_space<hbm>>)
      tpu.yield
    }) : () -> ()
    return
  }
}

#map = affine_map<(d0, d1) -> (0)>
#map1 = affine_map<(d0, d1) -> (0, 0)>
module attributes {stable_mosaic.version = 14 : i64} {
  func.func @_sc_segmax_body(%arg0: i32, %arg1: i32, %arg2: memref<320000xf32, #tpu.memory_space<hbm>>, %arg3: memref<320000xi32, #tpu.memory_space<hbm>>, %arg4: memref<32x10240xf32, #tpu.memory_space<hbm>>, %arg5: memref<10000xf32, #tpu.memory_space<vmem>>, %arg6: memref<10000xi32, #tpu.memory_space<vmem>>, %arg7: memref<10240xf32, #tpu.memory_space<vmem>>, %arg8: memref<16xi32, #tpu.memory_space<vmem>>, %arg9: memref<16xf32, #tpu.memory_space<vmem>>) attributes {dimension_semantics = [#tpu.dimension_semantics<core_parallel>, #tpu.dimension_semantics<subcore_parallel>], iteration_bounds = array<i64: 2, 16>, scalar_prefetch = 0 : i64, scratch_operands = 5 : i64, tpu.core_type = #tpu.core_type<sc_vector_subcore>, window_params = [{transform_indices = #map}, {transform_indices = #map}, {transform_indices = #map1}]} {
    %mul3A = arith.constant 2 : i32
    %mul3A_0 = arith.muli %arg1, %mul3A : i32
    %add3A = arith.addi %mul3A_0, %arg0 : i32
    %mul3A_1 = arith.constant 10000 : i32
    %mul3A_2 = arith.muli %add3A, %mul3A_1 : i32
    "tpu.region"() ({
      %run_scoped3A = tpu.sem_alloc : memref<!tpu.dma_semaphore, #tpu.memory_space<semaphore_mem>>
      %dma_start3A = tpu.memref_slice %arg2[%mul3A_2] : memref<320000xf32, #tpu.memory_space<hbm>> -> memref<10000xf32, #tpu.memory_space<hbm>>
      %dma_start3A_16 = tpu.memref_slice %arg2[%mul3A_2] : memref<320000xf32, #tpu.memory_space<hbm>> -> memref<10000xf32, #tpu.memory_space<hbm>>
      tpu.enqueue_dma source(%dma_start3A_16 : memref<10000xf32, #tpu.memory_space<hbm>>) target(%arg5 : memref<10000xf32, #tpu.memory_space<vmem>>) target_semaphore(%run_scoped3A : memref<!tpu.dma_semaphore, #tpu.memory_space<semaphore_mem>>)
      %dma_wait3A = tpu.memref_slice %arg2[%mul3A_2] : memref<320000xf32, #tpu.memory_space<hbm>> -> memref<10000xf32, #tpu.memory_space<hbm>>
      %dma_wait3A_17 = tpu.memref_slice %arg2[%mul3A_2] : memref<320000xf32, #tpu.memory_space<hbm>> -> memref<10000xf32, #tpu.memory_space<hbm>>
      tpu.wait_dma2 semaphore(%run_scoped3A : memref<!tpu.dma_semaphore, #tpu.memory_space<semaphore_mem>>) src(%dma_wait3A_17 : memref<10000xf32, #tpu.memory_space<hbm>>) dst(%arg5 : memref<10000xf32, #tpu.memory_space<vmem>>)
      tpu.yield
    }) : () -> ()
    "tpu.region"() ({
      %run_scoped3A = tpu.sem_alloc : memref<!tpu.dma_semaphore, #tpu.memory_space<semaphore_mem>>
      %dma_start3A = tpu.memref_slice %arg3[%mul3A_2] : memref<320000xi32, #tpu.memory_space<hbm>> -> memref<10000xi32, #tpu.memory_space<hbm>>
      %dma_start3A_16 = tpu.memref_slice %arg3[%mul3A_2] : memref<320000xi32, #tpu.memory_space<hbm>> -> memref<10000xi32, #tpu.memory_space<hbm>>
      tpu.enqueue_dma source(%dma_start3A_16 : memref<10000xi32, #tpu.memory_space<hbm>>) target(%arg6 : memref<10000xi32, #tpu.memory_space<vmem>>) target_semaphore(%run_scoped3A : memref<!tpu.dma_semaphore, #tpu.memory_space<semaphore_mem>>)
      %dma_wait3A = tpu.memref_slice %arg3[%mul3A_2] : memref<320000xi32, #tpu.memory_space<hbm>> -> memref<10000xi32, #tpu.memory_space<hbm>>
      %dma_wait3A_17 = tpu.memref_slice %arg3[%mul3A_2] : memref<320000xi32, #tpu.memory_space<hbm>> -> memref<10000xi32, #tpu.memory_space<hbm>>
      tpu.wait_dma2 semaphore(%run_scoped3A : memref<!tpu.dma_semaphore, #tpu.memory_space<semaphore_mem>>) src(%dma_wait3A_17 : memref<10000xi32, #tpu.memory_space<hbm>>) dst(%arg6 : memref<10000xi32, #tpu.memory_space<vmem>>)
      tpu.yield
    }) : () -> ()
    %scan3A = arith.constant 0 : i32
    %scan3A_3 = arith.constant 0 : i32
    %scan3A_4 = arith.constant 640 : i32
    %scan3A_5 = arith.addi %scan3A_3, %scan3A_4 : i32
    %scan3A_6 = arith.constant 1 : i32
    %scan3A_7 = scf.for %scan3A_16 = %scan3A_3 to %scan3A_5 step %scan3A_6 iter_args(%scan3A_17 = %scan3A) -> (i32)  : i32 {
      %broadcast_in_dim3A = arith.constant -1.000000e+30 : f32
      %broadcast_in_dim3A_18 = vector.broadcast %broadcast_in_dim3A : f32 to vector<16xf32>
      %mul3A_19 = arith.constant 16 : i32
      %mul3A_20 = arith.muli %scan3A_16, %mul3A_19 : i32
      %swap3A = arith.index_cast %mul3A_20 : i32 to index
      %swap3A_21 = tpu.vector_load %arg7[%swap3A] {strides = array<i32>} : memref<10240xf32, #tpu.memory_space<vmem>>, vector<16xf32>,
      tpu.vector_store %arg7[%swap3A], %broadcast_in_dim3A_18 {strides = array<i32>} : memref<10240xf32, #tpu.memory_space<vmem>>, vector<16xf32>,
      %scan3A_22 = arith.constant 0 : i32
      scf.yield %scan3A_22 : i32
    }
    %scan3A_8 = arith.constant 640 : i32
    %scan3A_9 = arith.constant 0 : i32
    %scan3A_10 = arith.constant 0 : i32
    %scan3A_11 = arith.constant 625 : i32
    %scan3A_12 = arith.addi %scan3A_10, %scan3A_11 : i32
    %scan3A_13 = arith.constant 1 : i32
    %scan3A_14 = scf.for %scan3A_16 = %scan3A_10 to %scan3A_12 step %scan3A_13 iter_args(%scan3A_17 = %scan3A_9) -> (i32)  : i32 {
      %mul3A_18 = arith.constant 16 : i32
      %mul3A_19 = arith.muli %scan3A_16, %mul3A_18 : i32
      %get3A = arith.index_cast %mul3A_19 : i32 to index
      %get3A_20 = tpu.vector_load %arg6[%get3A] {strides = array<i32>} : memref<10000xi32, #tpu.memory_space<vmem>>, vector<16xi32>,
      %mul3A_21 = arith.constant 16 : i32
      %mul3A_22 = arith.muli %scan3A_16, %mul3A_21 : i32
      %get3A_23 = arith.index_cast %mul3A_22 : i32 to index
      %get3A_24 = tpu.vector_load %arg5[%get3A_23] {strides = array<i32>} : memref<10000xf32, #tpu.memory_space<vmem>>, vector<16xf32>,
      %masked_sort3A = arith.constant dense<true> : vector<16xi1>
      %masked_sort3A_25 = arith.constant -2147483648 : i32
      %masked_sort3A_26 = vector.broadcast %masked_sort3A_25 : i32 to vector<16xi32>
      %masked_sort3A_27 = arith.xori %get3A_20, %masked_sort3A_26 : vector<16xi32>
      %masked_sort3A_28, %masked_sort3A_29, %masked_sort3A_30 = tpu.sort %masked_sort3A_27, %get3A_24 masked %masked_sort3A : (vector<16xi32>, vector<16xf32>, vector<16xi1>) -> (vector<16xi1>, vector<16xi32>, vector<16xf32>)
      %masked_sort3A_31 = arith.xori %masked_sort3A_29, %masked_sort3A_26 : vector<16xi32>
      %iota3A = tpu.iota {dimensions = array<i32: 0>} : vector<16xi32>
      %swap3A = arith.constant 0 : index
      %swap3A_32 = tpu.vector_load %arg8[%swap3A] {strides = array<i32>} : memref<16xi32, #tpu.memory_space<vmem>>, vector<16xi32>,
      tpu.vector_store %arg8[%swap3A], %masked_sort3A_31 {strides = array<i32>} : memref<16xi32, #tpu.memory_space<vmem>>, vector<16xi32>,
      %swap3A_33 = arith.constant 0 : index
      %swap3A_34 = tpu.vector_load %arg9[%swap3A_33] {strides = array<i32>} : memref<16xf32, #tpu.memory_space<vmem>>, vector<16xf32>,
      tpu.vector_store %arg9[%swap3A_33], %masked_sort3A_30 {strides = array<i32>} : memref<16xf32, #tpu.memory_space<vmem>>, vector<16xf32>,
      %sub3A = arith.constant 1 : i32
      %sub3A_35 = vector.broadcast %sub3A : i32 to vector<16xi32>
      %sub3A_36 = arith.subi %iota3A, %sub3A_35 : vector<16xi32>
      %max3A = arith.constant 0 : i32
      %max3A_37 = vector.broadcast %max3A : i32 to vector<16xi32>
      %max3A_38 = arith.maxsi %sub3A_36, %max3A_37 : vector<16xi32>
      %gather3A = tpu.vector_load_idx %arg8[%max3A_38] : memref<16xi32, #tpu.memory_space<vmem>>[vector<16xi32>], vector<16xi32>,
      %gather3A_39 = tpu.vector_load_idx %arg9[%max3A_38] : memref<16xf32, #tpu.memory_space<vmem>>[vector<16xi32>], vector<16xf32>,
      %eq3A = arith.cmpi eq, %gather3A, %masked_sort3A_31 : vector<16xi32>
      %ge3A = arith.constant 1 : i32
      %ge3A_40 = vector.broadcast %ge3A : i32 to vector<16xi32>
      %ge3A_41 = arith.cmpi sge, %iota3A, %ge3A_40 : vector<16xi32>
      %and3A = arith.andi %eq3A, %ge3A_41 : vector<16xi1>
      %max3A_42 = arith.maximumf %masked_sort3A_30, %gather3A_39 : vector<16xf32>
      %select_n3A = arith.select %and3A, %max3A_42, %masked_sort3A_30 : vector<16xi1>, vector<16xf32>
      %swap3A_43 = arith.constant 0 : index
      %swap3A_44 = tpu.vector_load %arg9[%swap3A_43] {strides = array<i32>} : memref<16xf32, #tpu.memory_space<vmem>>, vector<16xf32>,
      tpu.vector_store %arg9[%swap3A_43], %select_n3A {strides = array<i32>} : memref<16xf32, #tpu.memory_space<vmem>>, vector<16xf32>,
      %sub3A_45 = arith.constant 2 : i32
      %sub3A_46 = vector.broadcast %sub3A_45 : i32 to vector<16xi32>
      %sub3A_47 = arith.subi %iota3A, %sub3A_46 : vector<16xi32>
      %max3A_48 = arith.constant 0 : i32
      %max3A_49 = vector.broadcast %max3A_48 : i32 to vector<16xi32>
      %max3A_50 = arith.maxsi %sub3A_47, %max3A_49 : vector<16xi32>
      %gather3A_51 = tpu.vector_load_idx %arg8[%max3A_50] : memref<16xi32, #tpu.memory_space<vmem>>[vector<16xi32>], vector<16xi32>,
      %gather3A_52 = tpu.vector_load_idx %arg9[%max3A_50] : memref<16xf32, #tpu.memory_space<vmem>>[vector<16xi32>], vector<16xf32>,
      %eq3A_53 = arith.cmpi eq, %gather3A_51, %masked_sort3A_31 : vector<16xi32>
      %ge3A_54 = arith.constant 2 : i32
      %ge3A_55 = vector.broadcast %ge3A_54 : i32 to vector<16xi32>
      %ge3A_56 = arith.cmpi sge, %iota3A, %ge3A_55 : vector<16xi32>
      %and3A_57 = arith.andi %eq3A_53, %ge3A_56 : vector<16xi1>
      %max3A_58 = arith.maximumf %select_n3A, %gather3A_52 : vector<16xf32>
      %select_n3A_59 = arith.select %and3A_57, %max3A_58, %select_n3A : vector<16xi1>, vector<16xf32>
      %swap3A_60 = arith.constant 0 : index
      %swap3A_61 = tpu.vector_load %arg9[%swap3A_60] {strides = array<i32>} : memref<16xf32, #tpu.memory_space<vmem>>, vector<16xf32>,
      tpu.vector_store %arg9[%swap3A_60], %select_n3A_59 {strides = array<i32>} : memref<16xf32, #tpu.memory_space<vmem>>, vector<16xf32>,
      %sub3A_62 = arith.constant 4 : i32
      %sub3A_63 = vector.broadcast %sub3A_62 : i32 to vector<16xi32>
      %sub3A_64 = arith.subi %iota3A, %sub3A_63 : vector<16xi32>
      %max3A_65 = arith.constant 0 : i32
      %max3A_66 = vector.broadcast %max3A_65 : i32 to vector<16xi32>
      %max3A_67 = arith.maxsi %sub3A_64, %max3A_66 : vector<16xi32>
      %gather3A_68 = tpu.vector_load_idx %arg8[%max3A_67] : memref<16xi32, #tpu.memory_space<vmem>>[vector<16xi32>], vector<16xi32>,
      %gather3A_69 = tpu.vector_load_idx %arg9[%max3A_67] : memref<16xf32, #tpu.memory_space<vmem>>[vector<16xi32>], vector<16xf32>,
      %eq3A_70 = arith.cmpi eq, %gather3A_68, %masked_sort3A_31 : vector<16xi32>
      %ge3A_71 = arith.constant 4 : i32
      %ge3A_72 = vector.broadcast %ge3A_71 : i32 to vector<16xi32>
      %ge3A_73 = arith.cmpi sge, %iota3A, %ge3A_72 : vector<16xi32>
      %and3A_74 = arith.andi %eq3A_70, %ge3A_73 : vector<16xi1>
      %max3A_75 = arith.maximumf %select_n3A_59, %gather3A_69 : vector<16xf32>
      %select_n3A_76 = arith.select %and3A_74, %max3A_75, %select_n3A_59 : vector<16xi1>, vector<16xf32>
      %swap3A_77 = arith.constant 0 : index
      %swap3A_78 = tpu.vector_load %arg9[%swap3A_77] {strides = array<i32>} : memref<16xf32, #tpu.memory_space<vmem>>, vector<16xf32>,
      tpu.vector_store %arg9[%swap3A_77], %select_n3A_76 {strides = array<i32>} : memref<16xf32, #tpu.memory_space<vmem>>, vector<16xf32>,
      %sub3A_79 = arith.constant 8 : i32
      %sub3A_80 = vector.broadcast %sub3A_79 : i32 to vector<16xi32>
      %sub3A_81 = arith.subi %iota3A, %sub3A_80 : vector<16xi32>
      %max3A_82 = arith.constant 0 : i32
      %max3A_83 = vector.broadcast %max3A_82 : i32 to vector<16xi32>
      %max3A_84 = arith.maxsi %sub3A_81, %max3A_83 : vector<16xi32>
      %gather3A_85 = tpu.vector_load_idx %arg8[%max3A_84] : memref<16xi32, #tpu.memory_space<vmem>>[vector<16xi32>], vector<16xi32>,
      %gather3A_86 = tpu.vector_load_idx %arg9[%max3A_84] : memref<16xf32, #tpu.memory_space<vmem>>[vector<16xi32>], vector<16xf32>,
      %eq3A_87 = arith.cmpi eq, %gather3A_85, %masked_sort3A_31 : vector<16xi32>
      %ge3A_88 = arith.constant 8 : i32
      %ge3A_89 = vector.broadcast %ge3A_88 : i32 to vector<16xi32>
      %ge3A_90 = arith.cmpi sge, %iota3A, %ge3A_89 : vector<16xi32>
      %and3A_91 = arith.andi %eq3A_87, %ge3A_90 : vector<16xi1>
      %max3A_92 = arith.maximumf %select_n3A_76, %gather3A_86 : vector<16xf32>
      %select_n3A_93 = arith.select %and3A_91, %max3A_92, %select_n3A_76 : vector<16xi1>, vector<16xf32>
      %swap3A_94 = arith.constant 0 : index
      %swap3A_95 = tpu.vector_load %arg9[%swap3A_94] {strides = array<i32>} : memref<16xf32, #tpu.memory_space<vmem>>, vector<16xf32>,
      tpu.vector_store %arg9[%swap3A_94], %select_n3A_93 {strides = array<i32>} : memref<16xf32, #tpu.memory_space<vmem>>, vector<16xf32>,
      %add3A_96 = arith.constant 1 : i32
      %add3A_97 = vector.broadcast %add3A_96 : i32 to vector<16xi32>
      %add3A_98 = arith.addi %iota3A, %add3A_97 : vector<16xi32>
      %min3A = arith.constant 15 : i32
      %min3A_99 = vector.broadcast %min3A : i32 to vector<16xi32>
      %min3A_100 = arith.minsi %add3A_98, %min3A_99 : vector<16xi32>
      %gather3A_101 = tpu.vector_load_idx %arg8[%min3A_100] : memref<16xi32, #tpu.memory_space<vmem>>[vector<16xi32>], vector<16xi32>,
      %ne3A = arith.cmpi ne, %gather3A_101, %masked_sort3A_31 : vector<16xi32>
      %eq3A_102 = arith.constant 15 : i32
      %eq3A_103 = vector.broadcast %eq3A_102 : i32 to vector<16xi32>
      %eq3A_104 = arith.cmpi eq, %iota3A, %eq3A_103 : vector<16xi32>
      %or3A = arith.ori %ne3A, %eq3A_104 : vector<16xi1>
      %gather3A_105 = tpu.vector_load_idx %arg7[%masked_sort3A_31] masked %or3A : memref<10240xf32, #tpu.memory_space<vmem>>[vector<16xi32>], vector<16xf32>, vector<16xi1>
      %max3A_106 = arith.maximumf %gather3A_105, %select_n3A_93 : vector<16xf32>
      tpu.vector_store_idx %arg7[%masked_sort3A_31], %max3A_106 masked %or3A : memref<10240xf32, #tpu.memory_space<vmem>>[vector<16xi32>], vector<16xf32>, vector<16xi1>
      %scan3A_107 = arith.constant 0 : i32
      scf.yield %scan3A_107 : i32
    }
    %scan3A_15 = arith.constant 625 : i32
    "tpu.region"() ({
      %run_scoped3A = tpu.sem_alloc : memref<!tpu.dma_semaphore, #tpu.memory_space<semaphore_mem>>
      %dma_start3A = arith.constant 0 : i32
      %dma_start3A_16 = tpu.memref_slice %arg4[%add3A, %dma_start3A] : memref<32x10240xf32, #tpu.memory_space<hbm>> -> memref<1x10240xf32, #tpu.memory_space<hbm>>
      %dma_start3A_17 = tpu.memref_squeeze %dma_start3A_16 : memref<1x10240xf32, #tpu.memory_space<hbm>> -> memref<10240xf32, #tpu.memory_space<hbm>>
      %dma_start3A_18 = arith.constant 0 : i32
      %dma_start3A_19 = tpu.memref_slice %arg4[%add3A, %dma_start3A_18] : memref<32x10240xf32, #tpu.memory_space<hbm>> -> memref<1x10240xf32, #tpu.memory_space<hbm>>
      %dma_start3A_20 = tpu.memref_squeeze %dma_start3A_19 : memref<1x10240xf32, #tpu.memory_space<hbm>> -> memref<10240xf32, #tpu.memory_space<hbm>>
      tpu.enqueue_dma source(%arg7 : memref<10240xf32, #tpu.memory_space<vmem>>) target(%dma_start3A_20 : memref<10240xf32, #tpu.memory_space<hbm>>) target_semaphore(%run_scoped3A : memref<!tpu.dma_semaphore, #tpu.memory_space<semaphore_mem>>)
      %dma_wait3A = arith.constant 0 : i32
      %dma_wait3A_21 = tpu.memref_slice %arg4[%add3A, %dma_wait3A] : memref<32x10240xf32, #tpu.memory_space<hbm>> -> memref<1x10240xf32, #tpu.memory_space<hbm>>
      %dma_wait3A_22 = tpu.memref_squeeze %dma_wait3A_21 : memref<1x10240xf32, #tpu.memory_space<hbm>> -> memref<10240xf32, #tpu.memory_space<hbm>>
      %dma_wait3A_23 = arith.constant 0 : i32
      %dma_wait3A_24 = tpu.memref_slice %arg4[%add3A, %dma_wait3A_23] : memref<32x10240xf32, #tpu.memory_space<hbm>> -> memref<1x10240xf32, #tpu.memory_space<hbm>>
      %dma_wait3A_25 = tpu.memref_squeeze %dma_wait3A_24 : memref<1x10240xf32, #tpu.memory_space<hbm>> -> memref<10240xf32, #tpu.memory_space<hbm>>
      tpu.wait_dma2 semaphore(%run_scoped3A : memref<!tpu.dma_semaphore, #tpu.memory_space<semaphore_mem>>) src(%arg7 : memref<10240xf32, #tpu.memory_space<vmem>>) dst(%dma_wait3A_25 : memref<10240xf32, #tpu.memory_space<hbm>>)
      tpu.yield
    }) : () -> ()
    return
  }
}

#map = affine_map<(d0, d1) -> (0, 0)>
#map1 = affine_map<(d0, d1) -> (0)>
#map2 = affine_map<(d0, d1) -> (0, 0, 0)>
module attributes {stable_mosaic.version = 14 : i64} {
  func.func @_sc_agg_body(%arg0: i32, %arg1: i32, %arg2: memref<320000x128xf32, #tpu.memory_space<hbm>>, %arg3: memref<10000x128xf32, #tpu.memory_space<hbm>>, %arg4: memref<320000xi32, #tpu.memory_space<hbm>>, %arg5: memref<320000xi32, #tpu.memory_space<hbm>>, %arg6: memref<2x10000x128xf32, #tpu.memory_space<hbm>>, %arg7: memref<80xi32, #tpu.memory_space<vmem>>, %arg8: memref<80xi32, #tpu.memory_space<vmem>>, %arg9: memref<80x128xf32, #tpu.memory_space<vmem>>, %arg10: memref<80x128xf32, #tpu.memory_space<vmem>>, %arg11: memref<10000x128xf32, #tpu.memory_space<vmem_shared>>, %arg12: memref<!tpu.dma_semaphore, #tpu.memory_space<semaphore_mem>>) attributes {dimension_semantics = [#tpu.dimension_semantics<core_parallel>, #tpu.dimension_semantics<subcore_parallel>], iteration_bounds = array<i64: 2, 16>, scalar_prefetch = 0 : i64, scratch_operands = 6 : i64, tpu.core_type = #tpu.core_type<sc_vector_subcore>, window_params = [{transform_indices = #map}, {transform_indices = #map}, {transform_indices = #map1}, {transform_indices = #map1}, {transform_indices = #map2}]} {
    %mul3A = arith.constant 160000 : i32
    %mul3A_0 = arith.muli %arg0, %mul3A : i32
    %mul3A_1 = arith.constant 10000 : i32
    %mul3A_2 = arith.muli %arg1, %mul3A_1 : i32
    %add3A = arith.addi %mul3A_0, %mul3A_2 : i32
    %scan3A = arith.constant 0 : i32
    %scan3A_3 = arith.constant 0 : i32
    %scan3A_4 = arith.constant 80 : i32
    %scan3A_5 = arith.addi %scan3A_3, %scan3A_4 : i32
    %scan3A_6 = arith.constant 1 : i32
    %scan3A_7 = scf.for %scan3A_36 = %scan3A_3 to %scan3A_5 step %scan3A_6 iter_args(%scan3A_37 = %scan3A) -> (i32)  : i32 {
      %scan3A_38 = arith.constant 0 : i32
      %scan3A_39 = arith.constant 0 : i32
      %scan3A_40 = arith.constant 8 : i32
      %scan3A_41 = arith.addi %scan3A_39, %scan3A_40 : i32
      %scan3A_42 = arith.constant 1 : i32
      %scan3A_43 = scf.for %scan3A_46 = %scan3A_39 to %scan3A_41 step %scan3A_42 iter_args(%scan3A_47 = %scan3A_38) -> (i32)  : i32 {
        %broadcast_in_dim3A = arith.constant 0.000000e+00 : f32
        %broadcast_in_dim3A_48 = vector.broadcast %broadcast_in_dim3A : f32 to vector<16xf32>
        %mul3A_49 = arith.constant 16 : i32
        %mul3A_50 = arith.muli %scan3A_46, %mul3A_49 : i32
        %swap3A = arith.index_cast %scan3A_36 : i32 to index
        %swap3A_51 = arith.index_cast %mul3A_50 : i32 to index
        %swap3A_52 = tpu.vector_load %arg9[%swap3A, %swap3A_51] {strides = array<i32>} : memref<80x128xf32, #tpu.memory_space<vmem>>, vector<16xf32>,
        tpu.vector_store %arg9[%swap3A, %swap3A_51], %broadcast_in_dim3A_48 {strides = array<i32>} : memref<80x128xf32, #tpu.memory_space<vmem>>, vector<16xf32>,
        %scan3A_53 = arith.constant 0 : i32
        scf.yield %scan3A_53 : i32
      }
      %scan3A_44 = arith.constant 8 : i32
      %scan3A_45 = arith.constant 0 : i32
      scf.yield %scan3A_45 : i32
    }
    %scan3A_8 = arith.constant 80 : i32
    %mul3A_9 = arith.constant 625 : i32
    %mul3A_10 = arith.muli %arg1, %mul3A_9 : i32
    %add3A_11 = arith.constant 0 : i32
    %add3A_12 = arith.addi %mul3A_10, %add3A_11 : i32
    "tpu.region"() ({
      %run_scoped3A = tpu.sem_alloc : memref<!tpu.dma_semaphore, #tpu.memory_space<semaphore_mem>>
      %dma_start3A = arith.constant 0 : i32
      %dma_start3A_36 = tpu.memref_slice %arg11[%add3A_12, %dma_start3A] : memref<10000x128xf32, #tpu.memory_space<vmem_shared>> -> memref<80x128xf32, #tpu.memory_space<vmem_shared>>
      %dma_start3A_37 = arith.constant 0 : i32
      %dma_start3A_38 = tpu.memref_slice %arg11[%add3A_12, %dma_start3A_37] : memref<10000x128xf32, #tpu.memory_space<vmem_shared>> -> memref<80x128xf32, #tpu.memory_space<vmem_shared>>
      tpu.enqueue_dma source(%arg9 : memref<80x128xf32, #tpu.memory_space<vmem>>) target(%dma_start3A_38 : memref<80x128xf32, #tpu.memory_space<vmem_shared>>) target_semaphore(%run_scoped3A : memref<!tpu.dma_semaphore, #tpu.memory_space<semaphore_mem>>)
      %dma_wait3A = arith.constant 0 : i32
      %dma_wait3A_39 = tpu.memref_slice %arg11[%add3A_12, %dma_wait3A] : memref<10000x128xf32, #tpu.memory_space<vmem_shared>> -> memref<80x128xf32, #tpu.memory_space<vmem_shared>>
      %dma_wait3A_40 = arith.constant 0 : i32
      %dma_wait3A_41 = tpu.memref_slice %arg11[%add3A_12, %dma_wait3A_40] : memref<10000x128xf32, #tpu.memory_space<vmem_shared>> -> memref<80x128xf32, #tpu.memory_space<vmem_shared>>
      tpu.wait_dma2 semaphore(%run_scoped3A : memref<!tpu.dma_semaphore, #tpu.memory_space<semaphore_mem>>) src(%arg9 : memref<80x128xf32, #tpu.memory_space<vmem>>) dst(%dma_wait3A_41 : memref<80x128xf32, #tpu.memory_space<vmem_shared>>)
      tpu.yield
    }) : () -> ()
    %add3A_13 = arith.constant 80 : i32
    %add3A_14 = arith.addi %mul3A_10, %add3A_13 : i32
    "tpu.region"() ({
      %run_scoped3A = tpu.sem_alloc : memref<!tpu.dma_semaphore, #tpu.memory_space<semaphore_mem>>
      %dma_start3A = arith.constant 0 : i32
      %dma_start3A_36 = tpu.memref_slice %arg11[%add3A_14, %dma_start3A] : memref<10000x128xf32, #tpu.memory_space<vmem_shared>> -> memref<80x128xf32, #tpu.memory_space<vmem_shared>>
      %dma_start3A_37 = arith.constant 0 : i32
      %dma_start3A_38 = tpu.memref_slice %arg11[%add3A_14, %dma_start3A_37] : memref<10000x128xf32, #tpu.memory_space<vmem_shared>> -> memref<80x128xf32, #tpu.memory_space<vmem_shared>>
      tpu.enqueue_dma source(%arg9 : memref<80x128xf32, #tpu.memory_space<vmem>>) target(%dma_start3A_38 : memref<80x128xf32, #tpu.memory_space<vmem_shared>>) target_semaphore(%run_scoped3A : memref<!tpu.dma_semaphore, #tpu.memory_space<semaphore_mem>>)
      %dma_wait3A = arith.constant 0 : i32
      %dma_wait3A_39 = tpu.memref_slice %arg11[%add3A_14, %dma_wait3A] : memref<10000x128xf32, #tpu.memory_space<vmem_shared>> -> memref<80x128xf32, #tpu.memory_space<vmem_shared>>
      %dma_wait3A_40 = arith.constant 0 : i32
      %dma_wait3A_41 = tpu.memref_slice %arg11[%add3A_14, %dma_wait3A_40] : memref<10000x128xf32, #tpu.memory_space<vmem_shared>> -> memref<80x128xf32, #tpu.memory_space<vmem_shared>>
      tpu.wait_dma2 semaphore(%run_scoped3A : memref<!tpu.dma_semaphore, #tpu.memory_space<semaphore_mem>>) src(%arg9 : memref<80x128xf32, #tpu.memory_space<vmem>>) dst(%dma_wait3A_41 : memref<80x128xf32, #tpu.memory_space<vmem_shared>>)
      tpu.yield
    }) : () -> ()
    %add3A_15 = arith.constant 160 : i32
    %add3A_16 = arith.addi %mul3A_10, %add3A_15 : i32
    "tpu.region"() ({
      %run_scoped3A = tpu.sem_alloc : memref<!tpu.dma_semaphore, #tpu.memory_space<semaphore_mem>>
      %dma_start3A = arith.constant 0 : i32
      %dma_start3A_36 = tpu.memref_slice %arg11[%add3A_16, %dma_start3A] : memref<10000x128xf32, #tpu.memory_space<vmem_shared>> -> memref<80x128xf32, #tpu.memory_space<vmem_shared>>
      %dma_start3A_37 = arith.constant 0 : i32
      %dma_start3A_38 = tpu.memref_slice %arg11[%add3A_16, %dma_start3A_37] : memref<10000x128xf32, #tpu.memory_space<vmem_shared>> -> memref<80x128xf32, #tpu.memory_space<vmem_shared>>
      tpu.enqueue_dma source(%arg9 : memref<80x128xf32, #tpu.memory_space<vmem>>) target(%dma_start3A_38 : memref<80x128xf32, #tpu.memory_space<vmem_shared>>) target_semaphore(%run_scoped3A : memref<!tpu.dma_semaphore, #tpu.memory_space<semaphore_mem>>)
      %dma_wait3A = arith.constant 0 : i32
      %dma_wait3A_39 = tpu.memref_slice %arg11[%add3A_16, %dma_wait3A] : memref<10000x128xf32, #tpu.memory_space<vmem_shared>> -> memref<80x128xf32, #tpu.memory_space<vmem_shared>>
      %dma_wait3A_40 = arith.constant 0 : i32
      %dma_wait3A_41 = tpu.memref_slice %arg11[%add3A_16, %dma_wait3A_40] : memref<10000x128xf32, #tpu.memory_space<vmem_shared>> -> memref<80x128xf32, #tpu.memory_space<vmem_shared>>
      tpu.wait_dma2 semaphore(%run_scoped3A : memref<!tpu.dma_semaphore, #tpu.memory_space<semaphore_mem>>) src(%arg9 : memref<80x128xf32, #tpu.memory_space<vmem>>) dst(%dma_wait3A_41 : memref<80x128xf32, #tpu.memory_space<vmem_shared>>)
      tpu.yield
    }) : () -> ()
    %add3A_17 = arith.constant 240 : i32
    %add3A_18 = arith.addi %mul3A_10, %add3A_17 : i32
    "tpu.region"() ({
      %run_scoped3A = tpu.sem_alloc : memref<!tpu.dma_semaphore, #tpu.memory_space<semaphore_mem>>
      %dma_start3A = arith.constant 0 : i32
      %dma_start3A_36 = tpu.memref_slice %arg11[%add3A_18, %dma_start3A] : memref<10000x128xf32, #tpu.memory_space<vmem_shared>> -> memref<80x128xf32, #tpu.memory_space<vmem_shared>>
      %dma_start3A_37 = arith.constant 0 : i32
      %dma_start3A_38 = tpu.memref_slice %arg11[%add3A_18, %dma_start3A_37] : memref<10000x128xf32, #tpu.memory_space<vmem_shared>> -> memref<80x128xf32, #tpu.memory_space<vmem_shared>>
      tpu.enqueue_dma source(%arg9 : memref<80x128xf32, #tpu.memory_space<vmem>>) target(%dma_start3A_38 : memref<80x128xf32, #tpu.memory_space<vmem_shared>>) target_semaphore(%run_scoped3A : memref<!tpu.dma_semaphore, #tpu.memory_space<semaphore_mem>>)
      %dma_wait3A = arith.constant 0 : i32
      %dma_wait3A_39 = tpu.memref_slice %arg11[%add3A_18, %dma_wait3A] : memref<10000x128xf32, #tpu.memory_space<vmem_shared>> -> memref<80x128xf32, #tpu.memory_space<vmem_shared>>
      %dma_wait3A_40 = arith.constant 0 : i32
      %dma_wait3A_41 = tpu.memref_slice %arg11[%add3A_18, %dma_wait3A_40] : memref<10000x128xf32, #tpu.memory_space<vmem_shared>> -> memref<80x128xf32, #tpu.memory_space<vmem_shared>>
      tpu.wait_dma2 semaphore(%run_scoped3A : memref<!tpu.dma_semaphore, #tpu.memory_space<semaphore_mem>>) src(%arg9 : memref<80x128xf32, #tpu.memory_space<vmem>>) dst(%dma_wait3A_41 : memref<80x128xf32, #tpu.memory_space<vmem_shared>>)
      tpu.yield
    }) : () -> ()
    %add3A_19 = arith.constant 320 : i32
    %add3A_20 = arith.addi %mul3A_10, %add3A_19 : i32
    "tpu.region"() ({
      %run_scoped3A = tpu.sem_alloc : memref<!tpu.dma_semaphore, #tpu.memory_space<semaphore_mem>>
      %dma_start3A = arith.constant 0 : i32
      %dma_start3A_36 = tpu.memref_slice %arg11[%add3A_20, %dma_start3A] : memref<10000x128xf32, #tpu.memory_space<vmem_shared>> -> memref<80x128xf32, #tpu.memory_space<vmem_shared>>
      %dma_start3A_37 = arith.constant 0 : i32
      %dma_start3A_38 = tpu.memref_slice %arg11[%add3A_20, %dma_start3A_37] : memref<10000x128xf32, #tpu.memory_space<vmem_shared>> -> memref<80x128xf32, #tpu.memory_space<vmem_shared>>
      tpu.enqueue_dma source(%arg9 : memref<80x128xf32, #tpu.memory_space<vmem>>) target(%dma_start3A_38 : memref<80x128xf32, #tpu.memory_space<vmem_shared>>) target_semaphore(%run_scoped3A : memref<!tpu.dma_semaphore, #tpu.memory_space<semaphore_mem>>)
      %dma_wait3A = arith.constant 0 : i32
      %dma_wait3A_39 = tpu.memref_slice %arg11[%add3A_20, %dma_wait3A] : memref<10000x128xf32, #tpu.memory_space<vmem_shared>> -> memref<80x128xf32, #tpu.memory_space<vmem_shared>>
      %dma_wait3A_40 = arith.constant 0 : i32
      %dma_wait3A_41 = tpu.memref_slice %arg11[%add3A_20, %dma_wait3A_40] : memref<10000x128xf32, #tpu.memory_space<vmem_shared>> -> memref<80x128xf32, #tpu.memory_space<vmem_shared>>
      tpu.wait_dma2 semaphore(%run_scoped3A : memref<!tpu.dma_semaphore, #tpu.memory_space<semaphore_mem>>) src(%arg9 : memref<80x128xf32, #tpu.memory_space<vmem>>) dst(%dma_wait3A_41 : memref<80x128xf32, #tpu.memory_space<vmem_shared>>)
      tpu.yield
    }) : () -> ()
    %add3A_21 = arith.constant 400 : i32
    %add3A_22 = arith.addi %mul3A_10, %add3A_21 : i32
    "tpu.region"() ({
      %run_scoped3A = tpu.sem_alloc : memref<!tpu.dma_semaphore, #tpu.memory_space<semaphore_mem>>
      %dma_start3A = arith.constant 0 : i32
      %dma_start3A_36 = tpu.memref_slice %arg11[%add3A_22, %dma_start3A] : memref<10000x128xf32, #tpu.memory_space<vmem_shared>> -> memref<80x128xf32, #tpu.memory_space<vmem_shared>>
      %dma_start3A_37 = arith.constant 0 : i32
      %dma_start3A_38 = tpu.memref_slice %arg11[%add3A_22, %dma_start3A_37] : memref<10000x128xf32, #tpu.memory_space<vmem_shared>> -> memref<80x128xf32, #tpu.memory_space<vmem_shared>>
      tpu.enqueue_dma source(%arg9 : memref<80x128xf32, #tpu.memory_space<vmem>>) target(%dma_start3A_38 : memref<80x128xf32, #tpu.memory_space<vmem_shared>>) target_semaphore(%run_scoped3A : memref<!tpu.dma_semaphore, #tpu.memory_space<semaphore_mem>>)
      %dma_wait3A = arith.constant 0 : i32
      %dma_wait3A_39 = tpu.memref_slice %arg11[%add3A_22, %dma_wait3A] : memref<10000x128xf32, #tpu.memory_space<vmem_shared>> -> memref<80x128xf32, #tpu.memory_space<vmem_shared>>
      %dma_wait3A_40 = arith.constant 0 : i32
      %dma_wait3A_41 = tpu.memref_slice %arg11[%add3A_22, %dma_wait3A_40] : memref<10000x128xf32, #tpu.memory_space<vmem_shared>> -> memref<80x128xf32, #tpu.memory_space<vmem_shared>>
      tpu.wait_dma2 semaphore(%run_scoped3A : memref<!tpu.dma_semaphore, #tpu.memory_space<semaphore_mem>>) src(%arg9 : memref<80x128xf32, #tpu.memory_space<vmem>>) dst(%dma_wait3A_41 : memref<80x128xf32, #tpu.memory_space<vmem_shared>>)
      tpu.yield
    }) : () -> ()
    %add3A_23 = arith.constant 480 : i32
    %add3A_24 = arith.addi %mul3A_10, %add3A_23 : i32
    "tpu.region"() ({
      %run_scoped3A = tpu.sem_alloc : memref<!tpu.dma_semaphore, #tpu.memory_space<semaphore_mem>>
      %dma_start3A = arith.constant 0 : i32
      %dma_start3A_36 = tpu.memref_slice %arg11[%add3A_24, %dma_start3A] : memref<10000x128xf32, #tpu.memory_space<vmem_shared>> -> memref<80x128xf32, #tpu.memory_space<vmem_shared>>
      %dma_start3A_37 = arith.constant 0 : i32
      %dma_start3A_38 = tpu.memref_slice %arg11[%add3A_24, %dma_start3A_37] : memref<10000x128xf32, #tpu.memory_space<vmem_shared>> -> memref<80x128xf32, #tpu.memory_space<vmem_shared>>
      tpu.enqueue_dma source(%arg9 : memref<80x128xf32, #tpu.memory_space<vmem>>) target(%dma_start3A_38 : memref<80x128xf32, #tpu.memory_space<vmem_shared>>) target_semaphore(%run_scoped3A : memref<!tpu.dma_semaphore, #tpu.memory_space<semaphore_mem>>)
      %dma_wait3A = arith.constant 0 : i32
      %dma_wait3A_39 = tpu.memref_slice %arg11[%add3A_24, %dma_wait3A] : memref<10000x128xf32, #tpu.memory_space<vmem_shared>> -> memref<80x128xf32, #tpu.memory_space<vmem_shared>>
      %dma_wait3A_40 = arith.constant 0 : i32
      %dma_wait3A_41 = tpu.memref_slice %arg11[%add3A_24, %dma_wait3A_40] : memref<10000x128xf32, #tpu.memory_space<vmem_shared>> -> memref<80x128xf32, #tpu.memory_space<vmem_shared>>
      tpu.wait_dma2 semaphore(%run_scoped3A : memref<!tpu.dma_semaphore, #tpu.memory_space<semaphore_mem>>) src(%arg9 : memref<80x128xf32, #tpu.memory_space<vmem>>) dst(%dma_wait3A_41 : memref<80x128xf32, #tpu.memory_space<vmem_shared>>)
      tpu.yield
    }) : () -> ()
    %add3A_25 = arith.constant 625 : i32
    %add3A_26 = arith.addi %mul3A_10, %add3A_25 : i32
    %sub3A = arith.constant 65 : i32
    %sub3A_27 = arith.subi %add3A_26, %sub3A : i32
    "tpu.region"() ({
      %run_scoped3A = tpu.sem_alloc : memref<!tpu.dma_semaphore, #tpu.memory_space<semaphore_mem>>
      %dma_start3A = arith.constant 0 : i32
      %dma_start3A_36 = arith.constant 0 : i32
      %dma_start3A_37 = tpu.memref_slice %arg9[%dma_start3A, %dma_start3A_36] : memref<80x128xf32, #tpu.memory_space<vmem>> -> memref<65x128xf32, #tpu.memory_space<vmem>>
      %dma_start3A_38 = arith.constant 0 : i32
      %dma_start3A_39 = tpu.memref_slice %arg11[%sub3A_27, %dma_start3A_38] : memref<10000x128xf32, #tpu.memory_space<vmem_shared>> -> memref<65x128xf32, #tpu.memory_space<vmem_shared>>
      %dma_start3A_40 = arith.constant 0 : i32
      %dma_start3A_41 = tpu.memref_slice %arg11[%sub3A_27, %dma_start3A_40] : memref<10000x128xf32, #tpu.memory_space<vmem_shared>> -> memref<65x128xf32, #tpu.memory_space<vmem_shared>>
      %dma_start3A_42 = arith.constant 0 : i32
      %dma_start3A_43 = arith.constant 0 : i32
      %dma_start3A_44 = tpu.memref_slice %arg9[%dma_start3A_42, %dma_start3A_43] : memref<80x128xf32, #tpu.memory_space<vmem>> -> memref<65x128xf32, #tpu.memory_space<vmem>>
      tpu.enqueue_dma source(%dma_start3A_44 : memref<65x128xf32, #tpu.memory_space<vmem>>) target(%dma_start3A_41 : memref<65x128xf32, #tpu.memory_space<vmem_shared>>) target_semaphore(%run_scoped3A : memref<!tpu.dma_semaphore, #tpu.memory_space<semaphore_mem>>)
      %dma_wait3A = arith.constant 0 : i32
      %dma_wait3A_45 = arith.constant 0 : i32
      %dma_wait3A_46 = tpu.memref_slice %arg9[%dma_wait3A, %dma_wait3A_45] : memref<80x128xf32, #tpu.memory_space<vmem>> -> memref<65x128xf32, #tpu.memory_space<vmem>>
      %dma_wait3A_47 = arith.constant 0 : i32
      %dma_wait3A_48 = tpu.memref_slice %arg11[%sub3A_27, %dma_wait3A_47] : memref<10000x128xf32, #tpu.memory_space<vmem_shared>> -> memref<65x128xf32, #tpu.memory_space<vmem_shared>>
      %dma_wait3A_49 = arith.constant 0 : i32
      %dma_wait3A_50 = tpu.memref_slice %arg11[%sub3A_27, %dma_wait3A_49] : memref<10000x128xf32, #tpu.memory_space<vmem_shared>> -> memref<65x128xf32, #tpu.memory_space<vmem_shared>>
      %dma_wait3A_51 = arith.constant 0 : i32
      %dma_wait3A_52 = arith.constant 0 : i32
      %dma_wait3A_53 = tpu.memref_slice %arg9[%dma_wait3A_51, %dma_wait3A_52] : memref<80x128xf32, #tpu.memory_space<vmem>> -> memref<65x128xf32, #tpu.memory_space<vmem>>
      tpu.wait_dma2 semaphore(%run_scoped3A : memref<!tpu.dma_semaphore, #tpu.memory_space<semaphore_mem>>) src(%dma_wait3A_53 : memref<65x128xf32, #tpu.memory_space<vmem>>) dst(%dma_wait3A_50 : memref<65x128xf32, #tpu.memory_space<vmem_shared>>)
      tpu.yield
    }) : () -> ()
    %barrier3A = arith.constant 0 : index
    tpu.barrier barrier_id(%barrier3A)
    %scan3A_28 = arith.constant 0 : i32
    %scan3A_29 = arith.constant 0 : i32
    %scan3A_30 = arith.constant 125 : i32
    %scan3A_31 = arith.addi %scan3A_29, %scan3A_30 : i32
    %scan3A_32 = arith.constant 1 : i32
    %scan3A_33 = scf.for %scan3A_36 = %scan3A_29 to %scan3A_31 step %scan3A_32 iter_args(%scan3A_37 = %scan3A_28) -> (i32)  : i32 {
      %mul3A_38 = arith.constant 80 : i32
      %mul3A_39 = arith.muli %scan3A_36, %mul3A_38 : i32
      %add3A_40 = arith.addi %add3A, %mul3A_39 : i32
      "tpu.region"() ({
        %run_scoped3A = tpu.sem_alloc : memref<!tpu.dma_semaphore, #tpu.memory_space<semaphore_mem>>
        %dma_start3A_53 = tpu.memref_slice %arg4[%add3A_40] : memref<320000xi32, #tpu.memory_space<hbm>> -> memref<80xi32, #tpu.memory_space<hbm>>
        %dma_start3A_54 = tpu.memref_slice %arg4[%add3A_40] : memref<320000xi32, #tpu.memory_space<hbm>> -> memref<80xi32, #tpu.memory_space<hbm>>
        tpu.enqueue_dma source(%dma_start3A_54 : memref<80xi32, #tpu.memory_space<hbm>>) target(%arg7 : memref<80xi32, #tpu.memory_space<vmem>>) target_semaphore(%run_scoped3A : memref<!tpu.dma_semaphore, #tpu.memory_space<semaphore_mem>>)
        %dma_wait3A_55 = tpu.memref_slice %arg4[%add3A_40] : memref<320000xi32, #tpu.memory_space<hbm>> -> memref<80xi32, #tpu.memory_space<hbm>>
        %dma_wait3A_56 = tpu.memref_slice %arg4[%add3A_40] : memref<320000xi32, #tpu.memory_space<hbm>> -> memref<80xi32, #tpu.memory_space<hbm>>
        tpu.wait_dma2 semaphore(%run_scoped3A : memref<!tpu.dma_semaphore, #tpu.memory_space<semaphore_mem>>) src(%dma_wait3A_56 : memref<80xi32, #tpu.memory_space<hbm>>) dst(%arg7 : memref<80xi32, #tpu.memory_space<vmem>>)
        tpu.yield
      }) : () -> ()
      "tpu.region"() ({
        %run_scoped3A = tpu.sem_alloc : memref<!tpu.dma_semaphore, #tpu.memory_space<semaphore_mem>>
        %dma_start3A_53 = tpu.memref_slice %arg5[%add3A_40] : memref<320000xi32, #tpu.memory_space<hbm>> -> memref<80xi32, #tpu.memory_space<hbm>>
        %dma_start3A_54 = tpu.memref_slice %arg5[%add3A_40] : memref<320000xi32, #tpu.memory_space<hbm>> -> memref<80xi32, #tpu.memory_space<hbm>>
        tpu.enqueue_dma source(%dma_start3A_54 : memref<80xi32, #tpu.memory_space<hbm>>) target(%arg8 : memref<80xi32, #tpu.memory_space<vmem>>) target_semaphore(%run_scoped3A : memref<!tpu.dma_semaphore, #tpu.memory_space<semaphore_mem>>)
        %dma_wait3A_55 = tpu.memref_slice %arg5[%add3A_40] : memref<320000xi32, #tpu.memory_space<hbm>> -> memref<80xi32, #tpu.memory_space<hbm>>
        %dma_wait3A_56 = tpu.memref_slice %arg5[%add3A_40] : memref<320000xi32, #tpu.memory_space<hbm>> -> memref<80xi32, #tpu.memory_space<hbm>>
        tpu.wait_dma2 semaphore(%run_scoped3A : memref<!tpu.dma_semaphore, #tpu.memory_space<semaphore_mem>>) src(%dma_wait3A_56 : memref<80xi32, #tpu.memory_space<hbm>>) dst(%arg8 : memref<80xi32, #tpu.memory_space<vmem>>)
        tpu.yield
      }) : () -> ()
      %dma_start3A = arith.constant 0 : i32
      %dma_start3A_41 = arith.constant 0 : i32
      %dma_start3A_42 = tpu.memref_slice %arg3[%dma_start3A, %dma_start3A_41] : memref<10000x128xf32, #tpu.memory_space<hbm>> -> memref<10000x128xf32, #tpu.memory_space<hbm>>
      tpu.enqueue_indirect_dma source(%dma_start3A_42 : memref<10000x128xf32, #tpu.memory_space<hbm>>) target(%arg9 : memref<80x128xf32, #tpu.memory_space<vmem>>) offsets(%arg7 : memref<80xi32, #tpu.memory_space<vmem>>) semaphore(%arg12 : memref<!tpu.dma_semaphore, #tpu.memory_space<semaphore_mem>>)
      %dma_wait3A = arith.constant 0 : i32
      %dma_wait3A_43 = arith.constant 0 : i32
      %dma_wait3A_44 = tpu.memref_slice %arg3[%dma_wait3A, %dma_wait3A_43] : memref<10000x128xf32, #tpu.memory_space<hbm>> -> memref<10000x128xf32, #tpu.memory_space<hbm>>
      tpu.wait_indirect_dma semaphore(%arg12 : memref<!tpu.dma_semaphore, #tpu.memory_space<semaphore_mem>>) src(%dma_wait3A_44 : memref<10000x128xf32, #tpu.memory_space<hbm>>) dst(%arg9 : memref<80x128xf32, #tpu.memory_space<vmem>>)
      "tpu.region"() ({
        %run_scoped3A = tpu.sem_alloc : memref<!tpu.dma_semaphore, #tpu.memory_space<semaphore_mem>>
        %dma_start3A_53 = arith.constant 0 : i32
        %dma_start3A_54 = tpu.memref_slice %arg2[%add3A_40, %dma_start3A_53] : memref<320000x128xf32, #tpu.memory_space<hbm>> -> memref<80x128xf32, #tpu.memory_space<hbm>>
        %dma_start3A_55 = arith.constant 0 : i32
        %dma_start3A_56 = tpu.memref_slice %arg2[%add3A_40, %dma_start3A_55] : memref<320000x128xf32, #tpu.memory_space<hbm>> -> memref<80x128xf32, #tpu.memory_space<hbm>>
        tpu.enqueue_dma source(%dma_start3A_56 : memref<80x128xf32, #tpu.memory_space<hbm>>) target(%arg10 : memref<80x128xf32, #tpu.memory_space<vmem>>) target_semaphore(%run_scoped3A : memref<!tpu.dma_semaphore, #tpu.memory_space<semaphore_mem>>)
        %dma_wait3A_57 = arith.constant 0 : i32
        %dma_wait3A_58 = tpu.memref_slice %arg2[%add3A_40, %dma_wait3A_57] : memref<320000x128xf32, #tpu.memory_space<hbm>> -> memref<80x128xf32, #tpu.memory_space<hbm>>
        %dma_wait3A_59 = arith.constant 0 : i32
        %dma_wait3A_60 = tpu.memref_slice %arg2[%add3A_40, %dma_wait3A_59] : memref<320000x128xf32, #tpu.memory_space<hbm>> -> memref<80x128xf32, #tpu.memory_space<hbm>>
        tpu.wait_dma2 semaphore(%run_scoped3A : memref<!tpu.dma_semaphore, #tpu.memory_space<semaphore_mem>>) src(%dma_wait3A_60 : memref<80x128xf32, #tpu.memory_space<hbm>>) dst(%arg10 : memref<80x128xf32, #tpu.memory_space<vmem>>)
        tpu.yield
      }) : () -> ()
      %scan3A_45 = arith.constant 0 : i32
      %scan3A_46 = arith.constant 0 : i32
      %scan3A_47 = arith.constant 80 : i32
      %scan3A_48 = arith.addi %scan3A_46, %scan3A_47 : i32
      %scan3A_49 = arith.constant 1 : i32
      %scan3A_50 = scf.for %scan3A_53 = %scan3A_46 to %scan3A_48 step %scan3A_49 iter_args(%scan3A_54 = %scan3A_45) -> (i32)  : i32 {
        %scan3A_55 = arith.constant 0 : i32
        %scan3A_56 = arith.constant 0 : i32
        %scan3A_57 = arith.constant 8 : i32
        %scan3A_58 = arith.addi %scan3A_56, %scan3A_57 : i32
        %scan3A_59 = arith.constant 1 : i32
        %scan3A_60 = scf.for %scan3A_63 = %scan3A_56 to %scan3A_58 step %scan3A_59 iter_args(%scan3A_64 = %scan3A_55) -> (i32)  : i32 {
          %mul3A_65 = arith.constant 16 : i32
          %mul3A_66 = arith.muli %scan3A_63, %mul3A_65 : i32
          %get3A = arith.index_cast %scan3A_53 : i32 to index
          %get3A_67 = arith.index_cast %mul3A_66 : i32 to index
          %get3A_68 = tpu.vector_load %arg9[%get3A, %get3A_67] {strides = array<i32>} : memref<80x128xf32, #tpu.memory_space<vmem>>, vector<16xf32>,
          %get3A_69 = arith.index_cast %scan3A_53 : i32 to index
          %get3A_70 = arith.index_cast %mul3A_66 : i32 to index
          %get3A_71 = tpu.vector_load %arg10[%get3A_69, %get3A_70] {strides = array<i32>} : memref<80x128xf32, #tpu.memory_space<vmem>>, vector<16xf32>,
          %mul3A_72 = arith.mulf %get3A_68, %get3A_71 : vector<16xf32>
          %swap3A = arith.index_cast %scan3A_53 : i32 to index
          %swap3A_73 = arith.index_cast %mul3A_66 : i32 to index
          %swap3A_74 = tpu.vector_load %arg9[%swap3A, %swap3A_73] {strides = array<i32>} : memref<80x128xf32, #tpu.memory_space<vmem>>, vector<16xf32>,
          tpu.vector_store %arg9[%swap3A, %swap3A_73], %mul3A_72 {strides = array<i32>} : memref<80x128xf32, #tpu.memory_space<vmem>>, vector<16xf32>,
          %scan3A_75 = arith.constant 0 : i32
          scf.yield %scan3A_75 : i32
        }
        %scan3A_61 = arith.constant 8 : i32
        %scan3A_62 = arith.constant 0 : i32
        scf.yield %scan3A_62 : i32
      }
      %scan3A_51 = arith.constant 80 : i32
      "tpu.region"() ({
        %run_scoped3A = tpu.sem_alloc : memref<!tpu.dma_semaphore, #tpu.memory_space<semaphore_mem>>
        %dma_start3A_53 = arith.constant 0 : i32
        %dma_start3A_54 = arith.constant 0 : i32
        %dma_start3A_55 = tpu.memref_slice %arg11[%dma_start3A_53, %dma_start3A_54] : memref<10000x128xf32, #tpu.memory_space<vmem_shared>> -> memref<10000x128xf32, #tpu.memory_space<vmem_shared>>
        tpu.enqueue_indirect_dma source(%arg9 : memref<80x128xf32, #tpu.memory_space<vmem>>) target(%dma_start3A_55 : memref<10000x128xf32, #tpu.memory_space<vmem_shared>>) offsets(%arg8 : memref<80xi32, #tpu.memory_space<vmem>>) semaphore(%run_scoped3A : memref<!tpu.dma_semaphore, #tpu.memory_space<semaphore_mem>>) {add = true}
        %dma_wait3A_56 = arith.constant 0 : i32
        %dma_wait3A_57 = arith.constant 0 : i32
        %dma_wait3A_58 = tpu.memref_slice %arg11[%dma_wait3A_56, %dma_wait3A_57] : memref<10000x128xf32, #tpu.memory_space<vmem_shared>> -> memref<10000x128xf32, #tpu.memory_space<vmem_shared>>
        tpu.wait_indirect_dma semaphore(%run_scoped3A : memref<!tpu.dma_semaphore, #tpu.memory_space<semaphore_mem>>) src(%arg9 : memref<80x128xf32, #tpu.memory_space<vmem>>) dst(%dma_wait3A_58 : memref<10000x128xf32, #tpu.memory_space<vmem_shared>>)
        tpu.yield
      }) : () -> ()
      %scan3A_52 = arith.constant 0 : i32
      scf.yield %scan3A_52 : i32
    }
    %scan3A_34 = arith.constant 125 : i32
    %barrier3A_35 = arith.constant 0 : index
    tpu.barrier barrier_id(%barrier3A_35)
    "tpu.region"() ({
      %run_scoped3A = tpu.sem_alloc : memref<!tpu.dma_semaphore, #tpu.memory_space<semaphore_mem>>
      %dma_start3A = arith.constant 0 : i32
      %dma_start3A_36 = tpu.memref_slice %arg6[%arg0, %mul3A_10, %dma_start3A] : memref<2x10000x128xf32, #tpu.memory_space<hbm>> -> memref<1x625x128xf32, #tpu.memory_space<hbm>>
      %dma_start3A_37 = tpu.memref_squeeze %dma_start3A_36 : memref<1x625x128xf32, #tpu.memory_space<hbm>> -> memref<625x128xf32, #tpu.memory_space<hbm>>
      %dma_start3A_38 = arith.constant 0 : i32
      %dma_start3A_39 = tpu.memref_slice %arg11[%mul3A_10, %dma_start3A_38] : memref<10000x128xf32, #tpu.memory_space<vmem_shared>> -> memref<625x128xf32, #tpu.memory_space<vmem_shared>>
      tpu.enqueue_dma source(%dma_start3A_39 : memref<625x128xf32, #tpu.memory_space<vmem_shared>>) target(%dma_start3A_37 : memref<625x128xf32, #tpu.memory_space<hbm>>) target_semaphore(%run_scoped3A : memref<!tpu.dma_semaphore, #tpu.memory_space<semaphore_mem>>)
      %dma_wait3A = arith.constant 0 : i32
      %dma_wait3A_40 = tpu.memref_slice %arg6[%arg0, %mul3A_10, %dma_wait3A] : memref<2x10000x128xf32, #tpu.memory_space<hbm>> -> memref<1x625x128xf32, #tpu.memory_space<hbm>>
      %dma_wait3A_41 = tpu.memref_squeeze %dma_wait3A_40 : memref<1x625x128xf32, #tpu.memory_space<hbm>> -> memref<625x128xf32, #tpu.memory_space<hbm>>
      %dma_wait3A_42 = arith.constant 0 : i32
      %dma_wait3A_43 = tpu.memref_slice %arg11[%mul3A_10, %dma_wait3A_42] : memref<10000x128xf32, #tpu.memory_space<vmem_shared>> -> memref<625x128xf32, #tpu.memory_space<vmem_shared>>
      tpu.wait_dma2 semaphore(%run_scoped3A : memref<!tpu.dma_semaphore, #tpu.memory_space<semaphore_mem>>) src(%dma_wait3A_43 : memref<625x128xf32, #tpu.memory_space<vmem_shared>>) dst(%dma_wait3A_41 : memref<625x128xf32, #tpu.memory_space<hbm>>)
      tpu.yield
    }) : () -> ()
    return
  }
}

module attributes {stable_mosaic.version = 14 : i64} {
  func.func @_tc_pre_body(%arg0: i32, %arg1: memref<2000x128xf32, #tpu.memory_space<vmem>>, %arg2: memref<128x128xf32, #tpu.memory_space<vmem>>, %arg3: memref<128x128xf32, #tpu.memory_space<vmem>>, %arg4: memref<1x128xf32, #tpu.memory_space<vmem>>, %arg5: memref<128x128xf32, #tpu.memory_space<vmem>>, %arg6: memref<2000x128xf32, #tpu.memory_space<vmem>>, %arg7: memref<2000x128xf32, #tpu.memory_space<vmem>>, %arg8: memref<2000x128xf32, #tpu.memory_space<vmem>>) attributes {dimension_semantics = [#tpu.dimension_semantics<arbitrary>], iteration_bounds = array<i64: 5>, scalar_prefetch = 0 : i64, scratch_operands = 0 : i64, tpu.core_type = #tpu.core_type<tc>, window_params = [{transform_indices = @transform_0, window_bounds = array<i64: 2000, 128>}, {pipeline_mode = #tpu.pipeline_mode<synchronous>, transform_indices = @transform_1, window_bounds = array<i64: 128, 128>}, {pipeline_mode = #tpu.pipeline_mode<synchronous>, transform_indices = @transform_2, window_bounds = array<i64: 128, 128>}, {pipeline_mode = #tpu.pipeline_mode<synchronous>, transform_indices = @transform_3, window_bounds = array<i64: 1, 128>}, {pipeline_mode = #tpu.pipeline_mode<synchronous>, transform_indices = @transform_4, window_bounds = array<i64: 128, 128>}, {transform_indices = @transform_5, window_bounds = array<i64: 2000, 128>}, {transform_indices = @transform_6, window_bounds = array<i64: 2000, 128>}, {transform_indices = @transform_7, window_bounds = array<i64: 2000, 128>}]} {
    %get3A = arith.constant 0 : index
    %get3A_0 = arith.constant 0 : index
    %get3A_1 = vector.load %arg1[%get3A, %get3A_0] : memref<2000x128xf32, #tpu.memory_space<vmem>>, vector<2000x128xf32>
    %get3A_2 = arith.constant 0 : index
    %get3A_3 = arith.constant 0 : index
    %get3A_4 = vector.load %arg2[%get3A_2, %get3A_3] : memref<128x128xf32, #tpu.memory_space<vmem>>, vector<128x128xf32>
    %dot_general3A = arith.constant dense<0.000000e+00> : vector<2000x128xf32>
    %dot_general3A_5 = tpu.matmul %get3A_1, %get3A_4, %dot_general3A {dimension_numbers = #tpu.dot_dimension_numbers<[1], [0], [0], [1], [0, 0, 1, 1], [], []>, transpose_lhs_hint = false} : vector<2000x128xf32>, vector<128x128xf32>, vector<2000x128xf32> -> vector<2000x128xf32>
    %swap3A = arith.constant 0 : index
    %swap3A_6 = arith.constant 0 : index
    %swap3A_7 = vector.load %arg6[%swap3A, %swap3A_6] : memref<2000x128xf32, #tpu.memory_space<vmem>>, vector<2000x128xf32>
    tpu.vector_store %arg6[%swap3A, %swap3A_6], %dot_general3A_5 {strides = array<i32>} : memref<2000x128xf32, #tpu.memory_space<vmem>>, vector<2000x128xf32>,
    %get3A_8 = arith.constant 0 : index
    %get3A_9 = arith.constant 0 : index
    %get3A_10 = vector.load %arg3[%get3A_8, %get3A_9] : memref<128x128xf32, #tpu.memory_space<vmem>>, vector<128x128xf32>
    %dot_general3A_11 = arith.constant dense<0.000000e+00> : vector<2000x128xf32>
    %dot_general3A_12 = tpu.matmul %get3A_1, %get3A_10, %dot_general3A_11 {dimension_numbers = #tpu.dot_dimension_numbers<[1], [0], [0], [1], [0, 0, 1, 1], [], []>, transpose_lhs_hint = false} : vector<2000x128xf32>, vector<128x128xf32>, vector<2000x128xf32> -> vector<2000x128xf32>
    %get3A_13 = arith.constant 0 : index
    %get3A_14 = arith.constant 0 : index
    %get3A_15 = vector.load %arg4[%get3A_13, %get3A_14] : memref<1x128xf32, #tpu.memory_space<vmem>>, vector<1x128xf32>
    %add3A = vector.broadcast %get3A_15 : vector<1x128xf32> to vector<2000x128xf32>
    %add3A_16 = arith.addf %dot_general3A_12, %add3A : vector<2000x128xf32>
    %swap3A_17 = arith.constant 0 : index
    %swap3A_18 = arith.constant 0 : index
    %swap3A_19 = vector.load %arg7[%swap3A_17, %swap3A_18] : memref<2000x128xf32, #tpu.memory_space<vmem>>, vector<2000x128xf32>
    tpu.vector_store %arg7[%swap3A_17, %swap3A_18], %add3A_16 {strides = array<i32>} : memref<2000x128xf32, #tpu.memory_space<vmem>>, vector<2000x128xf32>,
    %get3A_20 = arith.constant 0 : index
    %get3A_21 = arith.constant 0 : index
    %get3A_22 = vector.load %arg5[%get3A_20, %get3A_21] : memref<128x128xf32, #tpu.memory_space<vmem>>, vector<128x128xf32>
    %dot_general3A_23 = arith.constant dense<0.000000e+00> : vector<2000x128xf32>
    %dot_general3A_24 = tpu.matmul %get3A_1, %get3A_22, %dot_general3A_23 {dimension_numbers = #tpu.dot_dimension_numbers<[1], [0], [0], [1], [0, 0, 1, 1], [], []>, transpose_lhs_hint = false} : vector<2000x128xf32>, vector<128x128xf32>, vector<2000x128xf32> -> vector<2000x128xf32>
    %swap3A_25 = arith.constant 0 : index
    %swap3A_26 = arith.constant 0 : index
    %swap3A_27 = vector.load %arg8[%swap3A_25, %swap3A_26] : memref<2000x128xf32, #tpu.memory_space<vmem>>, vector<2000x128xf32>
    tpu.vector_store %arg8[%swap3A_25, %swap3A_26], %dot_general3A_24 {strides = array<i32>} : memref<2000x128xf32, #tpu.memory_space<vmem>>, vector<2000x128xf32>,
    return
  }
  func.func @transform_0(%arg0: i32) -> (i32, i32) {
    %c0_i32 = arith.constant 0 : i32
    %c0_i32_0 = arith.constant 0 : i32
    return %arg0, %c0_i32 : i32, i32
  }
  func.func @transform_1(%arg0: i32) -> (i32, i32) {
    %c0_i32 = arith.constant 0 : i32
    %c0_i32_0 = arith.constant 0 : i32
    %c0_i32_1 = arith.constant 0 : i32
    return %c0_i32, %c0_i32_0 : i32, i32
  }
  func.func @transform_2(%arg0: i32) -> (i32, i32) {
    %c0_i32 = arith.constant 0 : i32
    %c0_i32_0 = arith.constant 0 : i32
    %c0_i32_1 = arith.constant 0 : i32
    return %c0_i32, %c0_i32_0 : i32, i32
  }
  func.func @transform_3(%arg0: i32) -> (i32, i32) {
    %c0_i32 = arith.constant 0 : i32
    %c0_i32_0 = arith.constant 0 : i32
    %c0_i32_1 = arith.constant 0 : i32
    return %c0_i32, %c0_i32_0 : i32, i32
  }
  func.func @transform_4(%arg0: i32) -> (i32, i32) {
    %c0_i32 = arith.constant 0 : i32
    %c0_i32_0 = arith.constant 0 : i32
    %c0_i32_1 = arith.constant 0 : i32
    return %c0_i32, %c0_i32_0 : i32, i32
  }
  func.func @transform_5(%arg0: i32) -> (i32, i32) {
    %c0_i32 = arith.constant 0 : i32
    %c0_i32_0 = arith.constant 0 : i32
    return %arg0, %c0_i32 : i32, i32
  }
  func.func @transform_6(%arg0: i32) -> (i32, i32) {
    %c0_i32 = arith.constant 0 : i32
    %c0_i32_0 = arith.constant 0 : i32
    return %arg0, %c0_i32 : i32, i32
  }
  func.func @transform_7(%arg0: i32) -> (i32, i32) {
    %c0_i32 = arith.constant 0 : i32
    %c0_i32_0 = arith.constant 0 : i32
    return %arg0, %c0_i32 : i32, i32
  }
}

module attributes {stable_mosaic.version = 14 : i64} {
  func.func @_tc_score_body(%arg0: i32, %arg1: memref<512x128xf32, #tpu.memory_space<vmem>>, %arg2: memref<512x1xf32, #tpu.memory_space<vmem>>, %arg3: memref<512x1xf32, #tpu.memory_space<vmem>>, %arg4: memref<128x128xf32, #tpu.memory_space<vmem>>, %arg5: memref<1x128xf32, #tpu.memory_space<vmem>>, %arg6: memref<1x128xf32, #tpu.memory_space<vmem>>, %arg7: memref<1x1xf32, #tpu.memory_space<vmem>>, %arg8: memref<512x1xf32, #tpu.memory_space<vmem>>) attributes {dimension_semantics = [#tpu.dimension_semantics<arbitrary>], iteration_bounds = array<i64: 625>, scalar_prefetch = 0 : i64, scratch_operands = 0 : i64, tpu.core_type = #tpu.core_type<tc>, window_params = [{transform_indices = @transform_0, window_bounds = array<i64: 512, 128>}, {transform_indices = @transform_1, window_bounds = array<i64: 512, 1>}, {transform_indices = @transform_2, window_bounds = array<i64: 512, 1>}, {pipeline_mode = #tpu.pipeline_mode<synchronous>, transform_indices = @transform_3, window_bounds = array<i64: 128, 128>}, {pipeline_mode = #tpu.pipeline_mode<synchronous>, transform_indices = @transform_4, window_bounds = array<i64: 1, 128>}, {pipeline_mode = #tpu.pipeline_mode<synchronous>, transform_indices = @transform_5, window_bounds = array<i64: 1, 128>}, {pipeline_mode = #tpu.pipeline_mode<synchronous>, transform_indices = @transform_6, window_bounds = array<i64: 1, 1>}, {transform_indices = @transform_7, window_bounds = array<i64: 512, 1>}]} {
    %get3A = arith.constant 0 : index
    %get3A_0 = arith.constant 0 : index
    %get3A_1 = vector.load %arg2[%get3A, %get3A_0] : memref<512x1xf32, #tpu.memory_space<vmem>>, vector<512x1xf32>
    %add3A = arith.constant 9.99999996E-13 : f32
    %add3A_2 = vector.broadcast %add3A : f32 to vector<512x1xf32>
    %add3A_3 = arith.addf %get3A_1, %add3A_2 : vector<512x1xf32>
    %sqrt3A = math.sqrt %add3A_3 : vector<512x1xf32>
    %get3A_4 = arith.constant 0 : index
    %get3A_5 = arith.constant 0 : index
    %get3A_6 = vector.load %arg5[%get3A_4, %get3A_5] : memref<1x128xf32, #tpu.memory_space<vmem>>, vector<1x128xf32>
    %sub3A = vector.broadcast %sqrt3A : vector<512x1xf32> to vector<512x128xf32>
    %sub3A_7 = vector.broadcast %get3A_6 : vector<1x128xf32> to vector<512x128xf32>
    %sub3A_8 = arith.subf %sub3A, %sub3A_7 : vector<512x128xf32>
    %integer_pow3A = arith.mulf %sub3A_8, %sub3A_8 : vector<512x128xf32>
    %mul3A = arith.constant -1.200500e+01 : f32
    %mul3A_9 = vector.broadcast %mul3A : f32 to vector<512x128xf32>
    %mul3A_10 = arith.mulf %mul3A_9, %integer_pow3A : vector<512x128xf32>
    %exp3A = math.exp %mul3A_10 : vector<512x128xf32>
    %get3A_11 = arith.constant 0 : index
    %get3A_12 = arith.constant 0 : index
    %get3A_13 = vector.load %arg1[%get3A_11, %get3A_12] : memref<512x128xf32, #tpu.memory_space<vmem>>, vector<512x128xf32>
    %get3A_14 = arith.constant 0 : index
    %get3A_15 = arith.constant 0 : index
    %get3A_16 = vector.load %arg4[%get3A_14, %get3A_15] : memref<128x128xf32, #tpu.memory_space<vmem>>, vector<128x128xf32>
    %dot_general3A = arith.constant dense<0.000000e+00> : vector<512x128xf32>
    %dot_general3A_17 = tpu.matmul %exp3A, %get3A_16, %dot_general3A {dimension_numbers = #tpu.dot_dimension_numbers<[1], [0], [0], [1], [0, 0, 1, 1], [], []>, transpose_lhs_hint = false} : vector<512x128xf32>, vector<128x128xf32>, vector<512x128xf32> -> vector<512x128xf32>
    %add3A_18 = arith.addf %get3A_13, %dot_general3A_17 : vector<512x128xf32>
    %max3A = arith.constant 0.000000e+00 : f32
    %max3A_19 = vector.broadcast %max3A : f32 to vector<512x128xf32>
    %max3A_20 = arith.maximumf %add3A_18, %max3A_19 : vector<512x128xf32>
    %get3A_21 = arith.constant 0 : index
    %get3A_22 = arith.constant 0 : index
    %get3A_23 = vector.load %arg6[%get3A_21, %get3A_22] : memref<1x128xf32, #tpu.memory_space<vmem>>, vector<1x128xf32>
    %mul3A_24 = vector.broadcast %get3A_23 : vector<1x128xf32> to vector<512x128xf32>
    %mul3A_25 = arith.mulf %max3A_20, %mul3A_24 : vector<512x128xf32>
    %reduce_sum3A = arith.constant dense<0.000000e+00> : vector<512xf32>
    %reduce_sum3A_26 = vector.multi_reduction <add>, %mul3A_25, %reduce_sum3A [1] : vector<512x128xf32> to vector<512xf32>
    %broadcast_in_dim3A = vector.shape_cast %reduce_sum3A_26 : vector<512xf32> to vector<512x1xf32>
    %get3A_27 = arith.constant 0 : index
    %get3A_28 = arith.constant 0 : index
    %get3A_29 = vector.load %arg7[%get3A_27, %get3A_28] : memref<1x1xf32, #tpu.memory_space<vmem>>, vector<1x1xf32>
    %add3A_30 = vector.broadcast %get3A_29 : vector<1x1xf32> to vector<512x1xf32>
    %add3A_31 = arith.addf %broadcast_in_dim3A, %add3A_30 : vector<512x1xf32>
    %get3A_32 = arith.constant 0 : index
    %get3A_33 = arith.constant 0 : index
    %get3A_34 = vector.load %arg3[%get3A_32, %get3A_33] : memref<512x1xf32, #tpu.memory_space<vmem>>, vector<512x1xf32>
    %gt3A = arith.constant 0.000000e+00 : f32
    %gt3A_35 = vector.broadcast %gt3A : f32 to vector<512x1xf32>
    %gt3A_36 = arith.cmpf ogt, %get3A_34, %gt3A_35 : vector<512x1xf32>
    %jit3A = arith.constant -1.000000e+30 : f32
    %broadcast_in_dim3A_37 = vector.broadcast %jit3A : f32 to vector<512x1xf32>
    %select_n3A = arith.select %gt3A_36, %add3A_31, %broadcast_in_dim3A_37 : vector<512x1xi1>, vector<512x1xf32>
    %swap3A = arith.constant 0 : index
    %swap3A_38 = arith.constant 0 : index
    %swap3A_39 = vector.load %arg8[%swap3A, %swap3A_38] : memref<512x1xf32, #tpu.memory_space<vmem>>, vector<512x1xf32>
    tpu.vector_store %arg8[%swap3A, %swap3A_38], %select_n3A {strides = array<i32>} : memref<512x1xf32, #tpu.memory_space<vmem>>, vector<512x1xf32>,
    return
  }
  func.func @transform_0(%arg0: i32) -> (i32, i32) {
    %c0_i32 = arith.constant 0 : i32
    %c0_i32_0 = arith.constant 0 : i32
    return %arg0, %c0_i32 : i32, i32
  }
  func.func @transform_1(%arg0: i32) -> (i32, i32) {
    %c0_i32 = arith.constant 0 : i32
    %c0_i32_0 = arith.constant 0 : i32
    return %arg0, %c0_i32 : i32, i32
  }
  func.func @transform_2(%arg0: i32) -> (i32, i32) {
    %c0_i32 = arith.constant 0 : i32
    %c0_i32_0 = arith.constant 0 : i32
    return %arg0, %c0_i32 : i32, i32
  }
  func.func @transform_3(%arg0: i32) -> (i32, i32) {
    %c0_i32 = arith.constant 0 : i32
    %c0_i32_0 = arith.constant 0 : i32
    %c0_i32_1 = arith.constant 0 : i32
    return %c0_i32, %c0_i32_0 : i32, i32
  }
  func.func @transform_4(%arg0: i32) -> (i32, i32) {
    %c0_i32 = arith.constant 0 : i32
    %c0_i32_0 = arith.constant 0 : i32
    %c0_i32_1 = arith.constant 0 : i32
    return %c0_i32, %c0_i32_0 : i32, i32
  }
  func.func @transform_5(%arg0: i32) -> (i32, i32) {
    %c0_i32 = arith.constant 0 : i32
    %c0_i32_0 = arith.constant 0 : i32
    %c0_i32_1 = arith.constant 0 : i32
    return %c0_i32, %c0_i32_0 : i32, i32
  }
  func.func @transform_6(%arg0: i32) -> (i32, i32) {
    %c0_i32 = arith.constant 0 : i32
    %c0_i32_0 = arith.constant 0 : i32
    %c0_i32_1 = arith.constant 0 : i32
    return %c0_i32, %c0_i32_0 : i32, i32
  }
  func.func @transform_7(%arg0: i32) -> (i32, i32) {
    %c0_i32 = arith.constant 0 : i32
    %c0_i32_0 = arith.constant 0 : i32
    return %arg0, %c0_i32 : i32, i32
  }
}

module attributes {stable_mosaic.version = 14 : i64} {
  func.func @_tc_maxsafe_body(%arg0: memref<32x80x128xf32, #tpu.memory_space<vmem>>, %arg1: memref<80x128xf32, #tpu.memory_space<vmem>>) attributes {dimension_semantics = [], scalar_prefetch = 0 : i64, scratch_operands = 0 : i64, tpu.core_type = #tpu.core_type<tc>} {
    %get3A = arith.constant 0 : index
    %get3A_0 = arith.constant 0 : index
    %get3A_1 = arith.constant 0 : index
    %get3A_2 = vector.load %arg0[%get3A, %get3A_0, %get3A_1] : memref<32x80x128xf32, #tpu.memory_space<vmem>>, vector<32x80x128xf32>
    %reduce_max3A = arith.constant dense<0xFF800000> : vector<80x128xf32>
    %reduce_max3A_3 = vector.multi_reduction <maximumf>, %get3A_2, %reduce_max3A [0] : vector<32x80x128xf32> to vector<80x128xf32>
    %lt3A = arith.constant -1.000000e+29 : f32
    %lt3A_4 = vector.broadcast %lt3A : f32 to vector<80x128xf32>
    %lt3A_5 = arith.cmpf olt, %reduce_max3A_3, %lt3A_4 : vector<80x128xf32>
    %jit3A = arith.constant 0.000000e+00 : f32
    %broadcast_in_dim3A = vector.broadcast %jit3A : f32 to vector<80x128xf32>
    %select_n3A = arith.select %lt3A_5, %broadcast_in_dim3A, %reduce_max3A_3 : vector<80x128xi1>, vector<80x128xf32>
    %swap3A = arith.constant 0 : index
    %swap3A_6 = arith.constant 0 : index
    %swap3A_7 = vector.load %arg1[%swap3A, %swap3A_6] : memref<80x128xf32, #tpu.memory_space<vmem>>, vector<80x128xf32>
    tpu.vector_store %arg1[%swap3A, %swap3A_6], %select_n3A {strides = array<i32>} : memref<80x128xf32, #tpu.memory_space<vmem>>, vector<80x128xf32>,
    return
  }
}

module attributes {stable_mosaic.version = 14 : i64} {
  func.func @_tc_sumsafe_body(%arg0: memref<32x80x128xf32, #tpu.memory_space<vmem>>, %arg1: memref<80x128xf32, #tpu.memory_space<vmem>>) attributes {dimension_semantics = [], scalar_prefetch = 0 : i64, scratch_operands = 0 : i64, tpu.core_type = #tpu.core_type<tc>} {
    %get3A = arith.constant 0 : index
    %get3A_0 = arith.constant 0 : index
    %get3A_1 = arith.constant 0 : index
    %get3A_2 = vector.load %arg0[%get3A, %get3A_0, %get3A_1] : memref<32x80x128xf32, #tpu.memory_space<vmem>>, vector<32x80x128xf32>
    %reduce_sum3A = arith.constant dense<0.000000e+00> : vector<80x128xf32>
    %reduce_sum3A_3 = vector.multi_reduction <add>, %get3A_2, %reduce_sum3A [0] : vector<32x80x128xf32> to vector<80x128xf32>
    %gt3A = arith.constant 0.000000e+00 : f32
    %gt3A_4 = vector.broadcast %gt3A : f32 to vector<80x128xf32>
    %gt3A_5 = arith.cmpf ogt, %reduce_sum3A_3, %gt3A_4 : vector<80x128xf32>
    %jit3A = arith.constant 1.000000e+00 : f32
    %broadcast_in_dim3A = vector.broadcast %jit3A : f32 to vector<80x128xf32>
    %select_n3A = arith.select %gt3A_5, %reduce_sum3A_3, %broadcast_in_dim3A : vector<80x128xi1>, vector<80x128xf32>
    %swap3A = arith.constant 0 : index
    %swap3A_6 = arith.constant 0 : index
    %swap3A_7 = vector.load %arg1[%swap3A, %swap3A_6] : memref<80x128xf32, #tpu.memory_space<vmem>>, vector<80x128xf32>
    tpu.vector_store %arg1[%swap3A, %swap3A_6], %select_n3A {strides = array<i32>} : memref<80x128xf32, #tpu.memory_space<vmem>>, vector<80x128xf32>,
    return
  }
}

module attributes {stable_mosaic.version = 14 : i64} {
  func.func @_tc_filter_body(%arg0: i32, %arg1: memref<512x1xf32, #tpu.memory_space<vmem>>, %arg2: memref<512x1xf32, #tpu.memory_space<vmem>>, %arg3: memref<128x128xf32, #tpu.memory_space<vmem>>, %arg4: memref<1x128xf32, #tpu.memory_space<vmem>>, %arg5: memref<128x128xf32, #tpu.memory_space<vmem>>, %arg6: memref<1x128xf32, #tpu.memory_space<vmem>>, %arg7: memref<1x128xf32, #tpu.memory_space<vmem>>, %arg8: memref<512x128xf32, #tpu.memory_space<vmem>>) attributes {dimension_semantics = [#tpu.dimension_semantics<arbitrary>], iteration_bounds = array<i64: 625>, scalar_prefetch = 0 : i64, scratch_operands = 0 : i64, tpu.core_type = #tpu.core_type<tc>, window_params = [{transform_indices = @transform_0, window_bounds = array<i64: 512, 1>}, {transform_indices = @transform_1, window_bounds = array<i64: 512, 1>}, {pipeline_mode = #tpu.pipeline_mode<synchronous>, transform_indices = @transform_2, window_bounds = array<i64: 128, 128>}, {pipeline_mode = #tpu.pipeline_mode<synchronous>, transform_indices = @transform_3, window_bounds = array<i64: 1, 128>}, {pipeline_mode = #tpu.pipeline_mode<synchronous>, transform_indices = @transform_4, window_bounds = array<i64: 128, 128>}, {pipeline_mode = #tpu.pipeline_mode<synchronous>, transform_indices = @transform_5, window_bounds = array<i64: 1, 128>}, {pipeline_mode = #tpu.pipeline_mode<synchronous>, transform_indices = @transform_6, window_bounds = array<i64: 1, 128>}, {transform_indices = @transform_7, window_bounds = array<i64: 512, 128>}]} {
    %get3A = arith.constant 0 : index
    %get3A_0 = arith.constant 0 : index
    %get3A_1 = vector.load %arg1[%get3A, %get3A_0] : memref<512x1xf32, #tpu.memory_space<vmem>>, vector<512x1xf32>
    %add3A = arith.constant 9.99999996E-13 : f32
    %add3A_2 = vector.broadcast %add3A : f32 to vector<512x1xf32>
    %add3A_3 = arith.addf %get3A_1, %add3A_2 : vector<512x1xf32>
    %sqrt3A = math.sqrt %add3A_3 : vector<512x1xf32>
    %get3A_4 = arith.constant 0 : index
    %get3A_5 = arith.constant 0 : index
    %get3A_6 = vector.load %arg7[%get3A_4, %get3A_5] : memref<1x128xf32, #tpu.memory_space<vmem>>, vector<1x128xf32>
    %sub3A = vector.broadcast %sqrt3A : vector<512x1xf32> to vector<512x128xf32>
    %sub3A_7 = vector.broadcast %get3A_6 : vector<1x128xf32> to vector<512x128xf32>
    %sub3A_8 = arith.subf %sub3A, %sub3A_7 : vector<512x128xf32>
    %integer_pow3A = arith.mulf %sub3A_8, %sub3A_8 : vector<512x128xf32>
    %mul3A = arith.constant -1.200500e+01 : f32
    %mul3A_9 = vector.broadcast %mul3A : f32 to vector<512x128xf32>
    %mul3A_10 = arith.mulf %mul3A_9, %integer_pow3A : vector<512x128xf32>
    %exp3A = math.exp %mul3A_10 : vector<512x128xf32>
    %get3A_11 = arith.constant 0 : index
    %get3A_12 = arith.constant 0 : index
    %get3A_13 = vector.load %arg3[%get3A_11, %get3A_12] : memref<128x128xf32, #tpu.memory_space<vmem>>, vector<128x128xf32>
    %dot_general3A = arith.constant dense<0.000000e+00> : vector<512x128xf32>
    %dot_general3A_14 = tpu.matmul %exp3A, %get3A_13, %dot_general3A {dimension_numbers = #tpu.dot_dimension_numbers<[1], [0], [0], [1], [0, 0, 1, 1], [], []>, transpose_lhs_hint = false} : vector<512x128xf32>, vector<128x128xf32>, vector<512x128xf32> -> vector<512x128xf32>
    %get3A_15 = arith.constant 0 : index
    %get3A_16 = arith.constant 0 : index
    %get3A_17 = vector.load %arg2[%get3A_15, %get3A_16] : memref<512x1xf32, #tpu.memory_space<vmem>>, vector<512x1xf32>
    %mul3A_18 = vector.broadcast %get3A_17 : vector<512x1xf32> to vector<512x128xf32>
    %mul3A_19 = arith.mulf %mul3A_18, %dot_general3A_14 : vector<512x128xf32>
    %get3A_20 = arith.constant 0 : index
    %get3A_21 = arith.constant 0 : index
    %get3A_22 = vector.load %arg4[%get3A_20, %get3A_21] : memref<1x128xf32, #tpu.memory_space<vmem>>, vector<1x128xf32>
    %add3A_23 = vector.broadcast %get3A_22 : vector<1x128xf32> to vector<512x128xf32>
    %add3A_24 = arith.addf %mul3A_19, %add3A_23 : vector<512x128xf32>
    %custom_jvp_call3A = arith.constant 0.000000e+00 : f32
    %max3A = vector.broadcast %custom_jvp_call3A : f32 to vector<512x128xf32>
    %max3A_25 = arith.maximumf %add3A_24, %max3A : vector<512x128xf32>
    %sub3A_26 = vector.broadcast %custom_jvp_call3A : f32 to vector<512x128xf32>
    %sub3A_27 = arith.subf %add3A_24, %sub3A_26 : vector<512x128xf32>
    %ne3A = arith.cmpf one, %sub3A_27, %sub3A_27 : vector<512x128xf32>
    %add3A_28 = vector.broadcast %custom_jvp_call3A : f32 to vector<512x128xf32>
    %add3A_29 = arith.addf %add3A_24, %add3A_28 : vector<512x128xf32>
    %abs3A = math.absf %sub3A_27 : vector<512x128xf32>
    %neg3A = arith.constant 0.000000e+00 : f32
    %neg3A_30 = vector.broadcast %neg3A : f32 to vector<512x128xf32>
    %neg3A_31 = arith.subf %neg3A_30, %abs3A : vector<512x128xf32>
    %exp3A_32 = math.exp %neg3A_31 : vector<512x128xf32>
    %log1p3A = math.log1p %exp3A_32 : vector<512x128xf32>
    %add3A_33 = arith.addf %max3A_25, %log1p3A : vector<512x128xf32>
    %select_n3A = arith.select %ne3A, %add3A_29, %add3A_33 : vector<512x128xi1>, vector<512x128xf32>
    %log3A = arith.constant 2.000000e+00 : f32
    %log3A_34 = math.log %log3A : f32
    %sub3A_35 = vector.broadcast %log3A_34 : f32 to vector<512x128xf32>
    %sub3A_36 = arith.subf %select_n3A, %sub3A_35 : vector<512x128xf32>
    %get3A_37 = arith.constant 0 : index
    %get3A_38 = arith.constant 0 : index
    %get3A_39 = vector.load %arg5[%get3A_37, %get3A_38] : memref<128x128xf32, #tpu.memory_space<vmem>>, vector<128x128xf32>
    %dot_general3A_40 = arith.constant dense<0.000000e+00> : vector<512x128xf32>
    %dot_general3A_41 = tpu.matmul %sub3A_36, %get3A_39, %dot_general3A_40 {dimension_numbers = #tpu.dot_dimension_numbers<[1], [0], [0], [1], [0, 0, 1, 1], [], []>, transpose_lhs_hint = false} : vector<512x128xf32>, vector<128x128xf32>, vector<512x128xf32> -> vector<512x128xf32>
    %get3A_42 = arith.constant 0 : index
    %get3A_43 = arith.constant 0 : index
    %get3A_44 = vector.load %arg6[%get3A_42, %get3A_43] : memref<1x128xf32, #tpu.memory_space<vmem>>, vector<1x128xf32>
    %add3A_45 = vector.broadcast %get3A_44 : vector<1x128xf32> to vector<512x128xf32>
    %add3A_46 = arith.addf %dot_general3A_41, %add3A_45 : vector<512x128xf32>
    %mul3A_47 = arith.constant 0.314159274 : f32
    %mul3A_48 = vector.broadcast %mul3A_47 : f32 to vector<512x1xf32>
    %mul3A_49 = arith.mulf %sqrt3A, %mul3A_48 : vector<512x1xf32>
    %cos3A = math.cos %mul3A_49 : vector<512x1xf32>
    %add3A_50 = arith.constant 1.000000e+00 : f32
    %add3A_51 = vector.broadcast %add3A_50 : f32 to vector<512x1xf32>
    %add3A_52 = arith.addf %cos3A, %add3A_51 : vector<512x1xf32>
    %mul3A_53 = arith.constant 5.000000e-01 : f32
    %mul3A_54 = vector.broadcast %mul3A_53 : f32 to vector<512x1xf32>
    %mul3A_55 = arith.mulf %mul3A_54, %add3A_52 : vector<512x1xf32>
    %mul3A_56 = vector.broadcast %mul3A_55 : vector<512x1xf32> to vector<512x128xf32>
    %mul3A_57 = arith.mulf %add3A_46, %mul3A_56 : vector<512x128xf32>
    %swap3A = arith.constant 0 : index
    %swap3A_58 = arith.constant 0 : index
    %swap3A_59 = vector.load %arg8[%swap3A, %swap3A_58] : memref<512x128xf32, #tpu.memory_space<vmem>>, vector<512x128xf32>
    tpu.vector_store %arg8[%swap3A, %swap3A_58], %mul3A_57 {strides = array<i32>} : memref<512x128xf32, #tpu.memory_space<vmem>>, vector<512x128xf32>,
    return
  }
  func.func @transform_0(%arg0: i32) -> (i32, i32) {
    %c0_i32 = arith.constant 0 : i32
    %c0_i32_0 = arith.constant 0 : i32
    return %arg0, %c0_i32 : i32, i32
  }
  func.func @transform_1(%arg0: i32) -> (i32, i32) {
    %c0_i32 = arith.constant 0 : i32
    %c0_i32_0 = arith.constant 0 : i32
    return %arg0, %c0_i32 : i32, i32
  }
  func.func @transform_2(%arg0: i32) -> (i32, i32) {
    %c0_i32 = arith.constant 0 : i32
    %c0_i32_0 = arith.constant 0 : i32
    %c0_i32_1 = arith.constant 0 : i32
    return %c0_i32, %c0_i32_0 : i32, i32
  }
  func.func @transform_3(%arg0: i32) -> (i32, i32) {
    %c0_i32 = arith.constant 0 : i32
    %c0_i32_0 = arith.constant 0 : i32
    %c0_i32_1 = arith.constant 0 : i32
    return %c0_i32, %c0_i32_0 : i32, i32
  }
  func.func @transform_4(%arg0: i32) -> (i32, i32) {
    %c0_i32 = arith.constant 0 : i32
    %c0_i32_0 = arith.constant 0 : i32
    %c0_i32_1 = arith.constant 0 : i32
    return %c0_i32, %c0_i32_0 : i32, i32
  }
  func.func @transform_5(%arg0: i32) -> (i32, i32) {
    %c0_i32 = arith.constant 0 : i32
    %c0_i32_0 = arith.constant 0 : i32
    %c0_i32_1 = arith.constant 0 : i32
    return %c0_i32, %c0_i32_0 : i32, i32
  }
  func.func @transform_6(%arg0: i32) -> (i32, i32) {
    %c0_i32 = arith.constant 0 : i32
    %c0_i32_0 = arith.constant 0 : i32
    %c0_i32_1 = arith.constant 0 : i32
    return %c0_i32, %c0_i32_0 : i32, i32
  }
  func.func @transform_7(%arg0: i32) -> (i32, i32) {
    %c0_i32 = arith.constant 0 : i32
    %c0_i32_0 = arith.constant 0 : i32
    return %arg0, %c0_i32 : i32, i32
  }
}

module attributes {stable_mosaic.version = 14 : i64} {
  func.func @_tc_out_body(%arg0: i32, %arg1: memref<2000x128xf32, #tpu.memory_space<vmem>>, %arg2: memref<2000x128xf32, #tpu.memory_space<vmem>>, %arg3: memref<128x128xf32, #tpu.memory_space<vmem>>, %arg4: memref<1x128xf32, #tpu.memory_space<vmem>>, %arg5: memref<128x128xf32, #tpu.memory_space<vmem>>, %arg6: memref<1x128xf32, #tpu.memory_space<vmem>>, %arg7: memref<2000x128xf32, #tpu.memory_space<vmem>>) attributes {dimension_semantics = [#tpu.dimension_semantics<arbitrary>], iteration_bounds = array<i64: 5>, scalar_prefetch = 0 : i64, scratch_operands = 0 : i64, tpu.core_type = #tpu.core_type<tc>, window_params = [{transform_indices = @transform_0, window_bounds = array<i64: 2000, 128>}, {transform_indices = @transform_1, window_bounds = array<i64: 2000, 128>}, {pipeline_mode = #tpu.pipeline_mode<synchronous>, transform_indices = @transform_2, window_bounds = array<i64: 128, 128>}, {pipeline_mode = #tpu.pipeline_mode<synchronous>, transform_indices = @transform_3, window_bounds = array<i64: 1, 128>}, {pipeline_mode = #tpu.pipeline_mode<synchronous>, transform_indices = @transform_4, window_bounds = array<i64: 128, 128>}, {pipeline_mode = #tpu.pipeline_mode<synchronous>, transform_indices = @transform_5, window_bounds = array<i64: 1, 128>}, {transform_indices = @transform_6, window_bounds = array<i64: 2000, 128>}]} {
    %get3A = arith.constant 0 : index
    %get3A_0 = arith.constant 0 : index
    %get3A_1 = vector.load %arg1[%get3A, %get3A_0] : memref<2000x128xf32, #tpu.memory_space<vmem>>, vector<2000x128xf32>
    %get3A_2 = arith.constant 0 : index
    %get3A_3 = arith.constant 0 : index
    %get3A_4 = vector.load %arg2[%get3A_2, %get3A_3] : memref<2000x128xf32, #tpu.memory_space<vmem>>, vector<2000x128xf32>
    %add3A = arith.addf %get3A_1, %get3A_4 : vector<2000x128xf32>
    %get3A_5 = arith.constant 0 : index
    %get3A_6 = arith.constant 0 : index
    %get3A_7 = vector.load %arg3[%get3A_5, %get3A_6] : memref<128x128xf32, #tpu.memory_space<vmem>>, vector<128x128xf32>
    %dot_general3A = arith.constant dense<0.000000e+00> : vector<2000x128xf32>
    %dot_general3A_8 = tpu.matmul %add3A, %get3A_7, %dot_general3A {dimension_numbers = #tpu.dot_dimension_numbers<[1], [0], [0], [1], [0, 0, 1, 1], [], []>, transpose_lhs_hint = false} : vector<2000x128xf32>, vector<128x128xf32>, vector<2000x128xf32> -> vector<2000x128xf32>
    %get3A_9 = arith.constant 0 : index
    %get3A_10 = arith.constant 0 : index
    %get3A_11 = vector.load %arg4[%get3A_9, %get3A_10] : memref<1x128xf32, #tpu.memory_space<vmem>>, vector<1x128xf32>
    %add3A_12 = vector.broadcast %get3A_11 : vector<1x128xf32> to vector<2000x128xf32>
    %add3A_13 = arith.addf %dot_general3A_8, %add3A_12 : vector<2000x128xf32>
    %custom_jvp_call3A = arith.constant 0.000000e+00 : f32
    %max3A = vector.broadcast %custom_jvp_call3A : f32 to vector<2000x128xf32>
    %max3A_14 = arith.maximumf %add3A_13, %max3A : vector<2000x128xf32>
    %sub3A = vector.broadcast %custom_jvp_call3A : f32 to vector<2000x128xf32>
    %sub3A_15 = arith.subf %add3A_13, %sub3A : vector<2000x128xf32>
    %ne3A = arith.cmpf one, %sub3A_15, %sub3A_15 : vector<2000x128xf32>
    %add3A_16 = vector.broadcast %custom_jvp_call3A : f32 to vector<2000x128xf32>
    %add3A_17 = arith.addf %add3A_13, %add3A_16 : vector<2000x128xf32>
    %abs3A = math.absf %sub3A_15 : vector<2000x128xf32>
    %neg3A = arith.constant 0.000000e+00 : f32
    %neg3A_18 = vector.broadcast %neg3A : f32 to vector<2000x128xf32>
    %neg3A_19 = arith.subf %neg3A_18, %abs3A : vector<2000x128xf32>
    %exp3A = math.exp %neg3A_19 : vector<2000x128xf32>
    %log1p3A = math.log1p %exp3A : vector<2000x128xf32>
    %add3A_20 = arith.addf %max3A_14, %log1p3A : vector<2000x128xf32>
    %select_n3A = arith.select %ne3A, %add3A_17, %add3A_20 : vector<2000x128xi1>, vector<2000x128xf32>
    %log3A = arith.constant 2.000000e+00 : f32
    %log3A_21 = math.log %log3A : f32
    %sub3A_22 = vector.broadcast %log3A_21 : f32 to vector<2000x128xf32>
    %sub3A_23 = arith.subf %select_n3A, %sub3A_22 : vector<2000x128xf32>
    %get3A_24 = arith.constant 0 : index
    %get3A_25 = arith.constant 0 : index
    %get3A_26 = vector.load %arg5[%get3A_24, %get3A_25] : memref<128x128xf32, #tpu.memory_space<vmem>>, vector<128x128xf32>
    %dot_general3A_27 = arith.constant dense<0.000000e+00> : vector<2000x128xf32>
    %dot_general3A_28 = tpu.matmul %sub3A_23, %get3A_26, %dot_general3A_27 {dimension_numbers = #tpu.dot_dimension_numbers<[1], [0], [0], [1], [0, 0, 1, 1], [], []>, transpose_lhs_hint = false} : vector<2000x128xf32>, vector<128x128xf32>, vector<2000x128xf32> -> vector<2000x128xf32>
    %get3A_29 = arith.constant 0 : index
    %get3A_30 = arith.constant 0 : index
    %get3A_31 = vector.load %arg6[%get3A_29, %get3A_30] : memref<1x128xf32, #tpu.memory_space<vmem>>, vector<1x128xf32>
    %add3A_32 = vector.broadcast %get3A_31 : vector<1x128xf32> to vector<2000x128xf32>
    %add3A_33 = arith.addf %dot_general3A_28, %add3A_32 : vector<2000x128xf32>
    %swap3A = arith.constant 0 : index
    %swap3A_34 = arith.constant 0 : index
    %swap3A_35 = vector.load %arg7[%swap3A, %swap3A_34] : memref<2000x128xf32, #tpu.memory_space<vmem>>, vector<2000x128xf32>
    tpu.vector_store %arg7[%swap3A, %swap3A_34], %add3A_33 {strides = array<i32>} : memref<2000x128xf32, #tpu.memory_space<vmem>>, vector<2000x128xf32>,
    return
  }
  func.func @transform_0(%arg0: i32) -> (i32, i32) {
    %c0_i32 = arith.constant 0 : i32
    %c0_i32_0 = arith.constant 0 : i32
    return %arg0, %c0_i32 : i32, i32
  }
  func.func @transform_1(%arg0: i32) -> (i32, i32) {
    %c0_i32 = arith.constant 0 : i32
    %c0_i32_0 = arith.constant 0 : i32
    return %arg0, %c0_i32 : i32, i32
  }
  func.func @transform_2(%arg0: i32) -> (i32, i32) {
    %c0_i32 = arith.constant 0 : i32
    %c0_i32_0 = arith.constant 0 : i32
    %c0_i32_1 = arith.constant 0 : i32
    return %c0_i32, %c0_i32_0 : i32, i32
  }
  func.func @transform_3(%arg0: i32) -> (i32, i32) {
    %c0_i32 = arith.constant 0 : i32
    %c0_i32_0 = arith.constant 0 : i32
    %c0_i32_1 = arith.constant 0 : i32
    return %c0_i32, %c0_i32_0 : i32, i32
  }
  func.func @transform_4(%arg0: i32) -> (i32, i32) {
    %c0_i32 = arith.constant 0 : i32
    %c0_i32_0 = arith.constant 0 : i32
    %c0_i32_1 = arith.constant 0 : i32
    return %c0_i32, %c0_i32_0 : i32, i32
  }
  func.func @transform_5(%arg0: i32) -> (i32, i32) {
    %c0_i32 = arith.constant 0 : i32
    %c0_i32_0 = arith.constant 0 : i32
    %c0_i32_1 = arith.constant 0 : i32
    return %c0_i32, %c0_i32_0 : i32, i32
  }
  func.func @transform_6(%arg0: i32) -> (i32, i32) {
    %c0_i32 = arith.constant 0 : i32
    %c0_i32_0 = arith.constant 0 : i32
    return %arg0, %c0_i32 : i32, i32
  }
}

</mosaic_0001>

<sc_bundles>
// kernel: kernel.13.cloned.1.call-start
scs
__scs_entry_jumppad:
0x0: {  	(pc) =	sbr.rel $0x88, $3  }
0x1: {  	(tag) =	ssettag $0x0;
	lr =	simm.s32 $0x1  }
0x2: {  	[smem:$0x3F90] =	sst lr;
	_ =	strace $0xD0000000  }
0x3: {  	_ = 	snop  }
0x4: {  	_ = 	snop  }
0x5: {  	_ = 	snop  }
0x6: {  	_ = 	snop  }
0x7: {  	_ = 	snop  }
__scs_overlays_trampoline_lowered:
0x8: {  	[smem:$0x3F9F] =	sst s0  }
0x9: {  	[smem:$0x3FA0] =	sst s1  }
0xa: {  	[smem:$0x3FA1] =	sst s2  }
0xb: {  	[smem:$0x3FA2] =	sst s3  }
0xc: {  	[smem:$0x3FA3] =	sst s4  }
0xd: {  	[smem:$0x3FA4] =	sst s5  }
0xe: {  	[smem:$0x3FA5] =	sst s6  }
0xf: {  	[smem:$0x3FA6] =	sst s7  }
0x10: {  	[smem:$0x3FA7] =	sst s8  }
0x11: {  	[smem:$0x3FA8] =	sst s9;
	s0 =	simm.s32 @!p0 $0x0  }
0x12: {  	s1 =	sld [smem:$0x3F8E];
	s0 =	simm.s32 @p0 $0x1  }
0x13: {  	[smem:$0x3FA9] =	sst s0;
	s0 =	simm.s32 @!p1 $0x0  }
0x14: {  	s2 =	sld [smem:$0x3F8D];
	s0 =	simm.s32 @p1 $0x1  }
0x15: {  	[smem:$0x3FAA] =	sst s0;
	s0 =	simm.s32 @!p2 $0x0  }
0x16: {  	s3 =	sld [smem:$0x3FDB];
	s0 =	simm.s32 @p2 $0x1  }
0x17: {  	s4 =	simm.s32 $0x1BF5;
	[smem:$0x3FAC] =	sst s0  }
0x18: {  	s0 =	sld [smem:$0x3F8F];
	_ =	swait.ge [sflag:s4], $0x0  }
0x19: {  	s7 =	sld [smem:$0x3F90]  }
0x1a: {  	s8 =	sadd.s32 $0xFFFFE003, lr  }
0x1b: {  	s9 =	sadd.s32 $0xFFFFFEF7, lr;
	s5 =	simm.s32 $0xFFFFFFFF;
	p2 =	slt.u32 s8, $0xFFFFF086  }
0x1c: {  	p1 =	slt.u32 s9, $0xF7A;
	s5 =	simm.s32 @!p2 $0x0  }
0x1d: {  	s5 =	simm.s32 @p1 $0x1;
	p0 =	seq.s32 s7, s2  }
0x1e: {  	s7 =	smul.u32 @!p0 $0xF7A, s2;
	p2 =	seq.s32 @!p0 s5, $0x0  }
0x1f: {  	s9 =	smul.u32 $0xF7A, s1;
	s8 =	simm.s32 @!p0 $0x1BF5;
	p2 =	por !p2, p0  }
0x20: {  	[sflag:s8] =	ssyncset.s32 @!p0 $0xFFFFF086;
	s6 =	sadd.s32 @!p0 s3, s7;
	s7 =	simm.s32 @!p0 $0x108  }
0x21: {  	s3 =	sadd.s32 s3, s9;
	s6 =	sadd.s32 @!p0 $0x88, s6;
	s7 =	simm.s32 @p2 $0x1082  }
0x22: {  	[simem:s7], [sflag:s8] =	dma.local @!p0 [hbm:s6], $0xF7A  }
0x23: {  	s9 =	sor.u32 $0xD0000000, s2;
	s6 =	simm.s32 $0x108;
	_ =	swait.ge @!p0 [sflag:s8], $0x0  }
0x24: {  	s3 =	sadd.s32 $0x88, s3;
	s6 =	simm.s32 @!p1 $0x1082;
	[sflag:s4] =	ssyncset.s32 $0xFFFFF086  }
0x25: {  	[simem:s6], [sflag:s4] =	dma.local [hbm:s3], $0xF7A  }
0x26: {  	[smem:$0x3F90] =	sst s1;
	(tag) =	ssettag s2;
	_ =	strace s9  }
0x27: {  	s1 =	sld [smem:$0x3FA0]  }
0x28: {  	s2 =	sld [smem:$0x3FA1]  }
0x29: {  	s4 =	sld [smem:$0x3FA3]  }
0x2a: {  	p0 =	seq.s32 s5, $0x0;
	s5 =	sld [smem:$0x3FA4]  }
0x2b: {  	s6 =	sld [smem:$0x3FA5]  }
0x2c: {  	s7 =	sld [smem:$0x3FA6]  }
0x2d: {  	s3 =	simm.s32 $0x108;
	s8 =	sld [smem:$0x3FA7]  }
0x2e: {  	s3 =	simm.s32 @!p0 $0x1082;
	s9 =	sld [smem:$0x3FA8]  }
0x2f: {  	lr =	sadd.s32 s0, s3;
	s0 =	sld [smem:$0x3F9F]  }
0x30: {  	s3 =	sld [smem:$0x3FA2]  }
0x31: {  	[smem:$0x3FAB] =	sst s10  }
0x32: {  	s10 =	sld [smem:$0x3FA9];
	_ =	sdelay $0x3  }
0x33: {  	p0 =	seq.s32 s10, $0x1;
	s10 =	sld [smem:$0x3FAB];
	_ =	sdelay $0x3  }
0x34: {  	[smem:$0x3FAB] =	sst s10  }
0x35: {  	s10 =	sld [smem:$0x3FAA];
	_ =	sdelay $0x3  }
0x36: {  	p1 =	seq.s32 s10, $0x1;
	s10 =	sld [smem:$0x3FAB];
	_ =	sdelay $0x3  }
0x37: {  	[smem:$0x3FAB] =	sst s10  }
0x38: {  	s10 =	sld [smem:$0x3FAC]  }
0x39: {  	_ = 	snop;
	(pc) =	sbr.ind lr, $3  }
0x3a: {  	_ = 	snop  }
0x3b: {  	_ = 	snop  }
0x3c: {  	p2 =	seq.s32 s10, $0x1;
	s10 =	sld [smem:$0x3FAB]  }
0x3d: {  	_ =	shalt  }
0x3e: {  	_ =	shalt  }
0x3f: {  	_ =	shalt  }
0x40: {  	_ =	shalt  }
0x41: {  	_ =	shalt  }
0x42: {  	_ =	shalt  }
0x43: {  	_ =	shalt  }
0x44: {  	_ =	shalt  }
0x45: {  	_ =	shalt  }
0x46: {  	_ =	shalt  }
0x47: {  	_ =	shalt  }
0x48: {  	_ =	shalt  }
0x49: {  	_ =	shalt  }
0x4a: {  	_ =	shalt  }
0x4b: {  	_ =	shalt  }
0x4c: {  	_ =	shalt  }
0x4d: {  	_ =	shalt  }
0x4e: {  	_ =	shalt  }
0x4f: {  	_ =	shalt  }
0x50: {  	_ =	shalt  }
0x51: {  	_ =	shalt  }
0x52: {  	_ =	shalt  }
0x53: {  	_ =	shalt  }
0x54: {  	_ =	shalt  }
0x55: {  	_ =	shalt  }
0x56: {  	_ =	shalt  }
0x57: {  	_ =	shalt  }
0x58: {  	_ =	shalt  }
0x59: {  	_ =	shalt  }
0x5a: {  	_ =	shalt  }
0x5b: {  	_ =	shalt  }
0x5c: {  	_ =	shalt  }
0x5d: {  	_ =	shalt  }
0x5e: {  	_ =	shalt  }
0x5f: {  	_ =	shalt  }
0x60: {  	_ =	shalt  }
0x61: {  	_ =	shalt  }
0x62: {  	_ =	shalt  }
0x63: {  	_ =	shalt  }
0x64: {  	_ =	shalt  }
0x65: {  	_ =	shalt  }
0x66: {  	_ =	shalt  }
0x67: {  	_ =	shalt  }
0x68: {  	_ =	shalt  }
0x69: {  	_ =	shalt  }
0x6a: {  	_ =	shalt  }
0x6b: {  	_ =	shalt  }
0x6c: {  	_ =	shalt  }
0x6d: {  	_ =	shalt  }
0x6e: {  	_ =	shalt  }
0x6f: {  	_ =	shalt  }
0x70: {  	_ =	shalt  }
0x71: {  	_ =	shalt  }
0x72: {  	_ =	shalt  }
0x73: {  	_ =	shalt  }
0x74: {  	_ =	shalt  }
0x75: {  	_ =	shalt  }
0x76: {  	_ =	shalt  }
0x77: {  	_ =	shalt  }
0x78: {  	_ =	shalt  }
0x79: {  	_ =	shalt  }
0x7a: {  	_ =	shalt  }
0x7b: {  	_ =	shalt  }
0x7c: {  	_ =	shalt  }
0x7d: {  	_ =	shalt  }
0x7e: {  	_ =	shalt  }
0x7f: {  	_ =	shalt  }
0x80: {  	_ =	shalt  }
0x81: {  	_ =	shalt  }
0x82: {  	_ =	shalt  }
0x83: {  	_ =	shalt  }
0x84: {  	_ =	shalt  }
0x85: {  	_ =	shalt  }
0x86: {  	_ =	shalt  }
0x87: {  	_ =	shalt  }
.Lfunc_end0:
.L_simem_size_0:
called_computation_lowered:
.L_overlay_start_0:
0x88: {  	s2 =	sld [smem:$0x3FD9]  }
0x89: {  	s3 =	sld [smem:$0x3FFE];
	_ =	sdelay $0x1  }
0x8a: {  	s1 =	srdreg.scid  }
0x8b: {  	s0 =	sand.u32 $0x1, s1  }
0x8c: {  	s14 =	sshll.u32 s0, $0xA;
	s2 =	sadd.s32 s3, s2  }
0x8d: {  	s2 =	sadd.s32 s2, s14  }
0x8e: {  	[smem:$0x3FB7] =	sst s2  }
0x8f: {  	_ = 	snop  }
0x90: {  	s2 =	sld [smem:$0x3FD0];
	_ =	sdelay $0x2  }
0x91: {  	s15 =	simm.s32 $0xA;
	s4 =	simm.s32 $0x10  }
0x92: {  	[smem:s4], [sflag:s15] =	dma.local [hbm:s2], $0x1  }
0x93: {  	_ =	swait.eq [sflag:s15], $0x1  }
0x94: {  	[sflag:s15] =	ssyncset.done $0x0  }
0x95: {  	s16 =	sld [smem:$0x10];
	[sflag:s15] =	ssyncadd.s32 $0xFFFFFFFF  }
0x96: {  	s17 =	sld [smem:$0x11];
	(tm) =	ssettm $0x1  }
0x97: {  	s18 =	sld [smem:$0x3FFB];
	_ =	sdelay $0x3  }
0x98: {  	_ =	strace s18  }
0x99: {  	s4 =	sld [smem:$0x3FFC];
	_ =	sdelay $0x3  }
0x9a: {  	_ =	strace s4  }
0x9b: {  	s4 =	sld [smem:$0x3FFD];
	_ =	sdelay $0x3  }
0x9c: {  	_ =	strace s4  }
0x9d: {  	_ =	strace $0x8FFFFFFF  }
0x9e: {  	s19 =	sld [smem:$0x3FDB];
	_ =	sdelay $0x1  }
0x9f: {  	s5 =	simm.s32 $_scs_section_size  }
0xa0: {  	s6 =	simm.s32 $_size__tile_overlayer_lowered;
	s7 =	simm.s32 $_tile_overlayer_lowered  }
0xa1: {  	s22 =	simm.s32 $0x1BFF;
	s21 =	sshll.u32 s7, $0x1;
	s4 =	sadd.s32 s5, s19  }
0xa2: {  	s8 =	simm.s32 $0x0;
	s20 =	sshll.u32 s6, $0x1;
	s6 =	sadd.s32 s21, s4  }
0xa3: {  	[timem:s8], [sflag:s22] =	dma.local [hbm:s6], s20  }
0xa4: {  	_ =	swait.ge [sflag:s22], s20  }
0xa5: {  	s5 =	ssub.s32 $0x0, s20;
	[sflag:s22] =	ssyncset.done $0x0  }
0xa6: {  	[sflag:s22] =	ssyncadd.s32 s5;
	_ =	sdelay $0x1  }
0xa7: {  	s23 =	simm.s32 $0x1B8B  }
0xa8: {  	_ =	swait.ge [sflag:s23], $0x1  }
0xa9: {  	[sflag:s23] =	ssyncset.done $0x0  }
0xaa: {  	s25 =	simm.s32 $0x1B8E;
	s24 =	sld [smem:$0x3FFE];
	[sflag:s23] =	ssyncadd.s32 $0xFFFFFFFF  }
0xab: {  	s26 =	simm.s32 $execute0_lowered;
	[smem:$0x3FD2] =	sst s25  }
0xac: {  	s6 =	sshll.u32 s26, $0x1;
	_ =	strace $0x80000046;
	[dreg:$0x1] =	wrdreg $0xFFFFFFFF  }
0xad: {  	s28 =	simm.s32 $_size_execute0_lowered;
	s4 =	sadd.s32 s4, s6;
	[dreg:$0x0] =	wrdreg $0x0  }
0xae: {  	s6 =	sshll.u32 s28, $0x1;
	[dreg:$0x2] =	wrdreg s4  }
0xaf: {  	[dreg:$0x3] =	wrdreg s6  }
0xb0: {  	[dreg:$0x4] =	wrdreg $0xC0  }
0xb1: {  	_ =	task [dreg:s8], $0x5FFFF  }
0xb2: {  	[dreg:$0x1] =	wrdreg $0xFFFFFFFF  }
0xb3: {  	[dreg:$0x0] =	wrdreg $0x60  }
0xb4: {  	[dreg:$0x2] =	wrdreg s16  }
0xb5: {  	[dreg:$0x3] =	wrdreg s24  }
0xb6: {  	[dreg:$0x4] =	wrdreg s17  }
0xb7: {  	[dreg:$0x5] =	wrdreg $0x9  }
0xb8: {  	_ =	task.clear_ibuf [dreg:s8], $0x6FFFF;
	_ =	strace $0x90000046  }
0xb9: {  	s29 =	simm.s32 $0x9;
	_ =	strace $0x80000048  }
0xba: {  	_ =	swait.ge [sflag:s29], $0x1  }
0xbb: {  	[sflag:s29] =	ssyncadd.s32 $0xFFFFFFFF  }
0xbc: {  	_ =	strace $0x90000048  }
0xbd: {  	_ =	sfence  }
0xbe: {  	s30 =	sld [smem:$0x0];
	_ =	sdelay $0x2  }
0xbf: {  	s31 =	sshll.u32 s1, $0xD;
	s1 =	sshrl.u32 s1, $0x2  }
0xc0: {  	s3 =	sand.u32 $0x4000, s31;
	s1 =	sadd.s32 s1, s30  }
0xc1: {  	s0 =	sor.u32 s3, s0;
	s1 =	sshll.u32 s1, $0x11  }
0xc2: {  	s0 =	sor.u32 s1, s0  }
0xc3: {  	s0 =	sadd.s32 $0x8F2B, s0  }
0xc4: {  	[sflag:s0] =	ssyncadd.remote.s32 $0x1  }
0xc5: {  	_ =	sfence.sel $0xFFFF  }
0xc6: {  	[dreg:$0x0] =	wrdreg $0xFFFFFFFF;
	(pc) =	sbr.abs _section_cstart, $3  }
0xc7: {  	[dreg:$0x1] =	wrdreg $0xFFFFFFFF  }
0xc8: {  	_ =	task.clear_ibuf [dreg:s8], $0x2FFFF;
	_ =	strace $0x9FFFFFFF  }
0xc9: {  	(tm) =	ssettm $0x7FFFFFFF  }
tec
execute0_lowered:
.L_overlay_start_1:
0x0: {  	(tag) =	ssettag $0x1  }
0x1: {  	s1 =	rddreg [dreg:$0x0]  }
0x2: {  	s8 =	rddreg [dreg:$0x1]  }
0x3: {  	s3 =	rddreg [dreg:$0x2]  }
0x4: {  	s0 =	rddreg [dreg:$0x3]  }
0x5: {  	s4 =	simm.s32 $0x0;
	s5 =	srdreg.scid;
	s2 =	stileid.u32  }
0x6: {  	s15 =	simm.s32 $0x4E20;
	s16 =	simm.s32 $0x7530;
	s17 =	simm.s32 $0x7580  }
0x7: {  	s18 =	simm.s32 $0x50;
	s19 =	simm.s32 $0x75D0;
	s20 =	simm.s32 $0x1  }
0x8: {  	s21 =	simm.s32 $0x9DD0;
	s22 =	simm.s32 $0x0;
	[smem:$0x7FF] =	sst s4  }
0x9: {  	s9 =	sand.u32 $0x1, s5;
	s10 =	smul.u32 $0x4E20, s2;
	s5 =	sadd.s32 $0x17A00, s8  }
0xa: {  	s6 =	sadd.s32 $0x17400, s8;
	s7 =	sadd.s32 $0x16E00, s8;
	s11 =	smul.u32 $0x2710, s9  }
0xb: {  	s12 =	smul.u32 $0x4E200, s2;
	_ =	strace $0x80000047;
	s30 =	ssub.s32 $0x2, s9  }
0xc: {  	s9 =	smul.u32 $0x27100, s9;
	s13 =	sshrl.u32 s30, $0x1;
	s10 =	sadd.s32 s11, s10  }
0xd: {  	s12 =	sadd.s32 s12, s8;
	s31 =	ssub.s32 s30, s13;
	s10 =	sshrl.u32 s10, $0x3  }
0xe: {  	s9 =	sadd.s32 s9, s12;
	s13 =	simm.s32 $0x2;
	s14 =	sadd.s32 s10, s8  }
0xf: {  	s9 =	sadd.s32 $0x6FC00, s9;
	s8 =	smax.u32 s31, $0x1;
	s10 =	sadd.s32 $0x65E00, s14  }
0x10: {  	s11 =	sadd.s32 $0x3200, s14;
	s12 =	sadd.s32 $0xD000, s14;
	s14 =	simm.s32 $0x2710  }
.LBB2_1:
0x11: {  	[tilespmem:s4], [sflag:$0x2] =	stream.linear.gather [hbm4b:s6+s4], $0x2710, $0x38;
	[tilespmem:$0x9E20] =	vst v63  }
0x12: {  	_ =	swait.ge [sflag:s13], $0x2710  }
0x13: {  	[sflag:s13] =	ssyncset.done $0x0  }
0x14: {  	[sflag:s13] =	ssyncadd.s32 $0xFFFFD8F0  }
0x15: {  	[tilespmem:s14], [sflag:$0x2] =	stream.linear.gather [hbm4b:s7+s4], $0x2710, $0x38;
	[tilespmem:$0x9E20] =	vst v63  }
0x16: {  	_ =	swait.ge [sflag:s13], $0x2710  }
0x17: {  	[sflag:s13] =	ssyncset.done $0x0  }
0x18: {  	[sflag:s13] =	ssyncadd.s32 $0xFFFFD8F0  }
0x19: {  	[tilespmem:s15], [sflag:$0x2] =	stream.linear.gather [hbm4b:s3+s4], $0x2710, $0x38;
	[tilespmem:$0x9E20] =	vst v63  }
0x1a: {  	_ =	swait.ge [sflag:s13], $0x2710  }
0x1b: {  	[sflag:s13] =	ssyncset.done $0x0  }
0x1c: {  	s23 =	sadd.s32 $0x0, s12;
	[sflag:s13] =	ssyncadd.s32 $0xFFFFD8F0  }
0x1d: {  	[tilespmem:s16], [sflag:$0x2] =	stream.linear.gather [hbm4b:s23+s4], $0x50, $0x38;
	[tilespmem:$0x9E20] =	vst v63  }
0x1e: {  	_ =	swait.ge [sflag:s13], $0x50  }
0x1f: {  	[sflag:s13] =	ssyncset.done $0x0  }
0x20: {  	s31 =	sadd.s32 $0x0, s11;
	[sflag:s13] =	ssyncadd.s32 $0xFFFFFFB0  }
0x21: {  	[tilespmem:s17], [sflag:$0x2] =	stream.linear.gather [hbm4b:s31+s4], $0x50, $0x38;
	[tilespmem:$0x9E20] =	vst v63  }
0x22: {  	_ =	swait.ge [sflag:s13], $0x50  }
0x23: {  	[sflag:s13] =	ssyncset.done $0x0  }
0x24: {  	[sflag:s13] =	ssyncadd.s32 $0xFFFFFFB0  }
0x25: {  	[tilespmem:s19], [sflag:$0x1] =	stream.indirect.gather [hbm4b:s1+s18], $0x80, s16, s18, $0xb8;
	[tilespmem:$0x9E20] =	vst v63  }
0x26: {  	_ =	swait.ge [sflag:s20], $0x2800  }
0x27: {  	[sflag:s20] =	ssyncset.done $0x0  }
0x28: {  	[sflag:s20] =	ssyncadd.s32 $0xFFFFD800  }
0x29: {  	[tilespmem:s19], [sflag:$0x1] =	stream.indirect.gather.add.f32 [hbm:s5], $0x80, s17, s18, $0xb8;
	[tilespmem:$0x9E20] =	vst v63  }
0x2a: {  	_ =	swait.ge [sflag:s20], $0x2800  }
0x2b: {  	[sflag:s20] =	ssyncset.done $0x0  }
0x2c: {  	[sflag:s20] =	ssyncadd.s32 $0xFFFFD800  }
0x2d: {  	[hbm4b:s9+s4] =	stream.linear.scatter [tilespmem:s19], [sflag:$0x2], $0x2800, $0x38;
	[tilespmem:$0x9E20] =	vst v63  }
0x2e: {  	_ =	swait.ge [sflag:s13], $0x2800  }
0x2f: {  	[sflag:s13] =	ssyncset.done $0x0  }
0x30: {  	[sflag:s13] =	ssyncadd.s32 $0xFFFFD800  }
0x31: {  	v0 =	vld [tilespmem:$0x7530];
	_ =	sdelay $0x1  }
0x32: {  	v1 =	vld [tilespmem:$0x7580];
	_ =	sdelay $0x5  }
0x33: {  	v2 =	vld.idx.msk [tilespmem:v0+s14+$0x0], $0xffff  }
0x34: {  	v3 =	vld.idx.msk [tilespmem:v0+s4+$0x0], $0xffff  }
0x35: {  	v4 =	vld.idx.msk [tilespmem:v1+s4+$0x0], $0xffff  }
0x36: {  	v5 =	vld.idx.msk [tilespmem:v1+s14+$0x0], $0xffff  }
0x37: {  	v0 =	vld.idx.msk [tilespmem:v0+s15+$0x0], $0xffff  }
0x38: {  	v1 =	vld.idx.msk [tilespmem:v1+s15+$0x0], $0xffff;
	_ =	sdelay $0x2  }
0x39: {  	v3 =	vsub.f32 v3, v4;
	v2 =	vsub.f32 v2, v5  }
0x3a: {  	v4 =	vld [tilespmem:$0x7540]  }
0x3b: {  	v0 =	vsub.f32 v0, v1;
	v1 =	vmul.f32 v3, v3;
	v2 =	vmul.f32 v2, v2  }
0x3c: {  	v3 =	vld [tilespmem:$0x7590]  }
0x3d: {  	v0 =	vmul.f32 v0, v0;
	v1 =	vadd.f32 v2, v1;
	_ =	sdelay $0x1  }
0x3e: {  	v0 =	vadd.f32 v0, v1;
	_ =	sdelay $0x1  }
0x3f: {  	[tilespmem:$0x9DD0] =	vst v0  }
0x40: {  	v0 =	vld.idx.msk [tilespmem:v4+s4+$0x0], $0xffff  }
0x41: {  	v2 =	vld.idx.msk [tilespmem:v4+s14+$0x0], $0xffff  }
0x42: {  	v1 =	vld.idx.msk [tilespmem:v3+s4+$0x0], $0xffff  }
0x43: {  	v5 =	vld.idx.msk [tilespmem:v3+s14+$0x0], $0xffff  }
0x44: {  	v4 =	vld.idx.msk [tilespmem:v4+s15+$0x0], $0xffff  }
0x45: {  	v3 =	vld.idx.msk [tilespmem:v3+s15+$0x0], $0xffff;
	_ =	sdelay $0x2  }
0x46: {  	v0 =	vsub.f32 v0, v1;
	v1 =	vsub.f32 v2, v5  }
0x47: {  	v2 =	vld [tilespmem:$0x75A0]  }
0x48: {  	v3 =	vsub.f32 v4, v3;
	v4 =	vld [tilespmem:$0x7550];
	v0 =	vmul.f32 v0, v0;
	v1 =	vmul.f32 v1, v1;
	_ =	sdelay $0x1  }
0x49: {  	v0 =	vadd.f32 v1, v0;
	v1 =	vmul.f32 v3, v3;
	_ =	sdelay $0x1  }
0x4a: {  	v0 =	vadd.f32 v1, v0;
	_ =	sdelay $0x1  }
0x4b: {  	[tilespmem:$0x9DE0] =	vst v0  }
0x4c: {  	v0 =	vld.idx.msk [tilespmem:v2+s14+$0x0], $0xffff  }
0x4d: {  	v1 =	vld.idx.msk [tilespmem:v4+s4+$0x0], $0xffff  }
0x4e: {  	v3 =	vld.idx.msk [tilespmem:v2+s4+$0x0], $0xffff  }
0x4f: {  	v5 =	vld.idx.msk [tilespmem:v4+s14+$0x0], $0xffff  }
0x50: {  	v2 =	vld.idx.msk [tilespmem:v2+s15+$0x0], $0xffff  }
0x51: {  	v4 =	vld.idx.msk [tilespmem:v4+s15+$0x0], $0xffff;
	_ =	sdelay $0x2  }
0x52: {  	v1 =	vsub.f32 v1, v3;
	v0 =	vsub.f32 v5, v0  }
0x53: {  	v3 =	vld [tilespmem:$0x7560]  }
0x54: {  	v2 =	vsub.f32 v4, v2;
	v4 =	vld [tilespmem:$0x75B0];
	v1 =	vmul.f32 v1, v1;
	v0 =	vmul.f32 v0, v0;
	_ =	sdelay $0x1  }
0x55: {  	v0 =	vadd.f32 v0, v1;
	v1 =	vmul.f32 v2, v2;
	_ =	sdelay $0x1  }
0x56: {  	v0 =	vadd.f32 v1, v0;
	_ =	sdelay $0x1  }
0x57: {  	[tilespmem:$0x9DF0] =	vst v0  }
0x58: {  	v0 =	vld.idx.msk [tilespmem:v3+s4+$0x0], $0xffff  }
0x59: {  	v1 =	vld.idx.msk [tilespmem:v4+s4+$0x0], $0xffff  }
0x5a: {  	v2 =	vld.idx.msk [tilespmem:v4+s14+$0x0], $0xffff  }
0x5b: {  	v5 =	vld.idx.msk [tilespmem:v3+s14+$0x0], $0xffff  }
0x5c: {  	v3 =	vld.idx.msk [tilespmem:v3+s15+$0x0], $0xffff  }
0x5d: {  	v4 =	vld.idx.msk [tilespmem:v4+s15+$0x0], $0xffff;
	_ =	sdelay $0x2  }
0x5e: {  	v1 =	vsub.f32 v0, v1;
	v2 =	vsub.f32 v5, v2  }
0x5f: {  	v0 =	vld [tilespmem:$0x7570]  }
0x60: {  	v3 =	vsub.f32 v3, v4;
	v1 =	vmul.f32 v1, v1;
	v2 =	vmul.f32 v2, v2  }
0x61: {  	v5 =	vld [tilespmem:$0x75C0]  }
0x62: {  	v1 =	vadd.f32 v2, v1;
	v2 =	vmul.f32 v3, v3;
	_ =	sdelay $0x1  }
0x63: {  	v1 =	vadd.f32 v2, v1;
	_ =	sdelay $0x1  }
0x64: {  	[tilespmem:$0x9E00] =	vst v1  }
0x65: {  	v1 =	vld.idx.msk [tilespmem:v0+s15+$0x0], $0xffff  }
0x66: {  	v2 =	vld.idx.msk [tilespmem:v0+s4+$0x0], $0xffff  }
0x67: {  	v3 =	vld.idx.msk [tilespmem:v5+s15+$0x0], $0xffff  }
0x68: {  	v4 =	vld.idx.msk [tilespmem:v5+s14+$0x0], $0xffff  }
0x69: {  	s24 =	simm.s32 $0xA;
	s25 =	smov.u32 s9;
	s23 =	simm.s32 $0x0;
	v5 =	vld.idx.msk [tilespmem:v5+s4+$0x0], $0xffff  }
.LBB2_2:
0x6a: {  	p0 =	sne.s32 s24, $0x4D8  }
0x6b: {  	v0 =	vld.idx.msk [tilespmem:v0+s14+$0x0], $0xffff;
	s25 =	sadd.s32 $0x500, s25;
	s26 =	smov.u32 s24;
	s24 =	sadd.s32 $0xA, s24  }
0x6c: {  	_ =	sdelay $0x3  }
0x6d: {  	v1 =	vsub.f32 v1, v3;
	v2 =	vsub.f32 v2, v5  }
0x6e: {  	v0 =	vsub.f32 v0, v4  }
0x6f: {  	v1 =	vmul.f32 v1, v1;
	v2 =	vmul.f32 v2, v2  }
0x70: {  	v0 =	vmul.f32 v0, v0;
	_ =	sdelay $0x1  }
0x71: {  	v0 =	vadd.f32 v0, v2;
	_ =	sdelay $0x1  }
0x72: {  	v0 =	vadd.f32 v1, v0  }
0x73: {  	s28 =	sadd.s32 s23, s10;
	s23 =	smov.u32 s26  }
0x74: {  	[tilespmem:$0x9E10] =	vst v0  }
0x75: {  	[hbm4b:s28+s4] =	stream.linear.scatter [tilespmem:s21], [sflag:$0x2], $0x50, $0x38;
	[tilespmem:$0x9E20] =	vst v63  }
0x76: {  	_ =	swait.ge [sflag:s13], $0x50  }
0x77: {  	s26 =	sadd.s32 s23, s12;
	[sflag:s13] =	ssyncset.done $0x0  }
0x78: {  	[sflag:s13] =	ssyncadd.s32 $0xFFFFFFB0  }
0x79: {  	[tilespmem:s16], [sflag:$0x2] =	stream.linear.gather [hbm4b:s26+s4], $0x50, $0x38;
	[tilespmem:$0x9E20] =	vst v63  }
0x7a: {  	_ =	swait.ge [sflag:s13], $0x50  }
0x7b: {  	[sflag:s13] =	ssyncset.done $0x0  }
0x7c: {  	s26 =	sadd.s32 s23, s11;
	[sflag:s13] =	ssyncadd.s32 $0xFFFFFFB0  }
0x7d: {  	[tilespmem:s17], [sflag:$0x2] =	stream.linear.gather [hbm4b:s26+s4], $0x50, $0x38;
	[tilespmem:$0x9E20] =	vst v63  }
0x7e: {  	_ =	swait.ge [sflag:s13], $0x50  }
0x7f: {  	[sflag:s13] =	ssyncset.done $0x0  }
0x80: {  	[sflag:s13] =	ssyncadd.s32 $0xFFFFFFB0  }
0x81: {  	[tilespmem:s19], [sflag:$0x1] =	stream.indirect.gather [hbm4b:s1+s18], $0x80, s16, s18, $0xb8;
	[tilespmem:$0x9E20] =	vst v63  }
0x82: {  	_ =	swait.ge [sflag:s20], $0x2800  }
0x83: {  	[sflag:s20] =	ssyncset.done $0x0  }
0x84: {  	[sflag:s20] =	ssyncadd.s32 $0xFFFFD800  }
0x85: {  	[tilespmem:s19], [sflag:$0x1] =	stream.indirect.gather.add.f32 [hbm:s5], $0x80, s17, s18, $0xb8;
	[tilespmem:$0x9E20] =	vst v63  }
0x86: {  	_ =	swait.ge [sflag:s20], $0x2800  }
0x87: {  	[sflag:s20] =	ssyncset.done $0x0  }
0x88: {  	[sflag:s20] =	ssyncadd.s32 $0xFFFFD800  }
0x89: {  	[hbm4b:s25+s4] =	stream.linear.scatter [tilespmem:s19], [sflag:$0x2], $0x2800, $0x38;
	[tilespmem:$0x9E20] =	vst v63  }
0x8a: {  	_ =	swait.ge [sflag:s13], $0x2800  }
0x8b: {  	[sflag:s13] =	ssyncset.done $0x0  }
0x8c: {  	[sflag:s13] =	ssyncadd.s32 $0xFFFFD800  }
0x8d: {  	v0 =	vld [tilespmem:$0x7530];
	_ =	sdelay $0x1  }
0x8e: {  	v1 =	vld [tilespmem:$0x7580];
	_ =	sdelay $0x5  }
0x8f: {  	v2 =	vld.idx.msk [tilespmem:v0+s14+$0x0], $0xffff  }
0x90: {  	v3 =	vld.idx.msk [tilespmem:v0+s4+$0x0], $0xffff  }
0x91: {  	v4 =	vld.idx.msk [tilespmem:v1+s4+$0x0], $0xffff  }
0x92: {  	v5 =	vld.idx.msk [tilespmem:v1+s14+$0x0], $0xffff  }
0x93: {  	v0 =	vld.idx.msk [tilespmem:v0+s15+$0x0], $0xffff  }
0x94: {  	v1 =	vld.idx.msk [tilespmem:v1+s15+$0x0], $0xffff;
	_ =	sdelay $0x2  }
0x95: {  	v3 =	vsub.f32 v3, v4  }
0x96: {  	v2 =	vsub.f32 v2, v5  }
0x97: {  	v4 =	vld [tilespmem:$0x7540]  }
0x98: {  	v0 =	vsub.f32 v0, v1;
	v1 =	vmul.f32 v3, v3;
	v2 =	vmul.f32 v2, v2;
	v3 =	vld [tilespmem:$0x7590];
	_ =	sdelay $0x1  }
0x99: {  	v1 =	vadd.f32 v2, v1;
	v0 =	vmul.f32 v0, v0;
	_ =	sdelay $0x1  }
0x9a: {  	v0 =	vadd.f32 v0, v1;
	_ =	sdelay $0x1  }
0x9b: {  	[tilespmem:$0x9DD0] =	vst v0  }
0x9c: {  	v0 =	vld.idx.msk [tilespmem:v4+s4+$0x0], $0xffff  }
0x9d: {  	v1 =	vld.idx.msk [tilespmem:v3+s4+$0x0], $0xffff  }
0x9e: {  	v2 =	vld.idx.msk [tilespmem:v4+s14+$0x0], $0xffff  }
0x9f: {  	v5 =	vld.idx.msk [tilespmem:v3+s14+$0x0], $0xffff  }
0xa0: {  	v3 =	vld.idx.msk [tilespmem:v3+s15+$0x0], $0xffff  }
0xa1: {  	v4 =	vld.idx.msk [tilespmem:v4+s15+$0x0], $0xffff;
	_ =	sdelay $0x2  }
0xa2: {  	v0 =	vsub.f32 v0, v1  }
0xa3: {  	v1 =	vsub.f32 v2, v5  }
0xa4: {  	v0 =	vmul.f32 v0, v0;
	v2 =	vld [tilespmem:$0x75A0]  }
0xa5: {  	v3 =	vsub.f32 v4, v3;
	v1 =	vmul.f32 v1, v1;
	v4 =	vld [tilespmem:$0x7550];
	_ =	sdelay $0x1  }
0xa6: {  	v0 =	vadd.f32 v1, v0;
	v1 =	vmul.f32 v3, v3;
	_ =	sdelay $0x1  }
0xa7: {  	v0 =	vadd.f32 v1, v0;
	_ =	sdelay $0x1  }
0xa8: {  	[tilespmem:$0x9DE0] =	vst v0  }
0xa9: {  	v0 =	vld.idx.msk [tilespmem:v2+s14+$0x0], $0xffff  }
0xaa: {  	v1 =	vld.idx.msk [tilespmem:v4+s4+$0x0], $0xffff  }
0xab: {  	v3 =	vld.idx.msk [tilespmem:v2+s4+$0x0], $0xffff  }
0xac: {  	v5 =	vld.idx.msk [tilespmem:v4+s14+$0x0], $0xffff  }
0xad: {  	v2 =	vld.idx.msk [tilespmem:v2+s15+$0x0], $0xffff  }
0xae: {  	v4 =	vld.idx.msk [tilespmem:v4+s15+$0x0], $0xffff;
	_ =	sdelay $0x2  }
0xaf: {  	v1 =	vsub.f32 v1, v3  }
0xb0: {  	v0 =	vsub.f32 v5, v0  }
0xb1: {  	v3 =	vld [tilespmem:$0x7560]  }
0xb2: {  	v1 =	vmul.f32 v1, v1;
	v2 =	vsub.f32 v4, v2;
	v0 =	vmul.f32 v0, v0;
	v4 =	vld [tilespmem:$0x75B0];
	_ =	sdelay $0x1  }
0xb3: {  	v0 =	vadd.f32 v0, v1;
	v1 =	vmul.f32 v2, v2;
	_ =	sdelay $0x1  }
0xb4: {  	v0 =	vadd.f32 v1, v0;
	_ =	sdelay $0x1  }
0xb5: {  	[tilespmem:$0x9DF0] =	vst v0  }
0xb6: {  	v0 =	vld.idx.msk [tilespmem:v3+s4+$0x0], $0xffff  }
0xb7: {  	v1 =	vld.idx.msk [tilespmem:v4+s4+$0x0], $0xffff  }
0xb8: {  	v2 =	vld.idx.msk [tilespmem:v4+s14+$0x0], $0xffff  }
0xb9: {  	v5 =	vld.idx.msk [tilespmem:v3+s14+$0x0], $0xffff  }
0xba: {  	v3 =	vld.idx.msk [tilespmem:v3+s15+$0x0], $0xffff  }
0xbb: {  	v4 =	vld.idx.msk [tilespmem:v4+s15+$0x0], $0xffff;
	_ =	sdelay $0x1  }
0xbc: {  	v0 =	vsub.f32 v0, v1;
	_ =	sdelay $0x1  }
0xbd: {  	v1 =	vsub.f32 v5, v2;
	v2 =	vmul.f32 v0, v0  }
0xbe: {  	v0 =	vld [tilespmem:$0x7570]  }
0xbf: {  	v3 =	vsub.f32 v3, v4;
	v1 =	vmul.f32 v1, v1  }
0xc0: {  	v5 =	vld [tilespmem:$0x75C0]  }
0xc1: {  	v1 =	vadd.f32 v1, v2;
	v2 =	vmul.f32 v3, v3;
	_ =	sdelay $0x1  }
0xc2: {  	v1 =	vadd.f32 v2, v1;
	_ =	sdelay $0x1  }
0xc3: {  	[tilespmem:$0x9E00] =	vst v1  }
.Ltmp0:
0xc4: {  	v1 =	vld.idx.msk [tilespmem:v0+s15+$0x0], $0xffff;
	(pc) =	sbr.rel @p0 .LBB2_2-.Ltmp0, $4  }
0xc5: {  	v2 =	vld.idx.msk [tilespmem:v0+s4+$0x0], $0xffff  }
0xc6: {  	v3 =	vld.idx.msk [tilespmem:v5+s15+$0x0], $0xffff  }
0xc7: {  	v4 =	vld.idx.msk [tilespmem:v5+s14+$0x0], $0xffff  }
0xc8: {  	v5 =	vld.idx.msk [tilespmem:v5+s4+$0x0], $0xffff  }
0xc9: {  	_ =	sdelay $0x3  }
0xca: {  	v0 =	vld.idx.msk [tilespmem:v0+s14+$0x0], $0xffff;
	_ =	sdelay $0x4  }
0xcb: {  	v2 =	vsub.f32 v2, v5;
	v0 =	vsub.f32 v0, v4;
	_ =	sdelay $0x1  }
0xcc: {  	v1 =	vsub.f32 v1, v3;
	v2 =	vmul.f32 v2, v2;
	v0 =	vmul.f32 v0, v0;
	_ =	sdelay $0x1  }
0xcd: {  	v1 =	vmul.f32 v1, v1;
	v0 =	vadd.f32 v0, v2;
	_ =	sdelay $0x1  }
0xce: {  	s22 =	sadd.s32 $0x1, s22;
	v0 =	vadd.f32 v1, v0  }
0xcf: {  	p0 =	sne.s32 s22, s8  }
.Ltmp1:
0xd0: {  	s23 =	sadd.s32 s23, s10;
	[tilespmem:$0x9E10] =	vst v0;
	(pc) =	sbr.rel @p0 .LBB2_1-.Ltmp1, $4  }
0xd1: {  	[hbm4b:s23+s4] =	stream.linear.scatter [tilespmem:s21], [sflag:$0x2], $0x50, $0x38;
	[tilespmem:$0x9E20] =	vst v63  }
0xd2: {  	_ =	swait.ge [sflag:s13], $0x50  }
0xd3: {  	[sflag:s13] =	ssyncset.done $0x0  }
0xd4: {  	[sflag:s13] =	ssyncadd.s32 $0xFFFFFFB0  }
0xd5: {  	_ =	sfence.sel $0x180000  }
0xd6: {  	[bflag:$0x0] =	sbarrier.arrive $0xFFFF  }
0xd7: {  	p0 =	sne.s32 s2, $0x0;
	_ =	strace $0x90000047  }
0xd8: {  	s0 =	sadd.s32 @!p0 $0x100000, s0;
	[bflag:$0x2] =	sbarrier.arrive $0xFFFF  }
0xd9: {  	[sflag:s0] =	ssyncadd.tile.s32 @!p0 $0x1;
	_ =	shalt  }
.Lfunc_end2:
_tile_overlayer_lowered:
.L_overlay_start_2:
0xda: {  	(tag) =	ssettag $0x2  }
0xdb: {  	s0 =	rddreg [dreg:$0x0];
	s2 =	stileid.u32  }
0xdc: {  	s1 =	rddreg [dreg:$0x1];
	p0 =	sne.s32 s2, $0x0  }
0xdd: {  	s3 =	rddreg [dreg:$0x2];
	[bflag:$0x3] =	sbarrier.arrive $0xFFFF;
	s2 =	simm.s32 @!p0 $0x1C02  }
0xde: {  	[timem:s3], [sflag:s2] =	dma.local @!p0 [hbm:s0], s1  }
0xdf: {  	s0 =	simm.s32 @!p0 $0x2  }
0xe0: {  	_ =	swait.ge @!p0 [sflag:s0], s1  }
0xe1: {  	s1 =	ssub.s32 @!p0 $0x0, s1;
	[sflag:s0] =	ssyncset.done @!p0 $0x0  }
0xe2: {  	[sflag:s0] =	ssyncadd.s32 @!p0 s1  }
0xe3: {  	[bflag:$0x3] =	sbarrier.arrive $0xFFFF  }
0xe4: {  	_ =	shalt  }

// kernel: kernel.16.cloned.1.call-start
scs
__scs_entry_jumppad:
0x0: {  	(pc) =	sbr.rel $0x88, $3  }
0x1: {  	(tag) =	ssettag $0x0;
	lr =	simm.s32 $0x1  }
0x2: {  	[smem:$0x3F90] =	sst lr;
	_ =	strace $0xD0000000  }
0x3: {  	_ = 	snop  }
0x4: {  	_ = 	snop  }
0x5: {  	_ = 	snop  }
0x6: {  	_ = 	snop  }
0x7: {  	_ = 	snop  }
__scs_overlays_trampoline_lowered:
0x8: {  	[smem:$0x3F9F] =	sst s0  }
0x9: {  	[smem:$0x3FA0] =	sst s1  }
0xa: {  	[smem:$0x3FA1] =	sst s2  }
0xb: {  	[smem:$0x3FA2] =	sst s3  }
0xc: {  	[smem:$0x3FA3] =	sst s4  }
0xd: {  	[smem:$0x3FA4] =	sst s5  }
0xe: {  	[smem:$0x3FA5] =	sst s6  }
0xf: {  	[smem:$0x3FA6] =	sst s7  }
0x10: {  	[smem:$0x3FA7] =	sst s8  }
0x11: {  	[smem:$0x3FA8] =	sst s9;
	s0 =	simm.s32 @!p0 $0x0  }
0x12: {  	s1 =	sld [smem:$0x3F8E];
	s0 =	simm.s32 @p0 $0x1  }
0x13: {  	[smem:$0x3FA9] =	sst s0;
	s0 =	simm.s32 @!p1 $0x0  }
0x14: {  	s2 =	sld [smem:$0x3F8D];
	s0 =	simm.s32 @p1 $0x1  }
0x15: {  	[smem:$0x3FAA] =	sst s0;
	s0 =	simm.s32 @!p2 $0x0  }
0x16: {  	s3 =	sld [smem:$0x3FDB];
	s0 =	simm.s32 @p2 $0x1  }
0x17: {  	s4 =	simm.s32 $0x1BF5;
	[smem:$0x3FAC] =	sst s0  }
0x18: {  	s0 =	sld [smem:$0x3F8F];
	_ =	swait.ge [sflag:s4], $0x0  }
0x19: {  	s7 =	sld [smem:$0x3F90]  }
0x1a: {  	s8 =	sadd.s32 $0xFFFFE003, lr  }
0x1b: {  	s9 =	sadd.s32 $0xFFFFFEF7, lr;
	s5 =	simm.s32 $0xFFFFFFFF;
	p2 =	slt.u32 s8, $0xFFFFF086  }
0x1c: {  	p1 =	slt.u32 s9, $0xF7A;
	s5 =	simm.s32 @!p2 $0x0  }
0x1d: {  	s5 =	simm.s32 @p1 $0x1;
	p0 =	seq.s32 s7, s2  }
0x1e: {  	s7 =	smul.u32 @!p0 $0xF7A, s2;
	p2 =	seq.s32 @!p0 s5, $0x0  }
0x1f: {  	s9 =	smul.u32 $0xF7A, s1;
	s8 =	simm.s32 @!p0 $0x1BF5;
	p2 =	por !p2, p0  }
0x20: {  	[sflag:s8] =	ssyncset.s32 @!p0 $0xFFFFF086;
	s6 =	sadd.s32 @!p0 s3, s7;
	s7 =	simm.s32 @!p0 $0x108  }
0x21: {  	s3 =	sadd.s32 s3, s9;
	s6 =	sadd.s32 @!p0 $0x88, s6;
	s7 =	simm.s32 @p2 $0x1082  }
0x22: {  	[simem:s7], [sflag:s8] =	dma.local @!p0 [hbm:s6], $0xF7A  }
0x23: {  	s9 =	sor.u32 $0xD0000000, s2;
	s6 =	simm.s32 $0x108;
	_ =	swait.ge @!p0 [sflag:s8], $0x0  }
0x24: {  	s3 =	sadd.s32 $0x88, s3;
	s6 =	simm.s32 @!p1 $0x1082;
	[sflag:s4] =	ssyncset.s32 $0xFFFFF086  }
0x25: {  	[simem:s6], [sflag:s4] =	dma.local [hbm:s3], $0xF7A  }
0x26: {  	[smem:$0x3F90] =	sst s1;
	(tag) =	ssettag s2;
	_ =	strace s9  }
0x27: {  	s1 =	sld [smem:$0x3FA0]  }
0x28: {  	s2 =	sld [smem:$0x3FA1]  }
0x29: {  	s4 =	sld [smem:$0x3FA3]  }
0x2a: {  	p0 =	seq.s32 s5, $0x0;
	s5 =	sld [smem:$0x3FA4]  }
0x2b: {  	s6 =	sld [smem:$0x3FA5]  }
0x2c: {  	s7 =	sld [smem:$0x3FA6]  }
0x2d: {  	s3 =	simm.s32 $0x108;
	s8 =	sld [smem:$0x3FA7]  }
0x2e: {  	s3 =	simm.s32 @!p0 $0x1082;
	s9 =	sld [smem:$0x3FA8]  }
0x2f: {  	lr =	sadd.s32 s0, s3;
	s0 =	sld [smem:$0x3F9F]  }
0x30: {  	s3 =	sld [smem:$0x3FA2]  }
0x31: {  	[smem:$0x3FAB] =	sst s10  }
0x32: {  	s10 =	sld [smem:$0x3FA9];
	_ =	sdelay $0x3  }
0x33: {  	p0 =	seq.s32 s10, $0x1;
	s10 =	sld [smem:$0x3FAB];
	_ =	sdelay $0x3  }
0x34: {  	[smem:$0x3FAB] =	sst s10  }
0x35: {  	s10 =	sld [smem:$0x3FAA];
	_ =	sdelay $0x3  }
0x36: {  	p1 =	seq.s32 s10, $0x1;
	s10 =	sld [smem:$0x3FAB];
	_ =	sdelay $0x3  }
0x37: {  	[smem:$0x3FAB] =	sst s10  }
0x38: {  	s10 =	sld [smem:$0x3FAC]  }
0x39: {  	_ = 	snop;
	(pc) =	sbr.ind lr, $3  }
0x3a: {  	_ = 	snop  }
0x3b: {  	_ = 	snop  }
0x3c: {  	p2 =	seq.s32 s10, $0x1;
	s10 =	sld [smem:$0x3FAB]  }
0x3d: {  	_ =	shalt  }
0x3e: {  	_ =	shalt  }
0x3f: {  	_ =	shalt  }
0x40: {  	_ =	shalt  }
0x41: {  	_ =	shalt  }
0x42: {  	_ =	shalt  }
0x43: {  	_ =	shalt  }
0x44: {  	_ =	shalt  }
0x45: {  	_ =	shalt  }
0x46: {  	_ =	shalt  }
0x47: {  	_ =	shalt  }
0x48: {  	_ =	shalt  }
0x49: {  	_ =	shalt  }
0x4a: {  	_ =	shalt  }
0x4b: {  	_ =	shalt  }
0x4c: {  	_ =	shalt  }
0x4d: {  	_ =	shalt  }
0x4e: {  	_ =	shalt  }
0x4f: {  	_ =	shalt  }
0x50: {  	_ =	shalt  }
0x51: {  	_ =	shalt  }
0x52: {  	_ =	shalt  }
0x53: {  	_ =	shalt  }
0x54: {  	_ =	shalt  }
0x55: {  	_ =	shalt  }
0x56: {  	_ =	shalt  }
0x57: {  	_ =	shalt  }
0x58: {  	_ =	shalt  }
0x59: {  	_ =	shalt  }
0x5a: {  	_ =	shalt  }
0x5b: {  	_ =	shalt  }
0x5c: {  	_ =	shalt  }
0x5d: {  	_ =	shalt  }
0x5e: {  	_ =	shalt  }
0x5f: {  	_ =	shalt  }
0x60: {  	_ =	shalt  }
0x61: {  	_ =	shalt  }
0x62: {  	_ =	shalt  }
0x63: {  	_ =	shalt  }
0x64: {  	_ =	shalt  }
0x65: {  	_ =	shalt  }
0x66: {  	_ =	shalt  }
0x67: {  	_ =	shalt  }
0x68: {  	_ =	shalt  }
0x69: {  	_ =	shalt  }
0x6a: {  	_ =	shalt  }
0x6b: {  	_ =	shalt  }
0x6c: {  	_ =	shalt  }
0x6d: {  	_ =	shalt  }
0x6e: {  	_ =	shalt  }
0x6f: {  	_ =	shalt  }
0x70: {  	_ =	shalt  }
0x71: {  	_ =	shalt  }
0x72: {  	_ =	shalt  }
0x73: {  	_ =	shalt  }
0x74: {  	_ =	shalt  }
0x75: {  	_ =	shalt  }
0x76: {  	_ =	shalt  }
0x77: {  	_ =	shalt  }
0x78: {  	_ =	shalt  }
0x79: {  	_ =	shalt  }
0x7a: {  	_ =	shalt  }
0x7b: {  	_ =	shalt  }
0x7c: {  	_ =	shalt  }
0x7d: {  	_ =	shalt  }
0x7e: {  	_ =	shalt  }
0x7f: {  	_ =	shalt  }
0x80: {  	_ =	shalt  }
0x81: {  	_ =	shalt  }
0x82: {  	_ =	shalt  }
0x83: {  	_ =	shalt  }
0x84: {  	_ =	shalt  }
0x85: {  	_ =	shalt  }
0x86: {  	_ =	shalt  }
0x87: {  	_ =	shalt  }
.Lfunc_end0:
.L_simem_size_0:
called_computation.1_lowered:
.L_overlay_start_0:
0x88: {  	s2 =	sld [smem:$0x3FD9]  }
0x89: {  	s3 =	sld [smem:$0x3FFE];
	_ =	sdelay $0x1  }
0x8a: {  	s1 =	srdreg.scid  }
0x8b: {  	s0 =	sand.u32 $0x1, s1  }
0x8c: {  	s14 =	sshll.u32 s0, $0xA;
	s2 =	sadd.s32 s3, s2  }
0x8d: {  	s2 =	sadd.s32 s2, s14  }
0x8e: {  	[smem:$0x3FB7] =	sst s2  }
0x8f: {  	_ = 	snop  }
0x90: {  	s2 =	sld [smem:$0x3FD0];
	_ =	sdelay $0x2  }
0x91: {  	s15 =	simm.s32 $0xA;
	s4 =	simm.s32 $0x10  }
0x92: {  	[smem:s4], [sflag:s15] =	dma.local [hbm:s2], $0x1  }
0x93: {  	_ =	swait.eq [sflag:s15], $0x1  }
0x94: {  	[sflag:s15] =	ssyncset.done $0x0  }
0x95: {  	[sflag:s15] =	ssyncadd.s32 $0xFFFFFFFF  }
0x96: {  	s16 =	sld [smem:$0x10];
	(tm) =	ssettm $0x1  }
0x97: {  	s17 =	sld [smem:$0x3FFB];
	_ =	sdelay $0x3  }
0x98: {  	_ =	strace s17  }
0x99: {  	s3 =	sld [smem:$0x3FFC];
	_ =	sdelay $0x3  }
0x9a: {  	_ =	strace s3  }
0x9b: {  	s3 =	sld [smem:$0x3FFD];
	_ =	sdelay $0x3  }
0x9c: {  	_ =	strace s3  }
0x9d: {  	_ =	strace $0x8FFFFFFF  }
0x9e: {  	s18 =	sld [smem:$0x3FDB];
	_ =	sdelay $0x1  }
0x9f: {  	s19 =	simm.s32 $_scs_section_size  }
0xa0: {  	s5 =	simm.s32 $_size__tile_overlayer_lowered;
	s6 =	simm.s32 $_tile_overlayer_lowered  }
0xa1: {  	s22 =	simm.s32 $0x1BFF;
	s21 =	sshll.u32 s6, $0x1;
	s3 =	sadd.s32 s19, s18  }
0xa2: {  	s7 =	simm.s32 $0x0;
	s20 =	sshll.u32 s5, $0x1;
	s5 =	sadd.s32 s21, s3  }
0xa3: {  	[timem:s7], [sflag:s22] =	dma.local [hbm:s5], s20  }
0xa4: {  	_ =	swait.ge [sflag:s22], s20  }
0xa5: {  	s4 =	ssub.s32 $0x0, s20;
	[sflag:s22] =	ssyncset.done $0x0  }
0xa6: {  	[sflag:s22] =	ssyncadd.s32 s4;
	_ =	sdelay $0x1  }
0xa7: {  	s23 =	simm.s32 $0x1B8B  }
0xa8: {  	_ =	swait.ge [sflag:s23], $0x1  }
0xa9: {  	[sflag:s23] =	ssyncset.done $0x0  }
0xaa: {  	s25 =	simm.s32 $0x1B8E;
	s24 =	sld [smem:$0x3FFE];
	[sflag:s23] =	ssyncadd.s32 $0xFFFFFFFF  }
0xab: {  	s26 =	simm.s32 $execute0_lowered;
	[smem:$0x3FD2] =	sst s25  }
0xac: {  	s5 =	sshll.u32 s26, $0x1;
	_ =	strace $0x80000049;
	[dreg:$0x1] =	wrdreg $0xFFFFFFFF  }
0xad: {  	s28 =	simm.s32 $_size_execute0_lowered;
	s3 =	sadd.s32 s3, s5;
	[dreg:$0x0] =	wrdreg $0x0  }
0xae: {  	s5 =	sshll.u32 s28, $0x1;
	[dreg:$0x2] =	wrdreg s3  }
0xaf: {  	[dreg:$0x3] =	wrdreg s5  }
0xb0: {  	[dreg:$0x4] =	wrdreg $0xC0  }
0xb1: {  	_ =	task [dreg:s7], $0x5FFFF  }
0xb2: {  	[dreg:$0x1] =	wrdreg $0xFFFFFFFF  }
0xb3: {  	[dreg:$0x0] =	wrdreg $0x60  }
0xb4: {  	[dreg:$0x2] =	wrdreg s24  }
0xb5: {  	[dreg:$0x3] =	wrdreg s16  }
0xb6: {  	[dreg:$0x4] =	wrdreg $0x9  }
0xb7: {  	_ =	task.clear_ibuf [dreg:s7], $0x5FFFF;
	_ =	strace $0x90000049  }
0xb8: {  	s29 =	simm.s32 $0x9;
	_ =	strace $0x8000004B  }
0xb9: {  	_ =	swait.ge [sflag:s29], $0x1  }
0xba: {  	[sflag:s29] =	ssyncadd.s32 $0xFFFFFFFF  }
0xbb: {  	_ =	strace $0x9000004B  }
0xbc: {  	_ =	sfence  }
0xbd: {  	s30 =	sld [smem:$0x0];
	_ =	sdelay $0x2  }
0xbe: {  	s31 =	sshll.u32 s1, $0xD;
	s1 =	sshrl.u32 s1, $0x2  }
0xbf: {  	s3 =	sand.u32 $0x4000, s31;
	s1 =	sadd.s32 s1, s30  }
0xc0: {  	s0 =	sor.u32 s3, s0;
	s1 =	sshll.u32 s1, $0x11  }
0xc1: {  	s0 =	sor.u32 s1, s0  }
0xc2: {  	s0 =	sadd.s32 $0x8F2B, s0  }
0xc3: {  	[sflag:s0] =	ssyncadd.remote.s32 $0x1  }
0xc4: {  	_ =	sfence.sel $0xFFFF  }
0xc5: {  	[dreg:$0x0] =	wrdreg $0xFFFFFFFF;
	(pc) =	sbr.abs _section_cstart, $3  }
0xc6: {  	[dreg:$0x1] =	wrdreg $0xFFFFFFFF  }
0xc7: {  	_ =	task.clear_ibuf [dreg:s7], $0x2FFFF;
	_ =	strace $0x9FFFFFFF  }
0xc8: {  	(tm) =	ssettm $0x7FFFFFFF  }
0xc9: {  	_ =	shalt  }
tec
execute0_lowered:
.L_overlay_start_1:
0x0: {  	(tag) =	ssettag $0x1  }
0x1: {  	v0 =	vimm.s32 $0xEDCBA987;
	v1 =	vimm.s32 $0x65432100  }
0x2: {  	v2 =	vimm.s32 $0xDCBA9876;
	v3 =	vimm.s32 $0x54321000;
	v4 =	vimm.s32 $0xBA987654  }
0x3: {  	v5 =	vimm.s32 $0xE40000;
	v6 =	vimm.s32 $0xFFEDCBA9;
	v0 =	vunpack.c.l.s4.s8 v0  }
0x4: {  	v7 =	vimm.s32 $0x87654321;
	vm0 =	vcmask $0x3F04;
	v1 =	vunpack.c.l.s4.s8 v1  }
0x5: {  	vm3 =	vcmask $0x3F30;
	v2 =	vunpack.c.l.s4.s8 v2;
	v0 =	vunpack.c.0.s8.s32 v0  }
0x6: {  	vm1 =	vcmask $0x3F08;
	v3 =	vunpack.c.l.s4.s8 v3;
	v1 =	vunpack.c.0.s8.s32 v1  }
0x7: {  	s1 =	srdreg.scid;
	v4 =	vunpack.c.l.s4.s8 v4;
	v2 =	vunpack.c.0.s8.s32 v2;
	v0 =	vand.u32 $0xF, v0  }
0x8: {  	s0 =	stileid.u32;
	s3 =	rddreg [dreg:$0x0];
	v0 =	vcombine.low v1, v0;
	v1 =	vunpack.c.0.s8.s32 v3;
	v3 =	vimm.s32 $0x32100000  }
0x9: {  	s5 =	rddreg [dreg:$0x1];
	s2 =	simm.s32 $0x0;
	s9 =	simm.s32 $0x7620;
	v5 =	vunpack.c.l.s2.s4 v5;
	v6 =	vunpack.c.l.s4.s8 v6;
	v3 =	vunpack.c.l.s4.s8 v3  }
0xa: {  	s10 =	simm.s32 $0x7630;
	s4 =	sand.u32 $0x1, s1;
	s30 =	sshll.u32 s0, $0x1;
	v7 =	vunpack.c.l.s4.s8 v7;
	v4 =	vunpack.c.0.s8.s32 v4;
	v2 =	vand.u32 $0xF, v2  }
0xb: {  	s11 =	simm.s32 $0x4E20;
	s12 =	simm.s32 $0x0;
	s6 =	sor.u32 s4, s30;
	v1 =	vcombine.low v1, v2;
	v2 =	vunpack.c.0.s8.s32 v3;
	v3 =	vunpack.c.l.s4.s8 v5  }
0xc: {  	s1 =	rddreg [dreg:$0x2];
	s4 =	ssub.s32 $0x2, s4;
	s7 =	smul.u32 $0x4E2, s6;
	v4 =	vand.u32 $0xF, v4;
	v5 =	vunpack.c.0.s8.s32 v6;
	v6 =	vunpack.c.0.s8.s32 v7  }
0xd: {  	[smem:$0x7FF] =	sst s2;
	s31 =	sshrl.u32 s4, $0x1;
	s6 =	smul.u32 $0x500, s6;
	v2 =	vcombine.low v2, v4;
	v4 =	vimm.s32 $0x7060504;
	v7 =	vunpack.c.0.s8.s32 v3  }
0xe: {  	vm2 =	vcmask $0x3F10;
	_ =	strace $0x8000004A;
	s8 =	ssub.s32 s4, s31;
	s7 =	sadd.s32 s7, s3;
	v5 =	vcombine.low v6, v5;
	v4 =	vunpack.c.0.s8.s32 v4  }
0xf: {  	vm4 =	vcmask $0x3F3C;
	s5 =	sadd.s32 s5, s6;
	s6 =	smax.u32 s8, $0x1;
	s8 =	simm.s32 $0x2710;
	v3 =	vimm.f32 $-1.000000020e+30;
	v6 =	vand.u32 $0x3, v7  }
0x10: {  	s3 =	sadd.s32 $0x16E00, s7;
	s4 =	sadd.s32 $0xD000, s7;
	s7 =	simm.s32 $0x1;
	v5 =	vand.u32 $0xF, v5;
	v4 =	vsel vm3, v4, v6;
	vm3 =	vcmask $0x3F20  }
.LBB2_1:
0x11: {  	[tilespmem:s2], [sflag:$0x1] =	stream.linear.gather [hbm4b:s3+s2], $0x2710, $0x38;
	[tilespmem:$0x7640] =	vst v63  }
0x12: {  	_ =	swait.ge [sflag:s7], $0x2710  }
0x13: {  	[sflag:s7] =	ssyncset.done $0x0  }
0x14: {  	[sflag:s7] =	ssyncadd.s32 $0xFFFFD8F0  }
0x15: {  	[tilespmem:s8], [sflag:$0x1] =	stream.linear.gather [hbm4b:s4+s2], $0x2710, $0x38;
	[tilespmem:$0x7640] =	vst v63  }
0x16: {  	_ =	swait.ge [sflag:s7], $0x2710  }
0x17: {  	[sflag:s7] =	ssyncset.done $0x0  }
0x18: {  	s13 =	simm.s32 $0x0;
	[sflag:s7] =	ssyncadd.s32 $0xFFFFD8F0  }
.LBB2_2:
0x19: {  	p0 =	sne.s32 s13, $0x9FC0  }
.Ltmp0:
0x1a: {  	_ = 	snop;
	(pc) =	sbr.rel @p0 .LBB2_2-.Ltmp0, $3  }
0x1b: {  	_ =	sdelay $0x1  }
0x1c: {  	s14 =	sshra.s32 s13, $0x2  }
0x1d: {  	s13 =	sadd.s32 $0x40, s13;
	[tilespmem:s14+$0x4E20] =	vst v3  }
0x1e: {  	s13 =	simm.s32 $0x0  }
0x1f: {  	v6 =	vld [tilespmem:s13+$0x2710]  }
0x20: {  	v7 =	vld [tilespmem:s13+$0x0];
	_ =	sdelay $0x3  }
0x21: {  	v6 =	vxor.u32 $0x80000000, v6  }
0x22: {  	(xrf1) =	vsort.ascd.msk.u32 $0xffff, v6, v7;
	_ =	sdelay $0xd  }
0x23: {  	v6, v7, _ =	vpop (xrf1)  }
0x24: {  	v6 =	vxor.u32 $0x80000000, v6;
	[tilespmem:$0x7630] =	vst v7  }
0x25: {  	[tilespmem:$0x7620] =	vst v6  }
0x26: {  	v8 =	vld.idx.msk [tilespmem:v0+s9+$0x0], $0xffff  }
0x27: {  	v9 =	vld.idx.msk [tilespmem:v0+s10+$0x0], $0xffff;
	_ =	sdelay $0x3  }
0x28: {  	vm5 =	veq.s32 v8, v6  }
0x29: {  	v8 =	vmax.f32 v7, v9;
	vm5 =	vmand vm5, vm0  }
0x2a: {  	v7 =	vsel vm5, v8, v7  }
0x2b: {  	[tilespmem:$0x7630] =	vst v7  }
0x2c: {  	v8 =	vld.idx.msk [tilespmem:v1+s9+$0x0], $0xffff  }
0x2d: {  	v61 =	vld.idx.msk [tilespmem:v1+s10+$0x0], $0xffff;
	_ =	sdelay $0x3  }
0x2e: {  	vm5 =	veq.s32 v8, v6  }
0x2f: {  	v8 =	vmax.f32 v7, v61;
	vm5 =	vmand vm5, vm1  }
0x30: {  	v7 =	vsel vm5, v8, v7  }
0x31: {  	[tilespmem:$0x7630] =	vst v7  }
0x32: {  	v8 =	vld.idx.msk [tilespmem:v2+s9+$0x0], $0xffff  }
0x33: {  	v62 =	vld.idx.msk [tilespmem:v2+s10+$0x0], $0xffff;
	_ =	sdelay $0x3  }
0x34: {  	vm5 =	veq.s32 v8, v6  }
0x35: {  	v8 =	vmax.f32 v7, v62;
	vm5 =	vmand vm5, vm2  }
0x36: {  	v7 =	vsel vm5, v8, v7  }
0x37: {  	[tilespmem:$0x7630] =	vst v7  }
0x38: {  	v8 =	vld.idx.msk [tilespmem:v4+s9+$0x0], $0xffff  }
0x39: {  	v63 =	vld.idx.msk [tilespmem:v4+s10+$0x0], $0xffff;
	_ =	sdelay $0x3  }
0x3a: {  	vm5 =	veq.s32 v8, v6  }
0x3b: {  	v8 =	vmax.f32 v7, v63;
	vm5 =	vmand vm5, vm3  }
0x3c: {  	v7 =	vsel vm5, v8, v7  }
0x3d: {  	[tilespmem:$0x7630] =	vst v7  }
0x3e: {  	v8 =	vld.idx.msk [tilespmem:v5+s9+$0x0], $0xffff;
	_ =	sdelay $0x4  }
0x3f: {  	vm5 =	vne.s32 v8, v6  }
0x40: {  	vm5 =	vmor vm5, vm4;
	_ =	sdelay $0x5  }
0x41: {  	v8 =	vld.idx.msk [tilespmem:v6+s11+$0x0], vm5;
	_ =	sdelay $0x4  }
0x42: {  	s14 =	simm.s32 $0x80;
	s13 =	simm.s32 $0x40;
	v7 =	vmax.f32 v8, v7  }
.LBB2_4:
0x43: {  	p0 =	sne.s32 s14, $0x9C00  }
0x44: {  	s15 =	sshra.s32 s13, $0x2;
	[tilespmem:v6+s11+$0x0] =	vst.idx.msk vm5, v7;
	s13 =	smov.u32 s14;
	s14 =	sadd.s32 $0x40, s14  }
0x45: {  	v6 =	vld [tilespmem:s15+$0x2710]  }
0x46: {  	v7 =	vld [tilespmem:s15+$0x0];
	_ =	sdelay $0x3  }
0x47: {  	v6 =	vxor.u32 $0x80000000, v6  }
0x48: {  	(xrf1) =	vsort.ascd.msk.u32 $0xffff, v6, v7;
	_ =	sdelay $0xd  }
0x49: {  	v6, v7, _ =	vpop (xrf1)  }
0x4a: {  	v6 =	vxor.u32 $0x80000000, v6;
	[tilespmem:$0x7630] =	vst v7  }
0x4b: {  	[tilespmem:$0x7620] =	vst v6  }
0x4c: {  	v8 =	vld.idx.msk [tilespmem:v0+s9+$0x0], $0xffff  }
0x4d: {  	v9 =	vld.idx.msk [tilespmem:v0+s10+$0x0], $0xffff;
	_ =	sdelay $0x4  }
0x4e: {  	vm5 =	veq.s32 v8, v6  }
0x4f: {  	vm5 =	vmand vm5, vm0;
	v8 =	vmax.f32 v7, v9  }
0x50: {  	v7 =	vsel vm5, v8, v7  }
0x51: {  	[tilespmem:$0x7630] =	vst v7  }
0x52: {  	v8 =	vld.idx.msk [tilespmem:v1+s9+$0x0], $0xffff  }
0x53: {  	v9 =	vld.idx.msk [tilespmem:v1+s10+$0x0], $0xffff;
	_ =	sdelay $0x4  }
0x54: {  	vm5 =	veq.s32 v8, v6  }
0x55: {  	vm5 =	vmand vm5, vm1;
	v8 =	vmax.f32 v7, v9  }
0x56: {  	v7 =	vsel vm5, v8, v7  }
0x57: {  	[tilespmem:$0x7630] =	vst v7  }
0x58: {  	v8 =	vld.idx.msk [tilespmem:v2+s9+$0x0], $0xffff  }
0x59: {  	v9 =	vld.idx.msk [tilespmem:v2+s10+$0x0], $0xffff;
	_ =	sdelay $0x4  }
0x5a: {  	vm5 =	veq.s32 v8, v6  }
0x5b: {  	vm5 =	vmand vm5, vm2;
	v8 =	vmax.f32 v7, v9  }
0x5c: {  	v7 =	vsel vm5, v8, v7  }
0x5d: {  	[tilespmem:$0x7630] =	vst v7  }
0x5e: {  	v8 =	vld.idx.msk [tilespmem:v4+s9+$0x0], $0xffff  }
0x5f: {  	v9 =	vld.idx.msk [tilespmem:v4+s10+$0x0], $0xffff;
	_ =	sdelay $0x4  }
0x60: {  	vm5 =	veq.s32 v8, v6  }
0x61: {  	vm5 =	vmand vm5, vm3;
	v8 =	vmax.f32 v7, v9  }
0x62: {  	v7 =	vsel vm5, v8, v7  }
0x63: {  	[tilespmem:$0x7630] =	vst v7  }
0x64: {  	v8 =	vld.idx.msk [tilespmem:v5+s9+$0x0], $0xffff;
	_ =	sdelay $0x5  }
0x65: {  	vm5 =	vne.s32 v8, v6  }
0x66: {  	vm5 =	vmor vm5, vm4;
	_ =	sdelay $0x5  }
0x67: {  	v8 =	vld.idx.msk [tilespmem:v6+s11+$0x0], vm5;
	_ =	sdelay $0x1  }
.Ltmp1:
0x68: {  	(pc) =	sbr.rel @p0 .LBB2_4-.Ltmp1, $2  }
0x69: {  	_ =	sdelay $0x2  }
0x6a: {  	v7 =	vmax.f32 v8, v7  }
0x6b: {  	_ =	sdelay $0x4  }
0x6c: {  	s13 =	sshra.s32 s13, $0x2;
	[tilespmem:v6+s11+$0x0] =	vst.idx.msk vm5, v7  }
0x6d: {  	v6 =	vld [tilespmem:s13+$0x2710]  }
0x6e: {  	v7 =	vld [tilespmem:s13+$0x0];
	_ =	sdelay $0x3  }
0x6f: {  	v6 =	vxor.u32 $0x80000000, v6  }
0x70: {  	(xrf1) =	vsort.ascd.msk.u32 $0xffff, v6, v7;
	_ =	sdelay $0xd  }
0x71: {  	v6, v7, _ =	vpop (xrf1)  }
0x72: {  	v6 =	vxor.u32 $0x80000000, v6;
	[tilespmem:$0x7630] =	vst v7  }
0x73: {  	[tilespmem:$0x7620] =	vst v6  }
0x74: {  	v8 =	vld.idx.msk [tilespmem:v0+s9+$0x0], $0xffff  }
0x75: {  	v9 =	vld.idx.msk [tilespmem:v0+s10+$0x0], $0xffff;
	_ =	sdelay $0x3  }
0x76: {  	vm5 =	veq.s32 v8, v6  }
0x77: {  	v52 =	vmax.f32 v7, v9;
	vm5 =	vmand vm5, vm0  }
0x78: {  	v7 =	vsel vm5, v52, v7  }
0x79: {  	[tilespmem:$0x7630] =	vst v7  }
0x7a: {  	v53 =	vld.idx.msk [tilespmem:v1+s9+$0x0], $0xffff  }
0x7b: {  	v54 =	vld.idx.msk [tilespmem:v1+s10+$0x0], $0xffff;
	_ =	sdelay $0x3  }
0x7c: {  	vm5 =	veq.s32 v53, v6  }
0x7d: {  	v55 =	vmax.f32 v7, v54;
	vm5 =	vmand vm5, vm1  }
0x7e: {  	v7 =	vsel vm5, v55, v7  }
0x7f: {  	[tilespmem:$0x7630] =	vst v7  }
0x80: {  	v56 =	vld.idx.msk [tilespmem:v2+s9+$0x0], $0xffff  }
0x81: {  	v57 =	vld.idx.msk [tilespmem:v2+s10+$0x0], $0xffff;
	_ =	sdelay $0x3  }
0x82: {  	vm5 =	veq.s32 v56, v6  }
0x83: {  	v58 =	vmax.f32 v7, v57;
	vm5 =	vmand vm5, vm2  }
0x84: {  	v7 =	vsel vm5, v58, v7  }
0x85: {  	[tilespmem:$0x7630] =	vst v7  }
0x86: {  	v59 =	vld.idx.msk [tilespmem:v4+s9+$0x0], $0xffff  }
0x87: {  	v60 =	vld.idx.msk [tilespmem:v4+s10+$0x0], $0xffff;
	_ =	sdelay $0x3  }
0x88: {  	vm5 =	veq.s32 v59, v6  }
0x89: {  	v61 =	vmax.f32 v7, v60;
	vm5 =	vmand vm5, vm3  }
0x8a: {  	v7 =	vsel vm5, v61, v7  }
0x8b: {  	[tilespmem:$0x7630] =	vst v7  }
0x8c: {  	v62 =	vld.idx.msk [tilespmem:v5+s9+$0x0], $0xffff;
	_ =	sdelay $0x4  }
0x8d: {  	vm5 =	vne.s32 v62, v6  }
0x8e: {  	vm5 =	vmor vm5, vm4;
	_ =	sdelay $0x5  }
0x8f: {  	v63 =	vld.idx.msk [tilespmem:v6+s11+$0x0], vm5;
	_ =	sdelay $0x3  }
0x90: {  	s12 =	sadd.s32 $0x1, s12  }
0x91: {  	p0 =	sne.s32 s12, s6;
	v7 =	vmax.f32 v63, v7  }
.Ltmp2:
0x92: {  	[tilespmem:v6+s11+$0x0] =	vst.idx.msk vm5, v7;
	(pc) =	sbr.rel @p0 .LBB2_1-.Ltmp2, $4  }
0x93: {  	[hbm4b:s5+s2] =	stream.linear.scatter [tilespmem:s11], [sflag:$0x1], $0x2800, $0x38;
	[tilespmem:$0x7640] =	vst v63  }
0x94: {  	_ =	swait.ge [sflag:s7], $0x2800  }
0x95: {  	[sflag:s7] =	ssyncset.done $0x0  }
0x96: {  	[sflag:s7] =	ssyncadd.s32 $0xFFFFD800  }
0x97: {  	_ =	sfence.sel $0x180000  }
0x98: {  	[bflag:$0x0] =	sbarrier.arrive $0xFFFF  }
0x99: {  	p0 =	sne.s32 s0, $0x0;
	_ =	strace $0x9000004A  }
0x9a: {  	s0 =	sadd.s32 @!p0 $0x100000, s1;
	[bflag:$0x2] =	sbarrier.arrive $0xFFFF  }
0x9b: {  	[sflag:s0] =	ssyncadd.tile.s32 @!p0 $0x1;
	_ =	shalt  }
.Lfunc_end2:
_tile_overlayer_lowered:
.L_overlay_start_2:
0x9c: {  	(tag) =	ssettag $0x2  }
0x9d: {  	s0 =	rddreg [dreg:$0x0];
	s2 =	stileid.u32  }
0x9e: {  	s1 =	rddreg [dreg:$0x1];
	p0 =	sne.s32 s2, $0x0  }
0x9f: {  	s3 =	rddreg [dreg:$0x2];
	[bflag:$0x3] =	sbarrier.arrive $0xFFFF;
	s2 =	simm.s32 @!p0 $0x1C01  }
0xa0: {  	[timem:s3], [sflag:s2] =	dma.local @!p0 [hbm:s0], s1  }
0xa1: {  	s0 =	simm.s32 @!p0 $0x1  }
0xa2: {  	_ =	swait.ge @!p0 [sflag:s0], s1  }
0xa3: {  	s1 =	ssub.s32 @!p0 $0x0, s1;
	[sflag:s0] =	ssyncset.done @!p0 $0x0  }
0xa4: {  	[sflag:s0] =	ssyncadd.s32 @!p0 s1  }
0xa5: {  	[bflag:$0x3] =	sbarrier.arrive $0xFFFF  }
0xa6: {  	_ =	shalt  }

// kernel: kernel.19.cloned.1.call-start
scs
__scs_entry_jumppad:
0x0: {  	(pc) =	sbr.rel $0x88, $3  }
0x1: {  	(tag) =	ssettag $0x0;
	lr =	simm.s32 $0x1  }
0x2: {  	[smem:$0x3F90] =	sst lr;
	_ =	strace $0xD0000000  }
0x3: {  	_ = 	snop  }
0x4: {  	_ = 	snop  }
0x5: {  	_ = 	snop  }
0x6: {  	_ = 	snop  }
0x7: {  	_ = 	snop  }
__scs_overlays_trampoline_lowered:
0x8: {  	[smem:$0x3F9F] =	sst s0  }
0x9: {  	[smem:$0x3FA0] =	sst s1  }
0xa: {  	[smem:$0x3FA1] =	sst s2  }
0xb: {  	[smem:$0x3FA2] =	sst s3  }
0xc: {  	[smem:$0x3FA3] =	sst s4  }
0xd: {  	[smem:$0x3FA4] =	sst s5  }
0xe: {  	[smem:$0x3FA5] =	sst s6  }
0xf: {  	[smem:$0x3FA6] =	sst s7  }
0x10: {  	[smem:$0x3FA7] =	sst s8  }
0x11: {  	[smem:$0x3FA8] =	sst s9;
	s0 =	simm.s32 @!p0 $0x0  }
0x12: {  	s1 =	sld [smem:$0x3F8E];
	s0 =	simm.s32 @p0 $0x1  }
0x13: {  	[smem:$0x3FA9] =	sst s0;
	s0 =	simm.s32 @!p1 $0x0  }
0x14: {  	s2 =	sld [smem:$0x3F8D];
	s0 =	simm.s32 @p1 $0x1  }
0x15: {  	[smem:$0x3FAA] =	sst s0;
	s0 =	simm.s32 @!p2 $0x0  }
0x16: {  	s3 =	sld [smem:$0x3FDB];
	s0 =	simm.s32 @p2 $0x1  }
0x17: {  	s4 =	simm.s32 $0x1BF5;
	[smem:$0x3FAC] =	sst s0  }
0x18: {  	s0 =	sld [smem:$0x3F8F];
	_ =	swait.ge [sflag:s4], $0x0  }
0x19: {  	s7 =	sld [smem:$0x3F90]  }
0x1a: {  	s8 =	sadd.s32 $0xFFFFE003, lr  }
0x1b: {  	s9 =	sadd.s32 $0xFFFFFEF7, lr;
	s5 =	simm.s32 $0xFFFFFFFF;
	p2 =	slt.u32 s8, $0xFFFFF086  }
0x1c: {  	p1 =	slt.u32 s9, $0xF7A;
	s5 =	simm.s32 @!p2 $0x0  }
0x1d: {  	s5 =	simm.s32 @p1 $0x1;
	p0 =	seq.s32 s7, s2  }
0x1e: {  	s7 =	smul.u32 @!p0 $0xF7A, s2;
	p2 =	seq.s32 @!p0 s5, $0x0  }
0x1f: {  	s9 =	smul.u32 $0xF7A, s1;
	s8 =	simm.s32 @!p0 $0x1BF5;
	p2 =	por !p2, p0  }
0x20: {  	[sflag:s8] =	ssyncset.s32 @!p0 $0xFFFFF086;
	s6 =	sadd.s32 @!p0 s3, s7;
	s7 =	simm.s32 @!p0 $0x108  }
0x21: {  	s3 =	sadd.s32 s3, s9;
	s6 =	sadd.s32 @!p0 $0x88, s6;
	s7 =	simm.s32 @p2 $0x1082  }
0x22: {  	[simem:s7], [sflag:s8] =	dma.local @!p0 [hbm:s6], $0xF7A  }
0x23: {  	s9 =	sor.u32 $0xD0000000, s2;
	s6 =	simm.s32 $0x108;
	_ =	swait.ge @!p0 [sflag:s8], $0x0  }
0x24: {  	s3 =	sadd.s32 $0x88, s3;
	s6 =	simm.s32 @!p1 $0x1082;
	[sflag:s4] =	ssyncset.s32 $0xFFFFF086  }
0x25: {  	[simem:s6], [sflag:s4] =	dma.local [hbm:s3], $0xF7A  }
0x26: {  	[smem:$0x3F90] =	sst s1;
	(tag) =	ssettag s2;
	_ =	strace s9  }
0x27: {  	s1 =	sld [smem:$0x3FA0]  }
0x28: {  	s2 =	sld [smem:$0x3FA1]  }
0x29: {  	s4 =	sld [smem:$0x3FA3]  }
0x2a: {  	p0 =	seq.s32 s5, $0x0;
	s5 =	sld [smem:$0x3FA4]  }
0x2b: {  	s6 =	sld [smem:$0x3FA5]  }
0x2c: {  	s7 =	sld [smem:$0x3FA6]  }
0x2d: {  	s3 =	simm.s32 $0x108;
	s8 =	sld [smem:$0x3FA7]  }
0x2e: {  	s3 =	simm.s32 @!p0 $0x1082;
	s9 =	sld [smem:$0x3FA8]  }
0x2f: {  	lr =	sadd.s32 s0, s3;
	s0 =	sld [smem:$0x3F9F]  }
0x30: {  	s3 =	sld [smem:$0x3FA2]  }
0x31: {  	[smem:$0x3FAB] =	sst s10  }
0x32: {  	s10 =	sld [smem:$0x3FA9];
	_ =	sdelay $0x3  }
0x33: {  	p0 =	seq.s32 s10, $0x1;
	s10 =	sld [smem:$0x3FAB];
	_ =	sdelay $0x3  }
0x34: {  	[smem:$0x3FAB] =	sst s10  }
0x35: {  	s10 =	sld [smem:$0x3FAA];
	_ =	sdelay $0x3  }
0x36: {  	p1 =	seq.s32 s10, $0x1;
	s10 =	sld [smem:$0x3FAB];
	_ =	sdelay $0x3  }
0x37: {  	[smem:$0x3FAB] =	sst s10  }
0x38: {  	s10 =	sld [smem:$0x3FAC]  }
0x39: {  	_ = 	snop;
	(pc) =	sbr.ind lr, $3  }
0x3a: {  	_ = 	snop  }
0x3b: {  	_ = 	snop  }
0x3c: {  	p2 =	seq.s32 s10, $0x1;
	s10 =	sld [smem:$0x3FAB]  }
0x3d: {  	_ =	shalt  }
0x3e: {  	_ =	shalt  }
0x3f: {  	_ =	shalt  }
0x40: {  	_ =	shalt  }
0x41: {  	_ =	shalt  }
0x42: {  	_ =	shalt  }
0x43: {  	_ =	shalt  }
0x44: {  	_ =	shalt  }
0x45: {  	_ =	shalt  }
0x46: {  	_ =	shalt  }
0x47: {  	_ =	shalt  }
0x48: {  	_ =	shalt  }
0x49: {  	_ =	shalt  }
0x4a: {  	_ =	shalt  }
0x4b: {  	_ =	shalt  }
0x4c: {  	_ =	shalt  }
0x4d: {  	_ =	shalt  }
0x4e: {  	_ =	shalt  }
0x4f: {  	_ =	shalt  }
0x50: {  	_ =	shalt  }
0x51: {  	_ =	shalt  }
0x52: {  	_ =	shalt  }
0x53: {  	_ =	shalt  }
0x54: {  	_ =	shalt  }
0x55: {  	_ =	shalt  }
0x56: {  	_ =	shalt  }
0x57: {  	_ =	shalt  }
0x58: {  	_ =	shalt  }
0x59: {  	_ =	shalt  }
0x5a: {  	_ =	shalt  }
0x5b: {  	_ =	shalt  }
0x5c: {  	_ =	shalt  }
0x5d: {  	_ =	shalt  }
0x5e: {  	_ =	shalt  }
0x5f: {  	_ =	shalt  }
0x60: {  	_ =	shalt  }
0x61: {  	_ =	shalt  }
0x62: {  	_ =	shalt  }
0x63: {  	_ =	shalt  }
0x64: {  	_ =	shalt  }
0x65: {  	_ =	shalt  }
0x66: {  	_ =	shalt  }
0x67: {  	_ =	shalt  }
0x68: {  	_ =	shalt  }
0x69: {  	_ =	shalt  }
0x6a: {  	_ =	shalt  }
0x6b: {  	_ =	shalt  }
0x6c: {  	_ =	shalt  }
0x6d: {  	_ =	shalt  }
0x6e: {  	_ =	shalt  }
0x6f: {  	_ =	shalt  }
0x70: {  	_ =	shalt  }
0x71: {  	_ =	shalt  }
0x72: {  	_ =	shalt  }
0x73: {  	_ =	shalt  }
0x74: {  	_ =	shalt  }
0x75: {  	_ =	shalt  }
0x76: {  	_ =	shalt  }
0x77: {  	_ =	shalt  }
0x78: {  	_ =	shalt  }
0x79: {  	_ =	shalt  }
0x7a: {  	_ =	shalt  }
0x7b: {  	_ =	shalt  }
0x7c: {  	_ =	shalt  }
0x7d: {  	_ =	shalt  }
0x7e: {  	_ =	shalt  }
0x7f: {  	_ =	shalt  }
0x80: {  	_ =	shalt  }
0x81: {  	_ =	shalt  }
0x82: {  	_ =	shalt  }
0x83: {  	_ =	shalt  }
0x84: {  	_ =	shalt  }
0x85: {  	_ =	shalt  }
0x86: {  	_ =	shalt  }
0x87: {  	_ =	shalt  }
.Lfunc_end0:
.L_simem_size_0:
called_computation.2_lowered:
.L_overlay_start_0:
0x88: {  	s2 =	sld [smem:$0x3FD9]  }
0x89: {  	s3 =	sld [smem:$0x3FFE];
	_ =	sdelay $0x1  }
0x8a: {  	s1 =	srdreg.scid  }
0x8b: {  	s0 =	sand.u32 $0x1, s1  }
0x8c: {  	s14 =	sshll.u32 s0, $0xA;
	s2 =	sadd.s32 s3, s2  }
0x8d: {  	s2 =	sadd.s32 s2, s14  }
0x8e: {  	[smem:$0x3FB7] =	sst s2  }
0x8f: {  	_ = 	snop  }
0x90: {  	s2 =	sld [smem:$0x3FD0];
	_ =	sdelay $0x2  }
0x91: {  	s15 =	simm.s32 $0xA;
	s4 =	simm.s32 $0x10  }
0x92: {  	[smem:s4], [sflag:s15] =	dma.local [hbm:s2], $0x1  }
0x93: {  	_ =	swait.eq [sflag:s15], $0x1  }
0x94: {  	[sflag:s15] =	ssyncset.done $0x0  }
0x95: {  	s16 =	sld [smem:$0x10];
	[sflag:s15] =	ssyncadd.s32 $0xFFFFFFFF  }
0x96: {  	s17 =	sld [smem:$0x11];
	(tm) =	ssettm $0x1  }
0x97: {  	s18 =	sld [smem:$0x3FFB];
	_ =	sdelay $0x3  }
0x98: {  	_ =	strace s18  }
0x99: {  	s4 =	sld [smem:$0x3FFC];
	_ =	sdelay $0x3  }
0x9a: {  	_ =	strace s4  }
0x9b: {  	s4 =	sld [smem:$0x3FFD];
	_ =	sdelay $0x3  }
0x9c: {  	_ =	strace s4  }
0x9d: {  	_ =	strace $0x8FFFFFFF  }
0x9e: {  	s19 =	sld [smem:$0x3FDB];
	_ =	sdelay $0x1  }
0x9f: {  	s5 =	simm.s32 $_scs_section_size  }
0xa0: {  	s6 =	simm.s32 $_size__tile_overlayer_lowered;
	s7 =	simm.s32 $_tile_overlayer_lowered  }
0xa1: {  	s22 =	simm.s32 $0x1BFF;
	s21 =	sshll.u32 s7, $0x1;
	s4 =	sadd.s32 s5, s19  }
0xa2: {  	s8 =	simm.s32 $0x0;
	s20 =	sshll.u32 s6, $0x1;
	s6 =	sadd.s32 s21, s4  }
0xa3: {  	[timem:s8], [sflag:s22] =	dma.local [hbm:s6], s20  }
0xa4: {  	_ =	swait.ge [sflag:s22], s20  }
0xa5: {  	s5 =	ssub.s32 $0x0, s20;
	[sflag:s22] =	ssyncset.done $0x0  }
0xa6: {  	[sflag:s22] =	ssyncadd.s32 s5;
	_ =	sdelay $0x1  }
0xa7: {  	s23 =	simm.s32 $0x1B8B  }
0xa8: {  	_ =	swait.ge [sflag:s23], $0x1  }
0xa9: {  	[sflag:s23] =	ssyncset.done $0x0  }
0xaa: {  	s25 =	simm.s32 $0x1B8E;
	s24 =	sld [smem:$0x3FFE];
	[sflag:s23] =	ssyncadd.s32 $0xFFFFFFFF  }
0xab: {  	s26 =	simm.s32 $execute0_lowered;
	[smem:$0x3FD2] =	sst s25  }
0xac: {  	s6 =	sshll.u32 s26, $0x1;
	_ =	strace $0x8000004C;
	[dreg:$0x1] =	wrdreg $0xFFFFFFFF  }
0xad: {  	s28 =	simm.s32 $_size_execute0_lowered;
	s4 =	sadd.s32 s4, s6;
	[dreg:$0x0] =	wrdreg $0x0  }
0xae: {  	s6 =	sshll.u32 s28, $0x1;
	[dreg:$0x2] =	wrdreg s4  }
0xaf: {  	[dreg:$0x3] =	wrdreg s6  }
0xb0: {  	[dreg:$0x4] =	wrdreg $0xC0  }
0xb1: {  	_ =	task [dreg:s8], $0x5FFFF  }
0xb2: {  	[dreg:$0x1] =	wrdreg $0xFFFFFFFF  }
0xb3: {  	[dreg:$0x0] =	wrdreg $0x60  }
0xb4: {  	[dreg:$0x2] =	wrdreg s24  }
0xb5: {  	[dreg:$0x3] =	wrdreg s17  }
0xb6: {  	[dreg:$0x4] =	wrdreg s16  }
0xb7: {  	[dreg:$0x5] =	wrdreg $0x9  }
0xb8: {  	_ =	task.clear_ibuf [dreg:s8], $0x6FFFF;
	_ =	strace $0x9000004C  }
0xb9: {  	s29 =	simm.s32 $0x9;
	_ =	strace $0x8000004E  }
0xba: {  	_ =	swait.ge [sflag:s29], $0x1  }
0xbb: {  	[sflag:s29] =	ssyncadd.s32 $0xFFFFFFFF  }
0xbc: {  	_ =	strace $0x9000004E  }
0xbd: {  	_ =	sfence  }
0xbe: {  	s30 =	sld [smem:$0x0];
	_ =	sdelay $0x2  }
0xbf: {  	s31 =	sshll.u32 s1, $0xD;
	s1 =	sshrl.u32 s1, $0x2  }
0xc0: {  	s3 =	sand.u32 $0x4000, s31;
	s1 =	sadd.s32 s1, s30  }
0xc1: {  	s0 =	sor.u32 s3, s0;
	s1 =	sshll.u32 s1, $0x11  }
0xc2: {  	s0 =	sor.u32 s1, s0  }
0xc3: {  	s0 =	sadd.s32 $0x8F2B, s0  }
0xc4: {  	[sflag:s0] =	ssyncadd.remote.s32 $0x1  }
0xc5: {  	_ =	sfence.sel $0xFFFF  }
0xc6: {  	[dreg:$0x0] =	wrdreg $0xFFFFFFFF;
	(pc) =	sbr.abs _section_cstart, $3  }
0xc7: {  	[dreg:$0x1] =	wrdreg $0xFFFFFFFF  }
0xc8: {  	_ =	task.clear_ibuf [dreg:s8], $0x2FFFF;
	_ =	strace $0x9FFFFFFF  }
0xc9: {  	(tm) =	ssettm $0x7FFFFFFF  }
tec
execute0_lowered:
.L_overlay_start_1:
0x0: {  	(tag) =	ssettag $0x1  }
0x1: {  	v0 =	vimm.s32 $0xEDCBA987;
	v1 =	vimm.s32 $0x65432100  }
0x2: {  	v2 =	vimm.s32 $0xDCBA9876;
	v3 =	vimm.s32 $0x54321000;
	v4 =	vimm.s32 $0xBA987654  }
0x3: {  	v5 =	vimm.s32 $0xE40000;
	v6 =	vimm.s32 $0xFFEDCBA9;
	v0 =	vunpack.c.l.s4.s8 v0  }
0x4: {  	v7 =	vimm.s32 $0x87654321;
	vm0 =	vcmask $0x3F04;
	v1 =	vunpack.c.l.s4.s8 v1  }
0x5: {  	vm3 =	vcmask $0x3F30;
	v2 =	vunpack.c.l.s4.s8 v2;
	v0 =	vunpack.c.0.s8.s32 v0  }
0x6: {  	s4 =	rddreg [dreg:$0x0];
	s2 =	srdreg.scid;
	vm1 =	vcmask $0x3F08;
	v3 =	vunpack.c.l.s4.s8 v3;
	v1 =	vunpack.c.0.s8.s32 v1  }
0x7: {  	s0 =	stileid.u32;
	s1 =	rddreg [dreg:$0x1];
	v4 =	vunpack.c.l.s4.s8 v4;
	v2 =	vunpack.c.0.s8.s32 v2;
	v0 =	vand.u32 $0xF, v0  }
0x8: {  	s7 =	rddreg [dreg:$0x2];
	s3 =	simm.s32 $0x0;
	s11 =	simm.s32 $0x4E20;
	v0 =	vcombine.low v1, v0;
	v1 =	vunpack.c.0.s8.s32 v3;
	v3 =	vimm.s32 $0x32100000  }
0x9: {  	s12 =	simm.s32 $0xC530;
	s5 =	sand.u32 $0x1, s2;
	s30 =	sshll.u32 s0, $0x1;
	v5 =	vunpack.c.l.s2.s4 v5;
	v6 =	vunpack.c.l.s4.s8 v6;
	v3 =	vunpack.c.l.s4.s8 v3  }
0xa: {  	s13 =	simm.s32 $0xC540;
	s14 =	simm.s32 $0x9D30;
	v7 =	vunpack.c.l.s4.s8 v7;
	s6 =	sor.u32 s5, s30;
	v4 =	vunpack.c.0.s8.s32 v4;
	v2 =	vand.u32 $0xF, v2  }
0xb: {  	s15 =	simm.s32 $0x7620;
	s16 =	simm.s32 $0x0;
	s8 =	smul.u32 $0x4E2, s6;
	v1 =	vcombine.low v1, v2;
	v2 =	vunpack.c.0.s8.s32 v3;
	v3 =	vunpack.c.l.s4.s8 v5  }
0xc: {  	[smem:$0x7FF] =	sst s3;
	s5 =	ssub.s32 $0x2, s5;
	s9 =	smul.u32 $0x500, s6;
	v4 =	vand.u32 $0xF, v4;
	v5 =	vunpack.c.0.s8.s32 v6;
	v6 =	vunpack.c.0.s8.s32 v7  }
0xd: {  	s2 =	rddreg [dreg:$0x3];
	_ =	strace $0x8000004D;
	s31 =	sshrl.u32 s5, $0x1;
	v2 =	vcombine.low v2, v4;
	v4 =	vimm.s32 $0x7060504;
	v7 =	vunpack.c.0.s8.s32 v3  }
0xe: {  	vm2 =	vcmask $0x3F10;
	s10 =	ssub.s32 s5, s31;
	s8 =	sadd.s32 s8, s4;
	s7 =	sadd.s32 s7, s9;
	v5 =	vcombine.low v6, v5;
	v4 =	vunpack.c.0.s8.s32 v4  }
0xf: {  	vm4 =	vcmask $0x3F3C;
	s9 =	simm.s32 $0x1;
	s4 =	sadd.s32 $0x16E00, s8;
	s5 =	sadd.s32 $0xD000, s8;
	v3 =	vimm.f32 $0.0e+00;
	v6 =	vand.u32 $0x3, v7  }
0x10: {  	s6 =	sadd.s32 $0x20C00, s8;
	s8 =	smax.u32 s10, $0x1;
	s10 =	simm.s32 $0x2710;
	v5 =	vand.u32 $0xF, v5;
	v4 =	vsel vm3, v4, v6;
	vm3 =	vcmask $0x3F20  }
.LBB2_1:
0x11: {  	[tilespmem:s3], [sflag:$0x1] =	stream.linear.gather [hbm4b:s4+s3], $0x2710, $0x38;
	[tilespmem:$0xC550] =	vst v63  }
0x12: {  	_ =	swait.ge [sflag:s9], $0x2710  }
0x13: {  	[sflag:s9] =	ssyncset.done $0x0  }
0x14: {  	[sflag:s9] =	ssyncadd.s32 $0xFFFFD8F0  }
0x15: {  	[tilespmem:s10], [sflag:$0x1] =	stream.linear.gather [hbm4b:s5+s3], $0x2710, $0x38;
	[tilespmem:$0xC550] =	vst v63  }
0x16: {  	_ =	swait.ge [sflag:s9], $0x2710  }
0x17: {  	[sflag:s9] =	ssyncset.done $0x0  }
0x18: {  	[sflag:s9] =	ssyncadd.s32 $0xFFFFD8F0  }
0x19: {  	[tilespmem:s11], [sflag:$0x1] =	stream.linear.gather [hbm4b:s1+s3], $0x2800, $0x38;
	[tilespmem:$0xC550] =	vst v63  }
0x1a: {  	_ =	swait.ge [sflag:s9], $0x2800  }
0x1b: {  	[sflag:s9] =	ssyncset.done $0x0  }
0x1c: {  	s17 =	simm.s32 $0x0;
	[sflag:s9] =	ssyncadd.s32 $0xFFFFD800  }
.LBB2_2:
0x1d: {  	p0 =	sne.s32 s17, $0x9FC0  }
.Ltmp0:
0x1e: {  	_ = 	snop;
	(pc) =	sbr.rel @p0 .LBB2_2-.Ltmp0, $3  }
0x1f: {  	_ =	sdelay $0x1  }
0x20: {  	s18 =	sshra.s32 s17, $0x2  }
0x21: {  	s17 =	sadd.s32 $0x40, s17;
	[tilespmem:s18+$0x9D30] =	vst v3  }
0x22: {  	s17 =	simm.s32 $0x0  }
.LBB2_4:
0x23: {  	s18 =	sshra.s32 s17, $0x2  }
0x24: {  	v6 =	vld [tilespmem:s18+$0x2710];
	_ =	sdelay $0x6  }
0x25: {  	v7 =	vld [tilespmem:s18+$0x0]  }
0x26: {  	v8 =	vld.idx.msk [tilespmem:v6+s11+$0x0], $0xffff;
	_ =	sdelay $0x4  }
0x27: {  	v7 =	vsub.f32 v7, v8;
	_ =	sdelay $0x1  }
0x28: {  	v7 =	vmul.f32 $1.442695020e+00, v7;
	_ =	sdelay $0x1  }
0x29: {  	(erf) = vpow2.f32 v7;
	_ =	sdelay $0x8  }
0x2a: {  	v6 =	vxor.u32 $0x80000000, v6;
	v7 =	vpop (erf)  }
0x2b: {  	(xrf1) =	vsort.ascd.msk.u32 $0xffff, v6, v7;
	_ =	sdelay $0xd  }
0x2c: {  	[tilespmem:s18+$0x7620] =	vst v7;
	v6, v52, _ =	vpop (xrf1)  }
0x2d: {  	v6 =	vxor.u32 $0x80000000, v6;
	[tilespmem:$0xC540] =	vst v52  }
0x2e: {  	[tilespmem:$0xC530] =	vst v6  }
0x2f: {  	v7 =	vld.idx.msk [tilespmem:v0+s12+$0x0], $0xffff  }
0x30: {  	v9 =	vld.idx.msk [tilespmem:v0+s13+$0x0], $0xffff;
	_ =	sdelay $0x4  }
0x31: {  	vm5 =	veq.s32 v7, v6;
	v7 =	vadd.f32 v9, v52  }
0x32: {  	vm5 =	vmand vm5, vm0  }
0x33: {  	v7 =	vsel vm5, v7, v52  }
0x34: {  	[tilespmem:$0xC540] =	vst v7  }
0x35: {  	v53 =	vld.idx.msk [tilespmem:v1+s12+$0x0], $0xffff  }
0x36: {  	v54 =	vld.idx.msk [tilespmem:v1+s13+$0x0], $0xffff;
	_ =	sdelay $0x4  }
0x37: {  	vm5 =	veq.s32 v53, v6;
	v55 =	vadd.f32 v7, v54  }
0x38: {  	vm5 =	vmand vm5, vm1  }
0x39: {  	v7 =	vsel vm5, v55, v7  }
0x3a: {  	[tilespmem:$0xC540] =	vst v7  }
0x3b: {  	v56 =	vld.idx.msk [tilespmem:v2+s12+$0x0], $0xffff  }
0x3c: {  	v57 =	vld.idx.msk [tilespmem:v2+s13+$0x0], $0xffff;
	_ =	sdelay $0x4  }
0x3d: {  	vm5 =	veq.s32 v56, v6;
	v58 =	vadd.f32 v57, v7  }
0x3e: {  	vm5 =	vmand vm5, vm2  }
0x3f: {  	v7 =	vsel vm5, v58, v7  }
0x40: {  	[tilespmem:$0xC540] =	vst v7  }
0x41: {  	v59 =	vld.idx.msk [tilespmem:v4+s12+$0x0], $0xffff  }
0x42: {  	v60 =	vld.idx.msk [tilespmem:v4+s13+$0x0], $0xffff;
	_ =	sdelay $0x4  }
0x43: {  	vm5 =	veq.s32 v59, v6;
	v61 =	vadd.f32 v60, v7  }
0x44: {  	vm5 =	vmand vm5, vm3  }
0x45: {  	v7 =	vsel vm5, v61, v7  }
0x46: {  	[tilespmem:$0xC540] =	vst v7  }
0x47: {  	v62 =	vld.idx.msk [tilespmem:v5+s12+$0x0], $0xffff;
	_ =	sdelay $0x4  }
0x48: {  	vm5 =	vne.s32 v62, v6  }
0x49: {  	vm5 =	vmor vm5, vm4;
	_ =	sdelay $0x5  }
0x4a: {  	v63 =	vld.idx.msk [tilespmem:v6+s14+$0x0], vm5;
	_ =	sdelay $0x1  }
0x4b: {  	p0 =	sne.s32 s17, $0x9C00  }
.Ltmp1:
0x4c: {  	_ = 	snop;
	(pc) =	sbr.rel @p0 .LBB2_4-.Ltmp1, $3  }
0x4d: {  	_ = 	snop  }
0x4e: {  	v7 =	vadd.f32 v63, v7;
	_ =	sdelay $0x1  }
0x4f: {  	s17 =	sadd.s32 $0x40, s17;
	[tilespmem:v6+s14+$0x0] =	vst.idx.msk vm5, v7  }
0x50: {  	[hbm4b:s6+s3] =	stream.linear.scatter [tilespmem:s15], [sflag:$0x1], $0x2710, $0x38;
	[tilespmem:$0xC550] =	vst v63  }
0x51: {  	s16 =	sadd.s32 $0x1, s16;
	_ =	swait.ge [sflag:s9], $0x2710  }
0x52: {  	p0 =	sne.s32 s16, s8;
	[sflag:s9] =	ssyncset.done $0x0  }
.Ltmp2:
0x53: {  	[sflag:s9] =	ssyncadd.s32 $0xFFFFD8F0;
	(pc) =	sbr.rel @p0 .LBB2_1-.Ltmp2, $4  }
0x54: {  	[hbm4b:s7+s3] =	stream.linear.scatter [tilespmem:s14], [sflag:$0x1], $0x2800, $0x38;
	[tilespmem:$0xC550] =	vst v63  }
0x55: {  	_ =	swait.ge [sflag:s9], $0x2800  }
0x56: {  	[sflag:s9] =	ssyncset.done $0x0  }
0x57: {  	[sflag:s9] =	ssyncadd.s32 $0xFFFFD800  }
0x58: {  	_ =	sfence.sel $0x180000  }
0x59: {  	[bflag:$0x0] =	sbarrier.arrive $0xFFFF  }
0x5a: {  	p0 =	sne.s32 s0, $0x0;
	_ =	strace $0x9000004D  }
0x5b: {  	s0 =	sadd.s32 @!p0 $0x100000, s2;
	[bflag:$0x2] =	sbarrier.arrive $0xFFFF  }
0x5c: {  	[sflag:s0] =	ssyncadd.tile.s32 @!p0 $0x1;
	_ =	shalt  }
.Lfunc_end2:
_tile_overlayer_lowered:
.L_overlay_start_2:
0x5d: {  	(tag) =	ssettag $0x2  }
0x5e: {  	s0 =	rddreg [dreg:$0x0];
	s2 =	stileid.u32  }
0x5f: {  	s1 =	rddreg [dreg:$0x1];
	p0 =	sne.s32 s2, $0x0  }
0x60: {  	s3 =	rddreg [dreg:$0x2];
	[bflag:$0x3] =	sbarrier.arrive $0xFFFF;
	s2 =	simm.s32 @!p0 $0x1C01  }
0x61: {  	[timem:s3], [sflag:s2] =	dma.local @!p0 [hbm:s0], s1  }
0x62: {  	s0 =	simm.s32 @!p0 $0x1  }
0x63: {  	_ =	swait.ge @!p0 [sflag:s0], s1  }
0x64: {  	s1 =	ssub.s32 @!p0 $0x0, s1;
	[sflag:s0] =	ssyncset.done @!p0 $0x0  }
0x65: {  	[sflag:s0] =	ssyncadd.s32 @!p0 s1  }
0x66: {  	[bflag:$0x3] =	sbarrier.arrive $0xFFFF  }
0x67: {  	_ =	shalt  }

// kernel: kernel.22.cloned.1.call-start
scs
__scs_entry_jumppad:
0x0: {  	(pc) =	sbr.rel $0x88, $3  }
0x1: {  	(tag) =	ssettag $0x0;
	lr =	simm.s32 $0x1  }
0x2: {  	[smem:$0x3F90] =	sst lr;
	_ =	strace $0xD0000000  }
0x3: {  	_ = 	snop  }
0x4: {  	_ = 	snop  }
0x5: {  	_ = 	snop  }
0x6: {  	_ = 	snop  }
0x7: {  	_ = 	snop  }
__scs_overlays_trampoline_lowered:
0x8: {  	[smem:$0x3F9F] =	sst s0  }
0x9: {  	[smem:$0x3FA0] =	sst s1  }
0xa: {  	[smem:$0x3FA1] =	sst s2  }
0xb: {  	[smem:$0x3FA2] =	sst s3  }
0xc: {  	[smem:$0x3FA3] =	sst s4  }
0xd: {  	[smem:$0x3FA4] =	sst s5  }
0xe: {  	[smem:$0x3FA5] =	sst s6  }
0xf: {  	[smem:$0x3FA6] =	sst s7  }
0x10: {  	[smem:$0x3FA7] =	sst s8  }
0x11: {  	[smem:$0x3FA8] =	sst s9;
	s0 =	simm.s32 @!p0 $0x0  }
0x12: {  	s1 =	sld [smem:$0x3F8E];
	s0 =	simm.s32 @p0 $0x1  }
0x13: {  	[smem:$0x3FA9] =	sst s0;
	s0 =	simm.s32 @!p1 $0x0  }
0x14: {  	s2 =	sld [smem:$0x3F8D];
	s0 =	simm.s32 @p1 $0x1  }
0x15: {  	[smem:$0x3FAA] =	sst s0;
	s0 =	simm.s32 @!p2 $0x0  }
0x16: {  	s3 =	sld [smem:$0x3FDB];
	s0 =	simm.s32 @p2 $0x1  }
0x17: {  	s4 =	simm.s32 $0x1BF5;
	[smem:$0x3FAC] =	sst s0  }
0x18: {  	s0 =	sld [smem:$0x3F8F];
	_ =	swait.ge [sflag:s4], $0x0  }
0x19: {  	s7 =	sld [smem:$0x3F90]  }
0x1a: {  	s8 =	sadd.s32 $0xFFFFE003, lr  }
0x1b: {  	s9 =	sadd.s32 $0xFFFFFEF7, lr;
	s5 =	simm.s32 $0xFFFFFFFF;
	p2 =	slt.u32 s8, $0xFFFFF086  }
0x1c: {  	p1 =	slt.u32 s9, $0xF7A;
	s5 =	simm.s32 @!p2 $0x0  }
0x1d: {  	s5 =	simm.s32 @p1 $0x1;
	p0 =	seq.s32 s7, s2  }
0x1e: {  	s7 =	smul.u32 @!p0 $0xF7A, s2;
	p2 =	seq.s32 @!p0 s5, $0x0  }
0x1f: {  	s9 =	smul.u32 $0xF7A, s1;
	s8 =	simm.s32 @!p0 $0x1BF5;
	p2 =	por !p2, p0  }
0x20: {  	[sflag:s8] =	ssyncset.s32 @!p0 $0xFFFFF086;
	s6 =	sadd.s32 @!p0 s3, s7;
	s7 =	simm.s32 @!p0 $0x108  }
0x21: {  	s3 =	sadd.s32 s3, s9;
	s6 =	sadd.s32 @!p0 $0x88, s6;
	s7 =	simm.s32 @p2 $0x1082  }
0x22: {  	[simem:s7], [sflag:s8] =	dma.local @!p0 [hbm:s6], $0xF7A  }
0x23: {  	s9 =	sor.u32 $0xD0000000, s2;
	s6 =	simm.s32 $0x108;
	_ =	swait.ge @!p0 [sflag:s8], $0x0  }
0x24: {  	s3 =	sadd.s32 $0x88, s3;
	s6 =	simm.s32 @!p1 $0x1082;
	[sflag:s4] =	ssyncset.s32 $0xFFFFF086  }
0x25: {  	[simem:s6], [sflag:s4] =	dma.local [hbm:s3], $0xF7A  }
0x26: {  	[smem:$0x3F90] =	sst s1;
	(tag) =	ssettag s2;
	_ =	strace s9  }
0x27: {  	s1 =	sld [smem:$0x3FA0]  }
0x28: {  	s2 =	sld [smem:$0x3FA1]  }
0x29: {  	s4 =	sld [smem:$0x3FA3]  }
0x2a: {  	p0 =	seq.s32 s5, $0x0;
	s5 =	sld [smem:$0x3FA4]  }
0x2b: {  	s6 =	sld [smem:$0x3FA5]  }
0x2c: {  	s7 =	sld [smem:$0x3FA6]  }
0x2d: {  	s3 =	simm.s32 $0x108;
	s8 =	sld [smem:$0x3FA7]  }
0x2e: {  	s3 =	simm.s32 @!p0 $0x1082;
	s9 =	sld [smem:$0x3FA8]  }
0x2f: {  	lr =	sadd.s32 s0, s3;
	s0 =	sld [smem:$0x3F9F]  }
0x30: {  	s3 =	sld [smem:$0x3FA2]  }
0x31: {  	[smem:$0x3FAB] =	sst s10  }
0x32: {  	s10 =	sld [smem:$0x3FA9];
	_ =	sdelay $0x3  }
0x33: {  	p0 =	seq.s32 s10, $0x1;
	s10 =	sld [smem:$0x3FAB];
	_ =	sdelay $0x3  }
0x34: {  	[smem:$0x3FAB] =	sst s10  }
0x35: {  	s10 =	sld [smem:$0x3FAA];
	_ =	sdelay $0x3  }
0x36: {  	p1 =	seq.s32 s10, $0x1;
	s10 =	sld [smem:$0x3FAB];
	_ =	sdelay $0x3  }
0x37: {  	[smem:$0x3FAB] =	sst s10  }
0x38: {  	s10 =	sld [smem:$0x3FAC]  }
0x39: {  	_ = 	snop;
	(pc) =	sbr.ind lr, $3  }
0x3a: {  	_ = 	snop  }
0x3b: {  	_ = 	snop  }
0x3c: {  	p2 =	seq.s32 s10, $0x1;
	s10 =	sld [smem:$0x3FAB]  }
0x3d: {  	_ =	shalt  }
0x3e: {  	_ =	shalt  }
0x3f: {  	_ =	shalt  }
0x40: {  	_ =	shalt  }
0x41: {  	_ =	shalt  }
0x42: {  	_ =	shalt  }
0x43: {  	_ =	shalt  }
0x44: {  	_ =	shalt  }
0x45: {  	_ =	shalt  }
0x46: {  	_ =	shalt  }
0x47: {  	_ =	shalt  }
0x48: {  	_ =	shalt  }
0x49: {  	_ =	shalt  }
0x4a: {  	_ =	shalt  }
0x4b: {  	_ =	shalt  }
0x4c: {  	_ =	shalt  }
0x4d: {  	_ =	shalt  }
0x4e: {  	_ =	shalt  }
0x4f: {  	_ =	shalt  }
0x50: {  	_ =	shalt  }
0x51: {  	_ =	shalt  }
0x52: {  	_ =	shalt  }
0x53: {  	_ =	shalt  }
0x54: {  	_ =	shalt  }
0x55: {  	_ =	shalt  }
0x56: {  	_ =	shalt  }
0x57: {  	_ =	shalt  }
0x58: {  	_ =	shalt  }
0x59: {  	_ =	shalt  }
0x5a: {  	_ =	shalt  }
0x5b: {  	_ =	shalt  }
0x5c: {  	_ =	shalt  }
0x5d: {  	_ =	shalt  }
0x5e: {  	_ =	shalt  }
0x5f: {  	_ =	shalt  }
0x60: {  	_ =	shalt  }
0x61: {  	_ =	shalt  }
0x62: {  	_ =	shalt  }
0x63: {  	_ =	shalt  }
0x64: {  	_ =	shalt  }
0x65: {  	_ =	shalt  }
0x66: {  	_ =	shalt  }
0x67: {  	_ =	shalt  }
0x68: {  	_ =	shalt  }
0x69: {  	_ =	shalt  }
0x6a: {  	_ =	shalt  }
0x6b: {  	_ =	shalt  }
0x6c: {  	_ =	shalt  }
0x6d: {  	_ =	shalt  }
0x6e: {  	_ =	shalt  }
0x6f: {  	_ =	shalt  }
0x70: {  	_ =	shalt  }
0x71: {  	_ =	shalt  }
0x72: {  	_ =	shalt  }
0x73: {  	_ =	shalt  }
0x74: {  	_ =	shalt  }
0x75: {  	_ =	shalt  }
0x76: {  	_ =	shalt  }
0x77: {  	_ =	shalt  }
0x78: {  	_ =	shalt  }
0x79: {  	_ =	shalt  }
0x7a: {  	_ =	shalt  }
0x7b: {  	_ =	shalt  }
0x7c: {  	_ =	shalt  }
0x7d: {  	_ =	shalt  }
0x7e: {  	_ =	shalt  }
0x7f: {  	_ =	shalt  }
0x80: {  	_ =	shalt  }
0x81: {  	_ =	shalt  }
0x82: {  	_ =	shalt  }
0x83: {  	_ =	shalt  }
0x84: {  	_ =	shalt  }
0x85: {  	_ =	shalt  }
0x86: {  	_ =	shalt  }
0x87: {  	_ =	shalt  }
.Lfunc_end0:
.L_simem_size_0:
called_computation.3_lowered:
.L_overlay_start_0:
0x88: {  	s2 =	sld [smem:$0x3FD9]  }
0x89: {  	s3 =	sld [smem:$0x3FFE];
	_ =	sdelay $0x1  }
0x8a: {  	s1 =	srdreg.scid  }
0x8b: {  	s0 =	sand.u32 $0x1, s1  }
0x8c: {  	s14 =	sshll.u32 s0, $0xA;
	s2 =	sadd.s32 s3, s2  }
0x8d: {  	s2 =	sadd.s32 s2, s14  }
0x8e: {  	[smem:$0x3FB7] =	sst s2  }
0x8f: {  	_ = 	snop  }
0x90: {  	s2 =	sld [smem:$0x3FD0];
	_ =	sdelay $0x2  }
0x91: {  	s15 =	simm.s32 $0xA;
	s4 =	simm.s32 $0x10  }
0x92: {  	[smem:s4], [sflag:s15] =	dma.local [hbm:s2], $0x1  }
0x93: {  	_ =	swait.eq [sflag:s15], $0x1  }
0x94: {  	[sflag:s15] =	ssyncset.done $0x0  }
0x95: {  	s16 =	sld [smem:$0x10];
	[sflag:s15] =	ssyncadd.s32 $0xFFFFFFFF  }
0x96: {  	s17 =	sld [smem:$0x11];
	(tm) =	ssettm $0x1  }
0x97: {  	s18 =	sld [smem:$0x3FFB];
	_ =	sdelay $0x3  }
0x98: {  	_ =	strace s18  }
0x99: {  	s4 =	sld [smem:$0x3FFC];
	_ =	sdelay $0x3  }
0x9a: {  	_ =	strace s4  }
0x9b: {  	s4 =	sld [smem:$0x3FFD];
	_ =	sdelay $0x3  }
0x9c: {  	_ =	strace s4  }
0x9d: {  	_ =	strace $0x8FFFFFFF  }
0x9e: {  	s19 =	sld [smem:$0x3FDB];
	_ =	sdelay $0x1  }
0x9f: {  	s5 =	simm.s32 $_scs_section_size  }
0xa0: {  	s6 =	simm.s32 $_size__tile_overlayer_lowered;
	s7 =	simm.s32 $_tile_overlayer_lowered  }
0xa1: {  	s22 =	simm.s32 $0x1BFF;
	s21 =	sshll.u32 s7, $0x1;
	s4 =	sadd.s32 s5, s19  }
0xa2: {  	s8 =	simm.s32 $0x0;
	s20 =	sshll.u32 s6, $0x1;
	s6 =	sadd.s32 s21, s4  }
0xa3: {  	[timem:s8], [sflag:s22] =	dma.local [hbm:s6], s20  }
0xa4: {  	_ =	swait.ge [sflag:s22], s20  }
0xa5: {  	s5 =	ssub.s32 $0x0, s20;
	[sflag:s22] =	ssyncset.done $0x0  }
0xa6: {  	[sflag:s22] =	ssyncadd.s32 s5;
	_ =	sdelay $0x1  }
0xa7: {  	s23 =	simm.s32 $0x1B8B  }
0xa8: {  	_ =	swait.ge [sflag:s23], $0x1  }
0xa9: {  	[sflag:s23] =	ssyncset.done $0x0  }
0xaa: {  	s25 =	simm.s32 $0x1B8E;
	s24 =	sld [smem:$0x3FFE];
	[sflag:s23] =	ssyncadd.s32 $0xFFFFFFFF  }
0xab: {  	s26 =	simm.s32 $execute0_lowered;
	[smem:$0x3FD2] =	sst s25  }
0xac: {  	s6 =	sshll.u32 s26, $0x1;
	_ =	strace $0x8000004F;
	[dreg:$0x1] =	wrdreg $0xFFFFFFFF  }
0xad: {  	s28 =	simm.s32 $_size_execute0_lowered;
	s4 =	sadd.s32 s4, s6;
	[dreg:$0x0] =	wrdreg $0x0  }
0xae: {  	s6 =	sshll.u32 s28, $0x1;
	[dreg:$0x2] =	wrdreg s4  }
0xaf: {  	[dreg:$0x3] =	wrdreg s6  }
0xb0: {  	[dreg:$0x4] =	wrdreg $0xC0  }
0xb1: {  	_ =	task [dreg:s8], $0x5FFFF  }
0xb2: {  	[dreg:$0x1] =	wrdreg $0xFFFFFFFF  }
0xb3: {  	[dreg:$0x0] =	wrdreg $0x60  }
0xb4: {  	[dreg:$0x2] =	wrdreg s24  }
0xb5: {  	[dreg:$0x3] =	wrdreg s17  }
0xb6: {  	[dreg:$0x4] =	wrdreg s16  }
0xb7: {  	[dreg:$0x5] =	wrdreg $0x9  }
0xb8: {  	_ =	task.clear_ibuf [dreg:s8], $0x6FFFF;
	_ =	strace $0x9000004F  }
0xb9: {  	s29 =	simm.s32 $0x9;
	_ =	strace $0x80000051  }
0xba: {  	_ =	swait.ge [sflag:s29], $0x1  }
0xbb: {  	[sflag:s29] =	ssyncadd.s32 $0xFFFFFFFF  }
0xbc: {  	_ =	strace $0x90000051  }
0xbd: {  	_ =	sfence  }
0xbe: {  	s30 =	sld [smem:$0x0];
	_ =	sdelay $0x2  }
0xbf: {  	s31 =	sshll.u32 s1, $0xD;
	s1 =	sshrl.u32 s1, $0x2  }
0xc0: {  	s3 =	sand.u32 $0x4000, s31;
	s1 =	sadd.s32 s1, s30  }
0xc1: {  	s0 =	sor.u32 s3, s0;
	s1 =	sshll.u32 s1, $0x11  }
0xc2: {  	s0 =	sor.u32 s1, s0  }
0xc3: {  	s0 =	sadd.s32 $0x8F2B, s0  }
0xc4: {  	[sflag:s0] =	ssyncadd.remote.s32 $0x1  }
0xc5: {  	_ =	sfence.sel $0xFFFF  }
0xc6: {  	[dreg:$0x0] =	wrdreg $0xFFFFFFFF;
	(pc) =	sbr.abs _section_cstart, $3  }
0xc7: {  	[dreg:$0x1] =	wrdreg $0xFFFFFFFF  }
0xc8: {  	_ =	task.clear_ibuf [dreg:s8], $0x2FFFF;
	_ =	strace $0x9FFFFFFF  }
0xc9: {  	(tm) =	ssettm $0x7FFFFFFF  }
tec
execute0_lowered:
.L_overlay_start_1:
0x0: {  	(tag) =	ssettag $0x1  }
0x1: {  	s4 =	rddreg [dreg:$0x0];
	s1 =	srdreg.scid  }
0x2: {  	s0 =	stileid.u32;
	s2 =	rddreg [dreg:$0x1]  }
0x3: {  	s7 =	rddreg [dreg:$0x2];
	s3 =	simm.s32 $0x0;
	s10 =	simm.s32 $0x2710  }
0x4: {  	s11 =	simm.s32 $0x4E20;
	s5 =	sand.u32 $0x1, s1;
	s30 =	sshll.u32 s0, $0x1  }
0x5: {  	s12 =	simm.s32 $0x7530;
	s13 =	simm.s32 $0x9D30;
	s6 =	sor.u32 s5, s30  }
0x6: {  	s1 =	rddreg [dreg:$0x3];
	s5 =	ssub.s32 $0x2, s5;
	s8 =	smul.u32 $0x4E2, s6  }
0x7: {  	s14 =	simm.s32 $0x0;
	[smem:$0x7FF] =	sst s3;
	s31 =	sshrl.u32 s5, $0x1  }
0x8: {  	_ =	strace $0x80000050;
	s9 =	ssub.s32 s5, s31;
	s6 =	sadd.s32 s8, s4  }
0x9: {  	s7 =	sadd.s32 s7, s8;
	s8 =	smax.u32 s9, $0x1;
	s9 =	simm.s32 $0x1  }
0xa: {  	s4 =	sadd.s32 $0x20C00, s6;
	s5 =	sadd.s32 $0x551C00, s6;
	s6 =	sadd.s32 $0xD000, s6  }
.LBB2_1:
0xb: {  	[tilespmem:s3], [sflag:$0x1] =	stream.linear.gather [hbm4b:s4+s3], $0x2710, $0x38;
	[tilespmem:$0xC440] =	vst v63  }
0xc: {  	_ =	swait.ge [sflag:s9], $0x2710  }
0xd: {  	[sflag:s9] =	ssyncset.done $0x0  }
0xe: {  	[sflag:s9] =	ssyncadd.s32 $0xFFFFD8F0  }
0xf: {  	[tilespmem:s10], [sflag:$0x1] =	stream.linear.gather [hbm4b:s5+s3], $0x2710, $0x38;
	[tilespmem:$0xC440] =	vst v63  }
0x10: {  	_ =	swait.ge [sflag:s9], $0x2710  }
0x11: {  	[sflag:s9] =	ssyncset.done $0x0  }
0x12: {  	[sflag:s9] =	ssyncadd.s32 $0xFFFFD8F0  }
0x13: {  	[tilespmem:s11], [sflag:$0x1] =	stream.linear.gather [hbm4b:s6+s3], $0x2710, $0x38;
	[tilespmem:$0xC440] =	vst v63  }
0x14: {  	_ =	swait.ge [sflag:s9], $0x2710  }
0x15: {  	[sflag:s9] =	ssyncset.done $0x0  }
0x16: {  	[sflag:s9] =	ssyncadd.s32 $0xFFFFD8F0  }
0x17: {  	[tilespmem:s12], [sflag:$0x1] =	stream.linear.gather [hbm4b:s2+s3], $0x2800, $0x38;
	[tilespmem:$0xC440] =	vst v63  }
0x18: {  	_ =	swait.ge [sflag:s9], $0x2800  }
0x19: {  	[sflag:s9] =	ssyncset.done $0x0  }
0x1a: {  	s15 =	simm.s32 $0x0;
	[sflag:s9] =	ssyncadd.s32 $0xFFFFD800  }
0x1b: {  	v0 =	vld [tilespmem:s15+$0x4E20];
	_ =	sdelay $0x7  }
0x1c: {  	v1 =	vld.idx.msk [tilespmem:v0+s12+$0x0], $0xffff;
	_ =	sdelay $0x4  }
0x1d: {  	(erf) = vrcp.f32 v1;
	_ =	sdelay $0x3  }
0x1e: {  	v0 =	vld [tilespmem:s15+$0x2710]  }
0x1f: {  	s16 =	simm.s32 $0x10;
	s17 =	simm.s32 $0x80;
	v1 =	vld [tilespmem:s15+$0x0]  }
.LBB2_2:
0x20: {  	p0 =	sne.s32 s17, $0x9C00;
	v2 =	vld [tilespmem:s16+$0x4E20];
	_ =	sdelay $0x2  }
0x21: {  	v3 =	vpop (erf)  }
0x22: {  	v1 =	vmul.f32 v3, v1  }
0x23: {  	vm0 =	vgt.f32 v0, $0.0e+00  }
0x24: {  	v0 =	vnsel vm0, $0x3F800000, v1  }
0x25: {  	[tilespmem:s15+$0x9D30] =	vst v0;
	s15 =	smov.u32 s16  }
0x26: {  	v0 =	vld.idx.msk [tilespmem:v2+s12+$0x0], $0xffff;
	_ =	sdelay $0x5  }
0x27: {  	(erf) = vrcp.f32 v0  }
.Ltmp0:
0x28: {  	(pc) =	sbr.rel @p0 .LBB2_2-.Ltmp0, $3  }
0x29: {  	_ =	sdelay $0x1  }
0x2a: {  	v0 =	vld [tilespmem:s15+$0x2710]  }
0x2b: {  	s16 =	sshra.s32 s17, $0x2;
	s17 =	sadd.s32 $0x40, s17;
	v1 =	vld [tilespmem:s15+$0x0]  }
0x2c: {  	v2 =	vld [tilespmem:s16+$0x4E20];
	_ =	sdelay $0x2  }
0x2d: {  	v3 =	vpop (erf)  }
0x2e: {  	v1 =	vmul.f32 v3, v1  }
0x2f: {  	vm0 =	vgt.f32 v0, $0.0e+00  }
0x30: {  	v0 =	vnsel vm0, $0x3F800000, v1  }
0x31: {  	[tilespmem:s15+$0x9D30] =	vst v0  }
0x32: {  	v0 =	vld.idx.msk [tilespmem:v2+s12+$0x0], $0xffff;
	_ =	sdelay $0x4  }
0x33: {  	(erf) = vrcp.f32 v0;
	_ =	sdelay $0x4  }
0x34: {  	v61 =	vld [tilespmem:s16+$0x0]  }
0x35: {  	v62 =	vld [tilespmem:s16+$0x2710];
	_ =	sdelay $0x2  }
0x36: {  	v63 =	vpop (erf)  }
0x37: {  	v0 =	vmul.f32 v63, v61  }
0x38: {  	s14 =	sadd.s32 $0x1, s14;
	vm15 =	vgt.f32 v62, $0.0e+00  }
0x39: {  	p0 =	sne.s32 s14, s8;
	v0 =	vnsel vm15, $0x3F800000, v0  }
.Ltmp1:
0x3a: {  	[tilespmem:s16+$0x9D30] =	vst v0;
	(pc) =	sbr.rel @p0 .LBB2_1-.Ltmp1, $4  }
0x3b: {  	[hbm4b:s7+s3] =	stream.linear.scatter [tilespmem:s13], [sflag:$0x1], $0x2710, $0x38;
	[tilespmem:$0xC440] =	vst v63  }
0x3c: {  	_ =	swait.ge [sflag:s9], $0x2710  }
0x3d: {  	[sflag:s9] =	ssyncset.done $0x0  }
0x3e: {  	[sflag:s9] =	ssyncadd.s32 $0xFFFFD8F0  }
0x3f: {  	_ =	sfence.sel $0x180000  }
0x40: {  	[bflag:$0x0] =	sbarrier.arrive $0xFFFF  }
0x41: {  	p0 =	sne.s32 s0, $0x0;
	_ =	strace $0x90000050  }
0x42: {  	s0 =	sadd.s32 @!p0 $0x100000, s1;
	[bflag:$0x2] =	sbarrier.arrive $0xFFFF  }
0x43: {  	[sflag:s0] =	ssyncadd.tile.s32 @!p0 $0x1;
	_ =	shalt  }
.Lfunc_end2:
_tile_overlayer_lowered:
.L_overlay_start_2:
0x44: {  	(tag) =	ssettag $0x2  }
0x45: {  	s0 =	rddreg [dreg:$0x0];
	s2 =	stileid.u32  }
0x46: {  	s1 =	rddreg [dreg:$0x1];
	p0 =	sne.s32 s2, $0x0  }
0x47: {  	s3 =	rddreg [dreg:$0x2];
	[bflag:$0x3] =	sbarrier.arrive $0xFFFF;
	s2 =	simm.s32 @!p0 $0x1C01  }
0x48: {  	[timem:s3], [sflag:s2] =	dma.local @!p0 [hbm:s0], s1  }
0x49: {  	s0 =	simm.s32 @!p0 $0x1  }
0x4a: {  	_ =	swait.ge @!p0 [sflag:s0], s1  }
0x4b: {  	s1 =	ssub.s32 @!p0 $0x0, s1;
	[sflag:s0] =	ssyncset.done @!p0 $0x0  }
0x4c: {  	[sflag:s0] =	ssyncadd.s32 @!p0 s1  }
0x4d: {  	[bflag:$0x3] =	sbarrier.arrive $0xFFFF  }
0x4e: {  	_ =	shalt  }

// kernel: kernel.25.cloned.1.call-start
scs
__scs_entry_jumppad:
0x0: {  	(pc) =	sbr.rel $0x88, $3  }
0x1: {  	(tag) =	ssettag $0x0;
	lr =	simm.s32 $0x1  }
0x2: {  	[smem:$0x3F90] =	sst lr;
	_ =	strace $0xD0000000  }
0x3: {  	_ = 	snop  }
0x4: {  	_ = 	snop  }
0x5: {  	_ = 	snop  }
0x6: {  	_ = 	snop  }
0x7: {  	_ = 	snop  }
__scs_overlays_trampoline_lowered:
0x8: {  	[smem:$0x3F9F] =	sst s0  }
0x9: {  	[smem:$0x3FA0] =	sst s1  }
0xa: {  	[smem:$0x3FA1] =	sst s2  }
0xb: {  	[smem:$0x3FA2] =	sst s3  }
0xc: {  	[smem:$0x3FA3] =	sst s4  }
0xd: {  	[smem:$0x3FA4] =	sst s5  }
0xe: {  	[smem:$0x3FA5] =	sst s6  }
0xf: {  	[smem:$0x3FA6] =	sst s7  }
0x10: {  	[smem:$0x3FA7] =	sst s8  }
0x11: {  	[smem:$0x3FA8] =	sst s9;
	s0 =	simm.s32 @!p0 $0x0  }
0x12: {  	s1 =	sld [smem:$0x3F8E];
	s0 =	simm.s32 @p0 $0x1  }
0x13: {  	[smem:$0x3FA9] =	sst s0;
	s0 =	simm.s32 @!p1 $0x0  }
0x14: {  	s2 =	sld [smem:$0x3F8D];
	s0 =	simm.s32 @p1 $0x1  }
0x15: {  	[smem:$0x3FAA] =	sst s0;
	s0 =	simm.s32 @!p2 $0x0  }
0x16: {  	s3 =	sld [smem:$0x3FDB];
	s0 =	simm.s32 @p2 $0x1  }
0x17: {  	s4 =	simm.s32 $0x1BF5;
	[smem:$0x3FAC] =	sst s0  }
0x18: {  	s0 =	sld [smem:$0x3F8F];
	_ =	swait.ge [sflag:s4], $0x0  }
0x19: {  	s7 =	sld [smem:$0x3F90]  }
0x1a: {  	s8 =	sadd.s32 $0xFFFFE003, lr  }
0x1b: {  	s9 =	sadd.s32 $0xFFFFFEF7, lr;
	s5 =	simm.s32 $0xFFFFFFFF;
	p2 =	slt.u32 s8, $0xFFFFF086  }
0x1c: {  	p1 =	slt.u32 s9, $0xF7A;
	s5 =	simm.s32 @!p2 $0x0  }
0x1d: {  	s5 =	simm.s32 @p1 $0x1;
	p0 =	seq.s32 s7, s2  }
0x1e: {  	s7 =	smul.u32 @!p0 $0xF7A, s2;
	p2 =	seq.s32 @!p0 s5, $0x0  }
0x1f: {  	s9 =	smul.u32 $0xF7A, s1;
	s8 =	simm.s32 @!p0 $0x1BF5;
	p2 =	por !p2, p0  }
0x20: {  	[sflag:s8] =	ssyncset.s32 @!p0 $0xFFFFF086;
	s6 =	sadd.s32 @!p0 s3, s7;
	s7 =	simm.s32 @!p0 $0x108  }
0x21: {  	s3 =	sadd.s32 s3, s9;
	s6 =	sadd.s32 @!p0 $0x88, s6;
	s7 =	simm.s32 @p2 $0x1082  }
0x22: {  	[simem:s7], [sflag:s8] =	dma.local @!p0 [hbm:s6], $0xF7A  }
0x23: {  	s9 =	sor.u32 $0xD0000000, s2;
	s6 =	simm.s32 $0x108;
	_ =	swait.ge @!p0 [sflag:s8], $0x0  }
0x24: {  	s3 =	sadd.s32 $0x88, s3;
	s6 =	simm.s32 @!p1 $0x1082;
	[sflag:s4] =	ssyncset.s32 $0xFFFFF086  }
0x25: {  	[simem:s6], [sflag:s4] =	dma.local [hbm:s3], $0xF7A  }
0x26: {  	[smem:$0x3F90] =	sst s1;
	(tag) =	ssettag s2;
	_ =	strace s9  }
0x27: {  	s1 =	sld [smem:$0x3FA0]  }
0x28: {  	s2 =	sld [smem:$0x3FA1]  }
0x29: {  	s4 =	sld [smem:$0x3FA3]  }
0x2a: {  	p0 =	seq.s32 s5, $0x0;
	s5 =	sld [smem:$0x3FA4]  }
0x2b: {  	s6 =	sld [smem:$0x3FA5]  }
0x2c: {  	s7 =	sld [smem:$0x3FA6]  }
0x2d: {  	s3 =	simm.s32 $0x108;
	s8 =	sld [smem:$0x3FA7]  }
0x2e: {  	s3 =	simm.s32 @!p0 $0x1082;
	s9 =	sld [smem:$0x3FA8]  }
0x2f: {  	lr =	sadd.s32 s0, s3;
	s0 =	sld [smem:$0x3F9F]  }
0x30: {  	s3 =	sld [smem:$0x3FA2]  }
0x31: {  	[smem:$0x3FAB] =	sst s10  }
0x32: {  	s10 =	sld [smem:$0x3FA9];
	_ =	sdelay $0x3  }
0x33: {  	p0 =	seq.s32 s10, $0x1;
	s10 =	sld [smem:$0x3FAB];
	_ =	sdelay $0x3  }
0x34: {  	[smem:$0x3FAB] =	sst s10  }
0x35: {  	s10 =	sld [smem:$0x3FAA];
	_ =	sdelay $0x3  }
0x36: {  	p1 =	seq.s32 s10, $0x1;
	s10 =	sld [smem:$0x3FAB];
	_ =	sdelay $0x3  }
0x37: {  	[smem:$0x3FAB] =	sst s10  }
0x38: {  	s10 =	sld [smem:$0x3FAC]  }
0x39: {  	_ = 	snop;
	(pc) =	sbr.ind lr, $3  }
0x3a: {  	_ = 	snop  }
0x3b: {  	_ = 	snop  }
0x3c: {  	p2 =	seq.s32 s10, $0x1;
	s10 =	sld [smem:$0x3FAB]  }
0x3d: {  	_ =	shalt  }
0x3e: {  	_ =	shalt  }
0x3f: {  	_ =	shalt  }
0x40: {  	_ =	shalt  }
0x41: {  	_ =	shalt  }
0x42: {  	_ =	shalt  }
0x43: {  	_ =	shalt  }
0x44: {  	_ =	shalt  }
0x45: {  	_ =	shalt  }
0x46: {  	_ =	shalt  }
0x47: {  	_ =	shalt  }
0x48: {  	_ =	shalt  }
0x49: {  	_ =	shalt  }
0x4a: {  	_ =	shalt  }
0x4b: {  	_ =	shalt  }
0x4c: {  	_ =	shalt  }
0x4d: {  	_ =	shalt  }
0x4e: {  	_ =	shalt  }
0x4f: {  	_ =	shalt  }
0x50: {  	_ =	shalt  }
0x51: {  	_ =	shalt  }
0x52: {  	_ =	shalt  }
0x53: {  	_ =	shalt  }
0x54: {  	_ =	shalt  }
0x55: {  	_ =	shalt  }
0x56: {  	_ =	shalt  }
0x57: {  	_ =	shalt  }
0x58: {  	_ =	shalt  }
0x59: {  	_ =	shalt  }
0x5a: {  	_ =	shalt  }
0x5b: {  	_ =	shalt  }
0x5c: {  	_ =	shalt  }
0x5d: {  	_ =	shalt  }
0x5e: {  	_ =	shalt  }
0x5f: {  	_ =	shalt  }
0x60: {  	_ =	shalt  }
0x61: {  	_ =	shalt  }
0x62: {  	_ =	shalt  }
0x63: {  	_ =	shalt  }
0x64: {  	_ =	shalt  }
0x65: {  	_ =	shalt  }
0x66: {  	_ =	shalt  }
0x67: {  	_ =	shalt  }
0x68: {  	_ =	shalt  }
0x69: {  	_ =	shalt  }
0x6a: {  	_ =	shalt  }
0x6b: {  	_ =	shalt  }
0x6c: {  	_ =	shalt  }
0x6d: {  	_ =	shalt  }
0x6e: {  	_ =	shalt  }
0x6f: {  	_ =	shalt  }
0x70: {  	_ =	shalt  }
0x71: {  	_ =	shalt  }
0x72: {  	_ =	shalt  }
0x73: {  	_ =	shalt  }
0x74: {  	_ =	shalt  }
0x75: {  	_ =	shalt  }
0x76: {  	_ =	shalt  }
0x77: {  	_ =	shalt  }
0x78: {  	_ =	shalt  }
0x79: {  	_ =	shalt  }
0x7a: {  	_ =	shalt  }
0x7b: {  	_ =	shalt  }
0x7c: {  	_ =	shalt  }
0x7d: {  	_ =	shalt  }
0x7e: {  	_ =	shalt  }
0x7f: {  	_ =	shalt  }
0x80: {  	_ =	shalt  }
0x81: {  	_ =	shalt  }
0x82: {  	_ =	shalt  }
0x83: {  	_ =	shalt  }
0x84: {  	_ =	shalt  }
0x85: {  	_ =	shalt  }
0x86: {  	_ =	shalt  }
0x87: {  	_ =	shalt  }
.Lfunc_end0:
.L_simem_size_0:
called_computation.4_lowered:
.L_overlay_start_0:
0x88: {  	s2 =	sld [smem:$0x3FD9]  }
0x89: {  	s3 =	sld [smem:$0x3FFE];
	_ =	sdelay $0x1  }
0x8a: {  	s1 =	srdreg.scid  }
0x8b: {  	s0 =	sand.u32 $0x1, s1  }
0x8c: {  	s16 =	sshll.u32 s0, $0xA;
	s2 =	sadd.s32 s3, s2  }
0x8d: {  	s2 =	sadd.s32 s2, s16  }
0x8e: {  	[smem:$0x3FB7] =	sst s2  }
0x8f: {  	_ = 	snop  }
0x90: {  	(tm) =	ssettm $0x1  }
0x91: {  	s17 =	sld [smem:$0x3FFB];
	_ =	sdelay $0x3  }
0x92: {  	_ =	strace s17  }
0x93: {  	s2 =	sld [smem:$0x3FFC];
	_ =	sdelay $0x3  }
0x94: {  	_ =	strace s2  }
0x95: {  	s2 =	sld [smem:$0x3FFD];
	_ =	sdelay $0x3  }
0x96: {  	_ =	strace s2  }
0x97: {  	_ =	strace $0x8FFFFFFF  }
0x98: {  	s18 =	sld [smem:$0x3FDB];
	_ =	sdelay $0x1  }
0x99: {  	s19 =	simm.s32 $_scs_section_size  }
0x9a: {  	s4 =	simm.s32 $_size__tile_overlayer_lowered;
	s5 =	simm.s32 $_tile_overlayer_lowered  }
0x9b: {  	s22 =	simm.s32 $0x1BFF;
	s21 =	sshll.u32 s5, $0x1;
	s2 =	sadd.s32 s19, s18  }
0x9c: {  	s6 =	simm.s32 $0x0;
	s20 =	sshll.u32 s4, $0x1;
	s4 =	sadd.s32 s21, s2  }
0x9d: {  	[timem:s6], [sflag:s22] =	dma.local [hbm:s4], s20  }
0x9e: {  	_ =	swait.ge [sflag:s22], s20  }
0x9f: {  	s3 =	ssub.s32 $0x0, s20;
	[sflag:s22] =	ssyncset.done $0x0  }
0xa0: {  	[sflag:s22] =	ssyncadd.s32 s3;
	_ =	sdelay $0x1  }
0xa1: {  	s23 =	simm.s32 $0x1B8B  }
0xa2: {  	_ =	swait.ge [sflag:s23], $0x1  }
0xa3: {  	[sflag:s23] =	ssyncset.done $0x0  }
0xa4: {  	s25 =	simm.s32 $0x1B8E;
	s24 =	sld [smem:$0x3FFE];
	[sflag:s23] =	ssyncadd.s32 $0xFFFFFFFF  }
0xa5: {  	s26 =	simm.s32 $execute0_lowered;
	[smem:$0x3FD2] =	sst s25  }
0xa6: {  	s4 =	sshll.u32 s26, $0x1;
	_ =	strace $0x80000052;
	[dreg:$0x1] =	wrdreg $0xFFFFFFFF  }
0xa7: {  	s28 =	simm.s32 $_size_execute0_lowered;
	s2 =	sadd.s32 s2, s4;
	[dreg:$0x0] =	wrdreg $0x0  }
0xa8: {  	s4 =	sshll.u32 s28, $0x1;
	[dreg:$0x2] =	wrdreg s2  }
0xa9: {  	[dreg:$0x3] =	wrdreg s4  }
0xaa: {  	[dreg:$0x4] =	wrdreg $0xC0  }
0xab: {  	_ =	task [dreg:s6], $0x5FFFF  }
0xac: {  	[dreg:$0x1] =	wrdreg $0xFFFFFFFF  }
0xad: {  	[dreg:$0x0] =	wrdreg $0x60  }
0xae: {  	[dreg:$0x2] =	wrdreg s24  }
0xaf: {  	[dreg:$0x3] =	wrdreg $0x50A00  }
0xb0: {  	[dreg:$0x4] =	wrdreg $0x9  }
0xb1: {  	_ =	task.clear_ibuf [dreg:s6], $0x5FFFF;
	_ =	strace $0x90000052  }
0xb2: {  	s29 =	simm.s32 $0x9;
	_ =	strace $0x80000054  }
0xb3: {  	_ =	swait.ge [sflag:s29], $0x1  }
0xb4: {  	[sflag:s29] =	ssyncadd.s32 $0xFFFFFFFF  }
0xb5: {  	_ =	strace $0x90000054  }
0xb6: {  	_ =	sfence  }
0xb7: {  	s30 =	sld [smem:$0x0];
	_ =	sdelay $0x2  }
0xb8: {  	s31 =	sshll.u32 s1, $0xD;
	s1 =	sshrl.u32 s1, $0x2  }
0xb9: {  	s3 =	sand.u32 $0x4000, s31;
	s1 =	sadd.s32 s1, s30  }
0xba: {  	s0 =	sor.u32 s3, s0;
	s1 =	sshll.u32 s1, $0x11  }
0xbb: {  	s0 =	sor.u32 s1, s0  }
0xbc: {  	s0 =	sadd.s32 $0x8F2B, s0  }
0xbd: {  	[sflag:s0] =	ssyncadd.remote.s32 $0x1  }
0xbe: {  	_ =	sfence.sel $0xFFFF  }
0xbf: {  	[dreg:$0x0] =	wrdreg $0xFFFFFFFF;
	(pc) =	sbr.abs _section_cstart, $3  }
0xc0: {  	[dreg:$0x1] =	wrdreg $0xFFFFFFFF  }
0xc1: {  	_ =	task.clear_ibuf [dreg:s6], $0x2FFFF;
	_ =	strace $0x9FFFFFFF  }
0xc2: {  	(tm) =	ssettm $0x7FFFFFFF  }
0xc3: {  	_ =	shalt  }
tec
execute0_lowered:
.L_overlay_start_1:
0x0: {  	(tag) =	ssettag $0x1  }
0x1: {  	s8 =	rddreg [dreg:$0x0]  }
0x2: {  	s1 =	rddreg [dreg:$0x1]  }
0x3: {  	s0 =	rddreg [dreg:$0x2]  }
0x4: {  	s3 =	simm.s32 $0x0;
	s4 =	srdreg.scid;
	s2 =	stileid.u32  }
0x5: {  	s19 =	simm.s32 $0xA0;
	s20 =	simm.s32 $0x2;
	s21 =	simm.s32 $0x50  }
0x6: {  	s22 =	simm.s32 $0x1;
	s23 =	simm.s32 $0x28A0;
	s10 =	smul.u32 $0x13880, s2  }
0x7: {  	[smem:$0x7FF] =	sst s3;
	s9 =	sand.u32 $0x1, s4;
	s13 =	smul.u32 $0x4E200, s2  }
0x8: {  	s4 =	sadd.s32 $0x547E00, s8;
	s5 =	sadd.s32 $0x3EC00, s8;
	s14 =	smul.u32 $0x2710, s2  }
0x9: {  	s6 =	sadd.s32 $0xD000, s8;
	s7 =	sadd.s32 $0x3200, s8;
	s11 =	smul.u32 $0x138800, s9  }
0xa: {  	_ =	strace $0x80000053;
	s12 =	smul.u32 $0x27100, s9;
	s9 =	ssub.s32 $0x2, s9  }
0xb: {  	s30 =	sshrl.u32 s9, $0x1;
	s31 =	sshrl.u32 s13, $0x2;
	s11 =	sadd.s32 s10, s11  }
0xc: {  	s18 =	ssub.s32 s9, s30;
	s16 =	sadd.s32 s31, s1;
	s9 =	sadd.s32 s10, s1  }
0xd: {  	s11 =	sshrl.u32 s11, $0x3;
	s10 =	sadd.s32 $0x2800, s16;
	s13 =	sadd.s32 $0xA000, s16  }
0xe: {  	s15 =	sadd.s32 $0xF000, s16;
	s18 =	smax.u32 s18, $0x1;
	s17 =	sadd.s32 s11, s8  }
0xf: {  	s8 =	sadd.s32 s14, s12;
	s11 =	sadd.s32 $0x5000, s16;
	s12 =	sadd.s32 $0x7800, s16  }
0x10: {  	v0 =	vimm.f32 $0.0e+00;
	s14 =	sadd.s32 $0xC800, s16;
	s16 =	sadd.s32 $0x11800, s16;
	s17 =	sadd.s32 $0x65E00, s17  }
.LBB2_1:
0x11: {  	s24 =	simm.s32 $0x70;
	s25 =	simm.s32 $0x3C0  }
.LBB2_2:
0x12: {  	p0 =	sne.s32 s25, $0x9FC0;
	[tilespmem:s24+$0xA0] =	vst v0  }
0x13: {  	[tilespmem:s24+$0x30] =	vst v0  }
0x14: {  	[tilespmem:s24+$0x40] =	vst v0  }
.Ltmp0:
0x15: {  	[tilespmem:s24+$0x50] =	vst v0;
	(pc) =	sbr.rel @p0 .LBB2_2-.Ltmp0, $4  }
0x16: {  	[tilespmem:s24+$0x60] =	vst v0  }
0x17: {  	[tilespmem:s24+$0x70] =	vst v0  }
0x18: {  	[tilespmem:s24+$0x80] =	vst v0  }
0x19: {  	[tilespmem:s24+$0x90] =	vst v0;
	s24 =	sshra.s32 s25, $0x2;
	s25 =	sadd.s32 $0x200, s25  }
0x1a: {  	[tilespmem:s24+$0xA0] =	vst v0  }
0x1b: {  	[tilespmem:s24+$0x30] =	vst v0  }
0x1c: {  	[tilespmem:s24+$0x40] =	vst v0  }
0x1d: {  	[tilespmem:s24+$0x50] =	vst v0  }
0x1e: {  	[tilespmem:s24+$0x60] =	vst v0  }
0x1f: {  	[tilespmem:s24+$0x70] =	vst v0  }
0x20: {  	[tilespmem:s24+$0x80] =	vst v0  }
0x21: {  	[tilespmem:s24+$0x90] =	vst v0  }
0x22: {  	[spmem:s9] =	stream.linear.scatter [tilespmem:s19], [sflag:$0x2], $0x2800, $0x38;
	[tilespmem:$0x18920] =	vst v63  }
0x23: {  	_ =	swait.ge [sflag:s20], $0x2800  }
0x24: {  	[sflag:s20] =	ssyncset.done $0x0  }
0x25: {  	[sflag:s20] =	ssyncadd.s32 $0xFFFFD800  }
0x26: {  	[spmem:s10] =	stream.linear.scatter [tilespmem:s19], [sflag:$0x2], $0x2800, $0x38;
	[tilespmem:$0x18920] =	vst v63  }
0x27: {  	_ =	swait.ge [sflag:s20], $0x2800  }
0x28: {  	[sflag:s20] =	ssyncset.done $0x0  }
0x29: {  	[sflag:s20] =	ssyncadd.s32 $0xFFFFD800  }
0x2a: {  	[spmem:s11] =	stream.linear.scatter [tilespmem:s19], [sflag:$0x2], $0x2800, $0x38;
	[tilespmem:$0x18920] =	vst v63  }
0x2b: {  	_ =	swait.ge [sflag:s20], $0x2800  }
0x2c: {  	[sflag:s20] =	ssyncset.done $0x0  }
0x2d: {  	[sflag:s20] =	ssyncadd.s32 $0xFFFFD800  }
0x2e: {  	[spmem:s12] =	stream.linear.scatter [tilespmem:s19], [sflag:$0x2], $0x2800, $0x38;
	[tilespmem:$0x18920] =	vst v63  }
0x2f: {  	_ =	swait.ge [sflag:s20], $0x2800  }
0x30: {  	[sflag:s20] =	ssyncset.done $0x0  }
0x31: {  	[sflag:s20] =	ssyncadd.s32 $0xFFFFD800  }
0x32: {  	[spmem:s13] =	stream.linear.scatter [tilespmem:s19], [sflag:$0x2], $0x2800, $0x38;
	[tilespmem:$0x18920] =	vst v63  }
0x33: {  	_ =	swait.ge [sflag:s20], $0x2800  }
0x34: {  	[sflag:s20] =	ssyncset.done $0x0  }
0x35: {  	[sflag:s20] =	ssyncadd.s32 $0xFFFFD800  }
0x36: {  	[spmem:s14] =	stream.linear.scatter [tilespmem:s19], [sflag:$0x2], $0x2800, $0x38;
	[tilespmem:$0x18920] =	vst v63  }
0x37: {  	_ =	swait.ge [sflag:s20], $0x2800  }
0x38: {  	[sflag:s20] =	ssyncset.done $0x0  }
0x39: {  	[sflag:s20] =	ssyncadd.s32 $0xFFFFD800  }
0x3a: {  	[spmem:s15] =	stream.linear.scatter [tilespmem:s19], [sflag:$0x2], $0x2800, $0x38;
	[tilespmem:$0x18920] =	vst v63  }
0x3b: {  	_ =	swait.ge [sflag:s20], $0x2800  }
0x3c: {  	[sflag:s20] =	ssyncset.done $0x0  }
0x3d: {  	[sflag:s20] =	ssyncadd.s32 $0xFFFFD800  }
0x3e: {  	[spmem:s16] =	stream.linear.scatter [tilespmem:s19], [sflag:$0x2], $0x2080, $0x38;
	[tilespmem:$0x18920] =	vst v63  }
0x3f: {  	_ =	swait.ge [sflag:s20], $0x2080  }
0x40: {  	[sflag:s20] =	ssyncset.done $0x0  }
0x41: {  	[sflag:s20] =	ssyncadd.s32 $0xFFFFDF80  }
0x42: {  	s24 =	simm.s32 $0x0;
	s25 =	simm.s32 $0x0;
	[bflag:$0x0] =	sbarrier.arrive $0xFFFF  }
.LBB2_4:
0x43: {  	s26 =	smul.u32 $0x50, s25;
	_ =	sdelay $0x1  }
0x44: {  	s26 =	sadd.s32 s26, s8  }
0x45: {  	s28 =	sshrl.u32 s26, $0x3  }
0x46: {  	s29 =	sadd.s32 s6, s28  }
0x47: {  	[tilespmem:s24], [sflag:$0x2] =	stream.linear.gather [hbm4b:s29+s24], $0x50, $0x38;
	[tilespmem:$0x18920] =	vst v63  }
0x48: {  	_ =	swait.ge [sflag:s20], $0x50  }
0x49: {  	[sflag:s20] =	ssyncset.done $0x0  }
0x4a: {  	s28 =	sadd.s32 s7, s28;
	[sflag:s20] =	ssyncadd.s32 $0xFFFFFFB0  }
0x4b: {  	[tilespmem:s21], [sflag:$0x2] =	stream.linear.gather [hbm4b:s28+s24], $0x50, $0x38;
	[tilespmem:$0x18920] =	vst v63  }
0x4c: {  	_ =	swait.ge [sflag:s20], $0x50  }
0x4d: {  	[sflag:s20] =	ssyncset.done $0x0  }
0x4e: {  	[sflag:s20] =	ssyncadd.s32 $0xFFFFFFB0  }
0x4f: {  	[tilespmem:s19], [sflag:$0x1] =	stream.indirect.gather [hbm4b:s5+s21], $0x80, s24, s21, $0xb8;
	[tilespmem:$0x18920] =	vst v63  }
0x50: {  	_ =	swait.ge [sflag:s22], $0x2800  }
0x51: {  	s26 =	sshll.u32 s26, $0x4;
	[sflag:s22] =	ssyncset.done $0x0  }
0x52: {  	s26 =	sadd.s32 s4, s26;
	[sflag:s22] =	ssyncadd.s32 $0xFFFFD800  }
0x53: {  	[tilespmem:s23], [sflag:$0x2] =	stream.linear.gather [hbm4b:s26+s24], $0x2800, $0x38;
	[tilespmem:$0x18920] =	vst v63  }
0x54: {  	_ =	swait.ge [sflag:s20], $0x2800  }
0x55: {  	[sflag:s20] =	ssyncset.done $0x0  }
0x56: {  	s26 =	simm.s32 $0x0;
	[sflag:s20] =	ssyncadd.s32 $0xFFFFD800  }
0x57: {  	v8 =	vld [tilespmem:s26+$0x28A0]  }
0x58: {  	v12 =	vld [tilespmem:s26+$0x28B0]  }
0x59: {  	v6 =	vld [tilespmem:s26+$0x28C0]  }
0x5a: {  	v5 =	vld [tilespmem:s26+$0x28D0]  }
0x5b: {  	v4 =	vld [tilespmem:s26+$0x28E0]  }
0x5c: {  	v3 =	vld [tilespmem:s26+$0x28F0]  }
0x5d: {  	v2 =	vld [tilespmem:s26+$0x2900]  }
0x5e: {  	v1 =	vld [tilespmem:s26+$0x2910]  }
0x5f: {  	v13 =	vld [tilespmem:s26+$0xA0]  }
0x60: {  	v14 =	vld [tilespmem:s26+$0xB0]  }
0x61: {  	v11 =	vld [tilespmem:s26+$0xC0]  }
0x62: {  	v10 =	vld [tilespmem:s26+$0xD0]  }
0x63: {  	v9 =	vld [tilespmem:s26+$0xE0]  }
0x64: {  	v7 =	vld [tilespmem:s26+$0xF0];
	v13 =	vmul.f32 v8, v13  }
0x65: {  	s28 =	simm.s32 $0x200;
	v12 =	vmul.f32 v12, v14;
	v8 =	vld [tilespmem:s26+$0x100]  }
.LBB2_5:
0x66: {  	s29 =	sshra.s32 s28, $0x2;
	p0 =	sne.s32 s28, $0x9E00;
	[tilespmem:s26+$0xA0] =	vst v13;
	v6 =	vmul.f32 v6, v11;
	v11 =	vld [tilespmem:s26+$0x110]  }
0x67: {  	v13 =	vld [tilespmem:s29+$0x28A0];
	[tilespmem:s26+$0xB0] =	vst v12;
	v5 =	vmul.f32 v5, v10  }
0x68: {  	v12 =	vld [tilespmem:s29+$0x28B0];
	[tilespmem:s26+$0xC0] =	vst v6;
	v4 =	vmul.f32 v4, v9  }
0x69: {  	v6 =	vld [tilespmem:s29+$0x28C0];
	[tilespmem:s26+$0xD0] =	vst v5;
	v3 =	vmul.f32 v3, v7  }
0x6a: {  	v5 =	vld [tilespmem:s29+$0x28D0];
	[tilespmem:s26+$0xE0] =	vst v4;
	v2 =	vmul.f32 v2, v8  }
0x6b: {  	v4 =	vld [tilespmem:s29+$0x28E0];
	[tilespmem:s26+$0xF0] =	vst v3;
	v1 =	vmul.f32 v1, v11  }
0x6c: {  	v3 =	vld [tilespmem:s29+$0x28F0];
	[tilespmem:s26+$0x100] =	vst v2  }
0x6d: {  	v2 =	vld [tilespmem:s29+$0x2900];
	[tilespmem:s26+$0x110] =	vst v1;
	s26 =	smov.u32 s29  }
0x6e: {  	v1 =	vld [tilespmem:s26+$0x2910]  }
0x6f: {  	v7 =	vld [tilespmem:s26+$0xA0]  }
0x70: {  	v8 =	vld [tilespmem:s26+$0xB0]  }
.Ltmp1:
0x71: {  	v11 =	vld [tilespmem:s26+$0xC0];
	(pc) =	sbr.rel @p0 .LBB2_5-.Ltmp1, $4  }
0x72: {  	v10 =	vld [tilespmem:s26+$0xD0]  }
0x73: {  	v9 =	vld [tilespmem:s26+$0xE0]  }
0x74: {  	v13 =	vmul.f32 v13, v7;
	v7 =	vld [tilespmem:s26+$0xF0]  }
0x75: {  	s28 =	sadd.s32 $0x200, s28;
	v12 =	vmul.f32 v12, v8;
	v8 =	vld [tilespmem:s26+$0x100]  }
0x76: {  	[tilespmem:s26+$0xA0] =	vst v13;
	v6 =	vmul.f32 v6, v11;
	v63 =	vld [tilespmem:s26+$0x110]  }
0x77: {  	[tilespmem:s26+$0xB0] =	vst v12;
	v5 =	vmul.f32 v5, v10  }
0x78: {  	[tilespmem:s26+$0xC0] =	vst v6;
	v4 =	vmul.f32 v4, v9  }
0x79: {  	[tilespmem:s26+$0xD0] =	vst v5;
	v3 =	vmul.f32 v3, v7  }
0x7a: {  	[tilespmem:s26+$0xE0] =	vst v4;
	v2 =	vmul.f32 v2, v8  }
0x7b: {  	s25 =	sadd.s32 $0x1, s25;
	[tilespmem:s26+$0xF0] =	vst v3;
	v1 =	vmul.f32 v1, v63  }
0x7c: {  	p0 =	sne.s32 s25, $0x7D;
	[tilespmem:s26+$0x100] =	vst v2  }
.Ltmp2:
0x7d: {  	[tilespmem:s26+$0x110] =	vst v1;
	(pc) =	sbr.rel @p0 .LBB2_4-.Ltmp2, $4  }
0x7e: {  	[spmem:s1] =	stream.indirect.scatter.add.f32 [tilespmem:s19], [sflag:$0x2], $0x80, s21, s21, $0xb8;
	[tilespmem:$0x18920] =	vst v63  }
0x7f: {  	_ =	swait.ge [sflag:s20], $0x2800  }
0x80: {  	[sflag:s20] =	ssyncset.done $0x0  }
0x81: {  	[sflag:s20] =	ssyncadd.s32 $0xFFFFD800  }
0x82: {  	s3 =	sadd.s32 $0x1, s3  }
0x83: {  	s24 =	sshll.u32 s2, $0x6;
	[bflag:$0x0] =	sbarrier.arrive $0xFFFF;
	p0 =	sne.s32 s3, s18  }
.Ltmp3:
0x84: {  	s25 =	sshrl.u32 s9, $0x3;
	s24 =	sor.u32 $0x1C02, s24;
	(pc) =	sbr.rel @p0 .LBB2_1-.Ltmp3, $4  }
0x85: {  	[hbm:s17], [sflag:s24] =	dma.local [spmem:s25], $0x2710  }
0x86: {  	_ =	swait.ge [sflag:s20], $0x2710  }
0x87: {  	[sflag:s20] =	ssyncset.done $0x0  }
0x88: {  	[sflag:s20] =	ssyncadd.s32 $0xFFFFD8F0  }
0x89: {  	_ =	sfence.sel $0x180000  }
0x8a: {  	[bflag:$0x0] =	sbarrier.arrive $0xFFFF  }
0x8b: {  	p0 =	sne.s32 s2, $0x0;
	_ =	strace $0x90000053  }
0x8c: {  	s0 =	sadd.s32 @!p0 $0x100000, s0;
	[bflag:$0x2] =	sbarrier.arrive $0xFFFF  }
0x8d: {  	[sflag:s0] =	ssyncadd.tile.s32 @!p0 $0x1;
	_ =	shalt  }
.Lfunc_end2:
_tile_overlayer_lowered:
.L_overlay_start_2:
0x8e: {  	(tag) =	ssettag $0x2  }
0x8f: {  	s0 =	rddreg [dreg:$0x0];
	s2 =	stileid.u32  }
0x90: {  	s1 =	rddreg [dreg:$0x1];
	p0 =	sne.s32 s2, $0x0  }
0x91: {  	s3 =	rddreg [dreg:$0x2];
	[bflag:$0x3] =	sbarrier.arrive $0xFFFF;
	s2 =	simm.s32 @!p0 $0x1C02  }
0x92: {  	[timem:s3], [sflag:s2] =	dma.local @!p0 [hbm:s0], s1  }
0x93: {  	s0 =	simm.s32 @!p0 $0x2  }
0x94: {  	_ =	swait.ge @!p0 [sflag:s0], s1  }
0x95: {  	s1 =	ssub.s32 @!p0 $0x0, s1;
	[sflag:s0] =	ssyncset.done @!p0 $0x0  }
0x96: {  	[sflag:s0] =	ssyncadd.s32 @!p0 s1  }
0x97: {  	[bflag:$0x3] =	sbarrier.arrive $0xFFFF  }
0x98: {  	_ =	shalt  }

</sc_bundles>
